<compile_context>
chip_gen: v7x
topology: tpu7x:2x2x1
jax: 0.10.2.dev20260603
libtpu: 0.0.44.dev20260713+nightly
codegen_flags: <defaults>
</compile_context>

<pallas_src>
import functools

import jax
import jax.numpy as jnp
import numpy as np
from jax import lax
from jax.experimental import pallas as pl
from jax.experimental.pallas import tpu as pltpu
from jax.experimental.pallas import tpu_sc as plsc

N = 2
LQ = 1360
D_MODEL = 256
N_HEADS = 8
N_LEVELS = 4
N_POINTS = 4
OFFSET_DIM = 16
D_STATE = 8
DT_RANK = 1
SHAPES_STATIC = ((32, 32), (16, 16), (8, 8), (4, 4))
LIN = 1360
HLP = N_HEADS * N_LEVELS * N_POINTS
B_ROWS = N * LQ
BQ = 680
N_BLK = B_ROWS // BQ
B_PAD = 3072
BQP = 768
N_BLK_B = B_PAD // BQP
TOTAL_ROWS = 2 * B_ROWS * HLP
_QROWS_L = [h * (w // 2) for (h, w) in SHAPES_STATIC]
_NH_ROWS = sum(_QROWS_L)
_QOFF_L = np.concatenate([[0], np.cumsum(_QROWS_L)[:-1]]).astype(np.int32)


def _prep_constants():
    j = np.arange(HLP)
    lvl = (j // N_POINTS) % N_LEVELS
    head = j // (N_LEVELS * N_POINTS)
    Wl = np.array([w for (_, w) in SHAPES_STATIC], np.float32)[lvl]
    Hl = np.array([h for (h, _) in SHAPES_STATIC], np.float32)[lvl]
    qoff = _QOFF_L[lvl]
    return lvl, head, Wl, Hl, qoff


_LVL, _HEAD, _WL, _HL, _QOFF = _prep_constants()


def _stage_a_body(q_ref, i_ref, wofft_ref, wvalt_ref, bval_ref,
                  off_ref, val_ref):
    off = jnp.dot(q_ref[...], wofft_ref[...], preferred_element_type=jnp.float32)
    off_ref[...] = off * jax.nn.sigmoid(off)
    val_ref[...] = jnp.dot(i_ref[...], wvalt_ref[...],
                           preferred_element_type=jnp.float32) + bval_ref[...]


def _stage_a(query2, inp2, W_offT, W_valT, b_value):
    return pl.pallas_call(
        _stage_a_body,
        grid=(N_BLK,),
        in_specs=[
            pl.BlockSpec((BQ, D_MODEL), lambda i: (i, 0)),
            pl.BlockSpec((BQ, D_MODEL), lambda i: (i, 0)),
            pl.BlockSpec((D_MODEL, HLP * OFFSET_DIM), lambda i: (0, 0)),
            pl.BlockSpec((D_MODEL, D_MODEL), lambda i: (0, 0)),
            pl.BlockSpec((1, D_MODEL), lambda i: (0, 0)),
        ],
        out_specs=[
            pl.BlockSpec((BQ, HLP * OFFSET_DIM), lambda i: (i, 0)),
            pl.BlockSpec((BQ, D_MODEL), lambda i: (i, 0)),
        ],
        out_shape=[
            jax.ShapeDtypeStruct((B_ROWS, HLP * OFFSET_DIM), jnp.float32),
            jax.ShapeDtypeStruct((B_ROWS, D_MODEL), jnp.float32),
        ],
    )(query2, inp2, W_offT, W_valT, b_value)


def _stage_b_body(x_ref, pt_ref, aux_ref, y_ref):
    dtw = aux_ref[:, 0:1]
    dtb = aux_ref[:, 1:2]
    af = aux_ref[:, 2:3]
    et = aux_ref[:, 3:3 + OFFSET_DIM].T
    pt = pt_ref[...]

    def body(t, h):
        xt = x_ref[t]
        proj = jnp.dot(pt, xt, preferred_element_type=jnp.float32)
        be = proj[0:HLP]
        ce = proj[HLP:2 * HLP]
        ue = proj[2 * HLP:3 * HLP]
        dtr = proj[3 * HLP:4 * HLP]
        delta = jax.nn.softplus(dtr * dtw + dtb)
        da = jnp.exp(delta * af)
        h = da * h + delta * be * ue
        y_ref[t] = jnp.dot(et, h * ce, preferred_element_type=jnp.float32)
        return h

    lax.fori_loop(0, HLP, body, jnp.zeros((HLP, BQP), jnp.float32))


def _stage_b(X, PT, AUX):
    return pl.pallas_call(
        _stage_b_body,
        grid=(N_BLK_B,),
        in_specs=[
            pl.BlockSpec((HLP, OFFSET_DIM, BQP), lambda i: (0, 0, i)),
            pl.BlockSpec((4 * HLP, OFFSET_DIM), lambda i: (0, 0)),
            pl.BlockSpec((HLP, 3 + OFFSET_DIM), lambda i: (0, 0)),
        ],
        out_specs=pl.BlockSpec((HLP, OFFSET_DIM, BQP), lambda i: (0, 0, i)),
        out_shape=jax.ShapeDtypeStruct((HLP, OFFSET_DIM, B_PAD), jnp.float32),
    )(X, PT, AUX)


def _stage_c_body(y2_ref, m_ref, bias_ref, h16_ref, refx_ref, refy_ref,
                  nhb_ref, cst_ref, idx_ref, wgt_ref):
    proj = jnp.dot(y2_ref[...], m_ref[...],
                   preferred_element_type=jnp.float32) + bias_ref[...]
    sx = proj[:, 0:HLP]
    sy = proj[:, HLP:2 * HLP]
    aw = proj[:, 2 * HLP:3 * HLP]
    m = jnp.max(aw, axis=1, keepdims=True)
    e = jnp.exp(aw - m)
    denom = jnp.dot(e, h16_ref[...], preferred_element_type=jnp.float32)
    aws = e / denom
    wl = cst_ref[0:1, :]
    hl = cst_ref[1:2, :]
    x = (refx_ref[...] + sx / wl) * wl - 0.5
    y = (refy_ref[...] + sy / hl) * hl - 0.5
    x0 = jnp.floor(x)
    y0 = jnp.floor(y)
    wx1 = x - x0
    wy1 = y - y0
    nhb = nhb_ref[...]
    wq = wl * 0.5
    vx0 = ((x0 >= 0.0) & (x0 <= wl - 1.0)).astype(jnp.float32)
    vx1 = ((x0 + 1.0 >= 0.0) & (x0 + 1.0 <= wl - 1.0)).astype(jnp.float32)
    wx0p = (1.0 - wx1) * vx0
    wx1p = wx1 * vx1
    q = jnp.clip(jnp.floor(x0 * 0.5), 0.0, wq - 1.0)
    k0 = jnp.clip(x0 - 2.0 * q, 0.0, 3.0).astype(jnp.int32)
    k1 = jnp.clip(x0 + 1.0 - 2.0 * q, 0.0, 3.0).astype(jnp.int32)
    qi = q.astype(jnp.int32)
    wqi = wq.astype(jnp.int32)
    for yc in range(2):
        iy = y0 + float(yc)
        vy = ((iy >= 0.0) & (iy <= hl - 1.0)).astype(jnp.float32)
        iyc = jnp.clip(iy, 0.0, hl - 1.0).astype(jnp.int32)
        idx_ref[yc] = nhb + iyc * wqi + qi
        wy = (wy1 if yc else 1.0 - wy1) * vy * aws
        for k in range(4):
            ck = ((k0 == k).astype(jnp.float32) * wx0p
                  + (k1 == k).astype(jnp.float32) * wx1p)
            wgt_ref[yc * 4 + k] = wy * ck


def _stage_c(Y2, M, bias, H16, refx_e, refy_e, nhb, cst):
    return pl.pallas_call(
        _stage_c_body,
        grid=(N_BLK,),
        in_specs=[
            pl.BlockSpec((BQ, HLP * OFFSET_DIM), lambda i: (i, 0)),
            pl.BlockSpec((HLP * OFFSET_DIM, 3 * HLP), lambda i: (0, 0)),
            pl.BlockSpec((1, 3 * HLP), lambda i: (0, 0)),
            pl.BlockSpec((HLP, HLP), lambda i: (0, 0)),
            pl.BlockSpec((BQ, HLP), lambda i: (i, 0)),
            pl.BlockSpec((BQ, HLP), lambda i: (i, 0)),
            pl.BlockSpec((BQ, HLP), lambda i: (i, 0)),
            pl.BlockSpec((8, HLP), lambda i: (0, 0)),
        ],
        out_specs=[
            pl.BlockSpec((2, BQ, HLP), lambda i: (0, i, 0)),
            pl.BlockSpec((8, BQ, HLP), lambda i: (0, i, 0)),
        ],
        out_shape=[
            jax.ShapeDtypeStruct((2, B_ROWS, HLP), jnp.int32),
            jax.ShapeDtypeStruct((8, B_ROWS, HLP), jnp.float32),
        ],
    )(Y2, M, bias, H16, refx_e, refy_e, nhb, cst)


_NW = 32
_ROWS_PER_W = TOTAL_ROWS // _NW
_CHUNK = 680
_NCHUNK = _ROWS_PER_W // _CHUNK


def _gather_rows(table, idx_flat):
    mesh = plsc.VectorSubcoreMesh(core_axis_name="c", subcore_axis_name="s")

    @functools.partial(
        pl.kernel, mesh=mesh,
        out_type=jax.ShapeDtypeStruct((TOTAL_ROWS, 128), jnp.float32),
        scratch_types=[
            pltpu.VMEM((_CHUNK,), jnp.int32),
            pltpu.VMEM((_CHUNK, 128), jnp.float32),
            pltpu.SemaphoreType.DMA,
        ],
    )
    def gather_k(table_hbm, idx_hbm, out_hbm, idx_v, rows_v, sem):
        wid = lax.axis_index("s") * 2 + lax.axis_index("c")
        base = wid * _ROWS_PER_W
        for k in range(_NCHUNK):
            b = base + k * _CHUNK
            pltpu.sync_copy(idx_hbm.at[pl.ds(b, _CHUNK)], idx_v)
            pltpu.async_copy(table_hbm.at[idx_v], rows_v, sem).wait()
            pltpu.sync_copy(rows_v, out_hbm.at[pl.ds(b, _CHUNK)])

    return gather_k(table, idx_flat)


_BQD = 8


def _stage_d_body(g_ref, wa_ref, wb_ref, out_ref):
    s = None
    for yc in range(2):
        g2 = g_ref[yc].reshape(_BQD * HLP, 128)
        w2 = (wa_ref if yc == 0 else wb_ref)[...]
        for k in range(4):
            gc = g2[:, k * 32:(k + 1) * 32] * w2[:, k:k + 1]
            s = gc if s is None else s + gc
    out_ref[...] = jnp.sum(s.reshape(_BQD * N_HEADS, 16, 32), axis=1)


def _stage_d(G4, w2a, w2b):
    return pl.pallas_call(
        _stage_d_body,
        grid=(B_ROWS // _BQD,),
        in_specs=[
            pl.BlockSpec((2, _BQD, HLP, 128), lambda i: (0, i, 0, 0)),
            pl.BlockSpec((_BQD * HLP, 4), lambda i: (i, 0)),
            pl.BlockSpec((_BQD * HLP, 4), lambda i: (i, 0)),
        ],
        out_specs=pl.BlockSpec((_BQD * N_HEADS, 32), lambda i: (i, 0)),
        out_shape=jax.ShapeDtypeStruct((B_ROWS * N_HEADS, 32), jnp.float32),
    )(G4, w2a, w2b)


def _stage_e_body(r_ref, woutt_ref, bout_ref, out_ref):
    out_ref[...] = jnp.dot(r_ref[...], woutt_ref[...],
                           preferred_element_type=jnp.float32) + bout_ref[...]


def _stage_e(red2, W_outT, b_out):
    return pl.pallas_call(
        _stage_e_body,
        grid=(N_BLK,),
        in_specs=[
            pl.BlockSpec((BQ, D_MODEL), lambda i: (i, 0)),
            pl.BlockSpec((D_MODEL, D_MODEL), lambda i: (0, 0)),
            pl.BlockSpec((1, D_MODEL), lambda i: (0, 0)),
        ],
        out_specs=pl.BlockSpec((BQ, D_MODEL), lambda i: (i, 0)),
        out_shape=jax.ShapeDtypeStruct((B_ROWS, D_MODEL), jnp.float32),
    )(red2, W_outT, b_out)


def kernel(query, reference_points, input_flatten, input_spatial_shapes,
           input_level_start_index, W_value, b_value, W_off, x_proj_w,
           dt_proj_w, dt_proj_b, A_log, W_so, b_so, W_aw, b_aw, W_out, b_out):
    query2 = query.reshape(B_ROWS, D_MODEL)
    inp2 = input_flatten.reshape(B_ROWS, D_MODEL)
    off, value = _stage_a(query2, inp2, W_off.T, W_value.T,
                          b_value.reshape(1, D_MODEL))
    v4 = value.reshape(N, LIN, N_HEADS, 32)
    parts = []
    pos = 0
    for (Hl, Wl) in SHAPES_STATIC:
        vl = v4[:, pos:pos + Hl * Wl].reshape(
            N, Hl, Wl, N_HEADS, 32).transpose(0, 3, 1, 2, 4)
        vp = jnp.pad(vl, ((0, 0), (0, 0), (0, 0), (0, 3), (0, 0)))
        idx_q = (2 * np.arange(Wl // 2)[:, None]
                 + np.arange(4)[None]).astype(np.int32)
        quads = vp[:, :, :, idx_q, :]
        parts.append(quads.reshape(N, N_HEADS, Hl * (Wl // 2), 128))
        pos += Hl * Wl
    table = jnp.concatenate(parts, axis=2).reshape(
        N * N_HEADS * _NH_ROWS, 128)

    jj = np.arange(HLP)
    w_dt = x_proj_w[0]
    Wb = x_proj_w[1:1 + D_STATE].T
    Wc = x_proj_w[1 + D_STATE:].T
    P = jnp.concatenate([
        Wb[:, jj % D_STATE],
        Wc[:, jj % D_STATE],
        jnp.asarray(np.eye(OFFSET_DIM, dtype=np.float32)[:, jj // D_STATE]),
        jnp.broadcast_to(w_dt[:, None], (OFFSET_DIM, HLP)),
    ], axis=1)
    PT = P.T
    A = -jnp.exp(A_log)
    aux = jnp.concatenate([
        dt_proj_w[:, 0][jj // D_STATE][:, None],
        dt_proj_b[jj // D_STATE][:, None],
        A.reshape(-1)[:, None],
        np.eye(OFFSET_DIM, dtype=np.float32)[jj // D_STATE],
    ], axis=1)

    X = off.reshape(B_ROWS, HLP, OFFSET_DIM).transpose(1, 2, 0)
    X = jnp.pad(X, ((0, 0), (0, 0), (0, B_PAD - B_ROWS)))
    Y = _stage_b(X, PT, aux)
    Y2 = Y.transpose(2, 0, 1)[:B_ROWS].reshape(B_ROWS, HLP * OFFSET_DIM)

    Wso = W_so.reshape(HLP, OFFSET_DIM, 2)
    Waw = W_aw.reshape(HLP, OFFSET_DIM)
    eyeh = np.eye(HLP, dtype=np.float32)
    blk = jnp.einsum('jd,jk->jdk', Wso[:, :, 0], eyeh).reshape(
        HLP * OFFSET_DIM, HLP)
    blky = jnp.einsum('jd,jk->jdk', Wso[:, :, 1], eyeh).reshape(
        HLP * OFFSET_DIM, HLP)
    blka = jnp.einsum('jd,jk->jdk', Waw, eyeh).reshape(HLP * OFFSET_DIM, HLP)
    M = jnp.concatenate([blk, blky, blka], axis=1)
    bias = jnp.concatenate([
        b_so.reshape(HLP, 2)[:, 0], b_so.reshape(HLP, 2)[:, 1],
        b_aw.reshape(HLP)])[None]
    H16 = jnp.asarray(
        (jj[:, None] // OFFSET_DIM == jj[None, :] // OFFSET_DIM)
        .astype(np.float32))
    refp = reference_points.reshape(B_ROWS, N_LEVELS, 2)
    refx_e = refp[:, _LVL, 0]
    refy_e = refp[:, _LVL, 1]
    nhb = ((jnp.arange(B_ROWS)[:, None] // LQ) * N_HEADS
           + jnp.asarray(_HEAD)[None]) * _NH_ROWS + jnp.asarray(_QOFF)[None]
    nhb = nhb.astype(jnp.int32)
    cst = jnp.asarray(np.stack([_WL, _HL] + [np.zeros(HLP, np.float32)] * 6))

    idx, wgt = _stage_c(Y2, M, bias, H16, refx_e, refy_e, nhb, cst)
    G = _gather_rows(table, idx.reshape(-1))
    G4 = G.reshape(2, B_ROWS, HLP, 128)
    wT = wgt.transpose(1, 2, 0).reshape(B_ROWS * HLP, 8)
    red = _stage_d(G4, wT[:, :4], wT[:, 4:])
    out = _stage_e(red.reshape(B_ROWS, D_MODEL), W_out.T,
                   b_out.reshape(1, D_MODEL))
    return out.reshape(N, LQ, D_MODEL)

# --- scband reference (transcript-rebuilt; emitter-appended) ---
"""Pipeline reference for scband-msdeform-on-offset-v1-80023830659195 (READ-ONLY COPY).

The authoritative reference and input builder live on the scoring server;
editing this copy changes nothing except your own understanding.
"""

import jax, jax.numpy as jnp
import numpy as np

N = 2
LQ = 1360
D_MODEL = 256
N_HEADS = 8
N_LEVELS = 4
N_POINTS = 4
OFFSET_DIM = 16
D_STATE = 8
DT_RANK = 1
SHAPES = [(32, 32), (16, 16), (8, 8), (4, 4)]


def setup_inputs(seed: int = 0):
    key = jax.random.key(seed)
    ks = jax.random.split(key, 18)
    HLP = N_HEADS * N_LEVELS * N_POINTS
    starts = np.concatenate([[0], np.cumsum([h * w for h, w in SHAPES])[:-1]]).astype(np.int32)
    return {
        "query": jax.random.normal(ks[0], (N, LQ, D_MODEL), jnp.float32),
        "reference_points": jax.random.uniform(ks[1], (N, LQ, N_LEVELS, 2), jnp.float32),
        "input_flatten": jax.random.normal(ks[2], (N, LQ, D_MODEL), jnp.float32),
        "input_spatial_shapes": jnp.array(SHAPES, dtype=jnp.int32),
        "input_level_start_index": jnp.array(starts, dtype=jnp.int32),
        "W_value": jax.random.normal(ks[3], (D_MODEL, D_MODEL), jnp.float32) * 0.04,
        "b_value": jnp.zeros((D_MODEL,), jnp.float32),
        "W_off": jax.random.normal(ks[4], (HLP * OFFSET_DIM, D_MODEL), jnp.float32) * 0.04,
        "x_proj_w": jax.random.normal(ks[5], (DT_RANK + 2 * D_STATE, OFFSET_DIM), jnp.float32) * 0.2,
        "dt_proj_w": jax.random.normal(ks[6], (OFFSET_DIM, DT_RANK), jnp.float32) * 0.5,
        "dt_proj_b": jax.random.normal(ks[7], (OFFSET_DIM,), jnp.float32) * 0.5 - 4.0,
        "A_log": jax.random.normal(ks[8], (OFFSET_DIM, D_STATE), jnp.float32) * 0.5,
        "W_so": jax.random.normal(ks[9], (N_HEADS, N_LEVELS, N_POINTS, OFFSET_DIM, 2), jnp.float32) * 0.1,
        "b_so": jax.random.normal(ks[10], (N_HEADS, N_LEVELS, N_POINTS, 2), jnp.float32) * 0.5,
        "W_aw": jax.random.normal(ks[11], (N_HEADS, N_LEVELS, N_POINTS, OFFSET_DIM, 1), jnp.float32) * 0.1,
        "b_aw": jax.random.normal(ks[12], (N_HEADS, N_LEVELS, N_POINTS), jnp.float32) * 0.1,
        "W_out": jax.random.normal(ks[13], (D_MODEL, D_MODEL), jnp.float32) * 0.04,
        "b_out": jnp.zeros((D_MODEL,), jnp.float32),
    }


def _s6_scan(x, x_proj_w, dt_proj_w, dt_proj_b, A_log):
    b, d, l = x.shape
    A = -jnp.exp(A_log)
    xt = x.transpose(0, 2, 1).reshape(b * l, d)
    x_dbl = xt @ x_proj_w.T
    dt = x_dbl[:, :DT_RANK]
    Bm = x_dbl[:, DT_RANK:DT_RANK + D_STATE]
    Cm = x_dbl[:, DT_RANK + D_STATE:]
    dt = (dt_proj_w @ dt.T).reshape(d, b, l).transpose(1, 0, 2)
    Bm = Bm.reshape(b, l, D_STATE).transpose(0, 2, 1)
    Cm = Cm.reshape(b, l, D_STATE).transpose(0, 2, 1)
    delta = jax.nn.softplus(dt + dt_proj_b[None, :, None])
    xs = (delta.transpose(2, 0, 1), Bm.transpose(2, 0, 1), Cm.transpose(2, 0, 1), x.transpose(2, 0, 1))

    def step(h, inp):
        dlt, Bt, Ct, ut = inp
        dA = jnp.exp(dlt[:, :, None] * A[None])
        h = dA * h + dlt[:, :, None] * Bt[:, None, :] * ut[:, :, None]
        y = (h * Ct[:, None, :]).sum(-1)
        return h, y

    h0 = jnp.zeros((b, d, D_STATE), x.dtype)
    _, ys = jax.lax.scan(step, h0, xs)
    return ys.transpose(1, 2, 0)


def _bilinear(img, gx, gy):
    B, Cc, Hh, Ww = img.shape
    x = (gx + 1.0) * Ww / 2.0 - 0.5
    y = (gy + 1.0) * Hh / 2.0 - 0.5
    x0 = jnp.floor(x)
    y0 = jnp.floor(y)

    def gather(ix, iy):
        valid = (ix >= 0) & (ix <= Ww - 1) & (iy >= 0) & (iy <= Hh - 1)
        ixc = jnp.clip(ix, 0, Ww - 1).astype(jnp.int32)
        iyc = jnp.clip(iy, 0, Hh - 1).astype(jnp.int32)
        idx = (iyc * Ww + ixc).reshape(B, -1)
        flat = img.reshape(B, Cc, Hh * Ww)
        v = jax.vmap(lambda f, i: jnp.take(f, i, axis=1))(flat, idx)
        v = v.reshape(B, Cc, *ix.shape[1:])
        return v * valid.reshape(B, 1, *ix.shape[1:]).astype(img.dtype)

    wx1 = x - x0
    wx0 = 1.0 - wx1
    wy1 = y - y0
    wy0 = 1.0 - wy1
    out = gather(x0, y0) * (wx0 * wy0)[:, None]
    out = out + gather(x0 + 1.0, y0) * (wx1 * wy0)[:, None]
    out = out + gather(x0, y0 + 1.0) * (wx0 * wy1)[:, None]
    out = out + gather(x0 + 1.0, y0 + 1.0) * (wx1 * wy1)[:, None]
    return out


def _forward(query, reference_points, input_flatten, W_value, b_value, W_off, x_proj_w, dt_proj_w, dt_proj_b, A_log, W_so, b_so, W_aw, b_aw, W_out, b_out, shapes_arr, starts_arr):
    Nb, Lq, C = query.shape
    Lin = input_flatten.shape[1]
    dh = C // N_HEADS
    value = (input_flatten @ W_value.T + b_value).reshape(Nb, Lin, N_HEADS, dh)
    off = jax.nn.silu(query @ W_off.T)
    HLP = N_HEADS * N_LEVELS * N_POINTS
    off = off.reshape(Nb * Lq, HLP, OFFSET_DIM).transpose(0, 2, 1)
    off = _s6_scan(off, x_proj_w, dt_proj_w, dt_proj_b, A_log)
    off = off.transpose(0, 2, 1).reshape(Nb, Lq, N_HEADS, N_LEVELS, N_POINTS, OFFSET_DIM)
    so = jnp.einsum('nqhlpd,hlpdo->nqhlpo', off, W_so) + b_so[None, None]
    aw = jnp.einsum('nqhlpd,hlpdo->nqhlpo', off, W_aw)[..., 0] + b_aw[None, None]
    aw = jax.nn.softmax(aw.reshape(Nb, Lq, N_HEADS, N_LEVELS * N_POINTS), -1).reshape(Nb, Lq, N_HEADS, N_LEVELS, N_POINTS)
    norm = jnp.stack([shapes_arr[:, 1], shapes_arr[:, 0]], -1).astype(jnp.float32)
    loc = reference_points[:, :, None, :, None, :] + so / norm[None, None, None, :, None, :]
    out = jnp.zeros((Nb * N_HEADS, dh, Lq), jnp.float32)
    for lvl in range(N_LEVELS):
        Hl, Wl = SHAPES[lvl]
        v = jax.lax.dynamic_slice_in_dim(value, starts_arr[lvl], Hl * Wl, axis=1)
        v = v.transpose(0, 2, 3, 1).reshape(Nb * N_HEADS, dh, Hl, Wl)
        g = (2.0 * loc[:, :, :, lvl] - 1.0).transpose(0, 2, 1, 3, 4).reshape(Nb * N_HEADS, Lq, N_POINTS, 2)
        sampled = _bilinear(v, g[..., 0], g[..., 1])
        w = aw[:, :, :, lvl].transpose(0, 2, 1, 3).reshape(Nb * N_HEADS, 1, Lq, N_POINTS)
        out = out + (sampled * w).sum(-1)
    out = out.reshape(Nb, N_HEADS, dh, Lq).transpose(0, 3, 1, 2).reshape(Nb, Lq, C)
    return out @ W_out.T + b_out


def reference(query, reference_points, input_flatten, input_spatial_shapes, input_level_start_index, W_value, b_value, W_off, x_proj_w, dt_proj_w, dt_proj_b, A_log, W_so, b_so, W_aw, b_aw, W_out, b_out):
    return _forward(query, reference_points, input_flatten, W_value, b_value, W_off, x_proj_w, dt_proj_w, dt_proj_b, A_log, W_so, b_so, W_aw, b_aw, W_out, b_out, input_spatial_shapes, input_level_start_index)

if __name__ == "__main__":
    import jax
    _d = setup_inputs()
    print(jax.jit(kernel)(*tuple(_d.values())))

</pallas_src>

<mosaic_0001>
#map = affine_map<(d0, d1) -> (0, 0)>
#map1 = affine_map<(d0, d1) -> (0)>
module attributes {stable_mosaic.version = 14 : i64} {
  func.func @gather_k(%arg0: i32, %arg1: i32, %arg2: memref<10880x128xf32, #tpu.memory_space<hbm>>, %arg3: memref<696320xi32, #tpu.memory_space<hbm>>, %arg4: memref<696320x128xf32, #tpu.memory_space<hbm>>, %arg5: memref<680xi32, #tpu.memory_space<vmem>>, %arg6: memref<680x128xf32, #tpu.memory_space<vmem>>, %arg7: memref<!tpu.dma_semaphore, #tpu.memory_space<semaphore_mem>>) attributes {dimension_semantics = [#tpu.dimension_semantics<core_parallel>, #tpu.dimension_semantics<subcore_parallel>], iteration_bounds = array<i64: 2, 16>, scalar_prefetch = 0 : i64, scratch_operands = 3 : i64, tpu.core_type = #tpu.core_type<sc_vector_subcore>, window_params = [{transform_indices = #map}, {transform_indices = #map1}, {transform_indices = #map}]} {
    %mul3A = arith.constant 2 : i32
    %mul3A_0 = arith.muli %arg1, %mul3A : i32
    %add3A = arith.addi %mul3A_0, %arg0 : i32
    %mul3A_1 = arith.constant 21760 : i32
    %mul3A_2 = arith.muli %add3A, %mul3A_1 : i32
    %add3A_3 = arith.constant 0 : i32
    %add3A_4 = arith.addi %mul3A_2, %add3A_3 : i32
    "tpu.region"() ({
      %run_scoped3A = tpu.sem_alloc : memref<!tpu.dma_semaphore, #tpu.memory_space<semaphore_mem>>
      %dma_start3A_257 = tpu.memref_slice %arg3[%add3A_4] : memref<696320xi32, #tpu.memory_space<hbm>> -> memref<680xi32, #tpu.memory_space<hbm>>
      %dma_start3A_258 = tpu.memref_slice %arg3[%add3A_4] : memref<696320xi32, #tpu.memory_space<hbm>> -> memref<680xi32, #tpu.memory_space<hbm>>
      tpu.enqueue_dma source(%dma_start3A_258 : memref<680xi32, #tpu.memory_space<hbm>>) target(%arg5 : memref<680xi32, #tpu.memory_space<vmem>>) target_semaphore(%run_scoped3A : memref<!tpu.dma_semaphore, #tpu.memory_space<semaphore_mem>>)
      %dma_wait3A_259 = tpu.memref_slice %arg3[%add3A_4] : memref<696320xi32, #tpu.memory_space<hbm>> -> memref<680xi32, #tpu.memory_space<hbm>>
      %dma_wait3A_260 = tpu.memref_slice %arg3[%add3A_4] : memref<696320xi32, #tpu.memory_space<hbm>> -> memref<680xi32, #tpu.memory_space<hbm>>
      tpu.wait_dma2 semaphore(%run_scoped3A : memref<!tpu.dma_semaphore, #tpu.memory_space<semaphore_mem>>) src(%dma_wait3A_260 : memref<680xi32, #tpu.memory_space<hbm>>) dst(%arg5 : memref<680xi32, #tpu.memory_space<vmem>>)
      tpu.yield
    }) : () -> ()
    %dma_start3A = arith.constant 0 : i32
    %dma_start3A_5 = arith.constant 0 : i32
    %dma_start3A_6 = tpu.memref_slice %arg2[%dma_start3A, %dma_start3A_5] : memref<10880x128xf32, #tpu.memory_space<hbm>> -> memref<10880x128xf32, #tpu.memory_space<hbm>>
    tpu.enqueue_indirect_dma source(%dma_start3A_6 : memref<10880x128xf32, #tpu.memory_space<hbm>>) target(%arg6 : memref<680x128xf32, #tpu.memory_space<vmem>>) offsets(%arg5 : memref<680xi32, #tpu.memory_space<vmem>>) semaphore(%arg7 : memref<!tpu.dma_semaphore, #tpu.memory_space<semaphore_mem>>)
    %dma_wait3A = arith.constant 0 : i32
    %dma_wait3A_7 = arith.constant 0 : i32
    %dma_wait3A_8 = tpu.memref_slice %arg2[%dma_wait3A, %dma_wait3A_7] : memref<10880x128xf32, #tpu.memory_space<hbm>> -> memref<10880x128xf32, #tpu.memory_space<hbm>>
    tpu.wait_indirect_dma semaphore(%arg7 : memref<!tpu.dma_semaphore, #tpu.memory_space<semaphore_mem>>) src(%dma_wait3A_8 : memref<10880x128xf32, #tpu.memory_space<hbm>>) dst(%arg6 : memref<680x128xf32, #tpu.memory_space<vmem>>)
    "tpu.region"() ({
      %run_scoped3A = tpu.sem_alloc : memref<!tpu.dma_semaphore, #tpu.memory_space<semaphore_mem>>
      %dma_start3A_257 = arith.constant 0 : i32
      %dma_start3A_258 = tpu.memref_slice %arg4[%add3A_4, %dma_start3A_257] : memref<696320x128xf32, #tpu.memory_space<hbm>> -> memref<680x128xf32, #tpu.memory_space<hbm>>
      %dma_start3A_259 = arith.constant 0 : i32
      %dma_start3A_260 = tpu.memref_slice %arg4[%add3A_4, %dma_start3A_259] : memref<696320x128xf32, #tpu.memory_space<hbm>> -> memref<680x128xf32, #tpu.memory_space<hbm>>
      tpu.enqueue_dma source(%arg6 : memref<680x128xf32, #tpu.memory_space<vmem>>) target(%dma_start3A_260 : memref<680x128xf32, #tpu.memory_space<hbm>>) target_semaphore(%run_scoped3A : memref<!tpu.dma_semaphore, #tpu.memory_space<semaphore_mem>>)
      %dma_wait3A_261 = arith.constant 0 : i32
      %dma_wait3A_262 = tpu.memref_slice %arg4[%add3A_4, %dma_wait3A_261] : memref<696320x128xf32, #tpu.memory_space<hbm>> -> memref<680x128xf32, #tpu.memory_space<hbm>>
      %dma_wait3A_263 = arith.constant 0 : i32
      %dma_wait3A_264 = tpu.memref_slice %arg4[%add3A_4, %dma_wait3A_263] : memref<696320x128xf32, #tpu.memory_space<hbm>> -> memref<680x128xf32, #tpu.memory_space<hbm>>
      tpu.wait_dma2 semaphore(%run_scoped3A : memref<!tpu.dma_semaphore, #tpu.memory_space<semaphore_mem>>) src(%arg6 : memref<680x128xf32, #tpu.memory_space<vmem>>) dst(%dma_wait3A_264 : memref<680x128xf32, #tpu.memory_space<hbm>>)
      tpu.yield
    }) : () -> ()
    %add3A_9 = arith.constant 680 : i32
    %add3A_10 = arith.addi %mul3A_2, %add3A_9 : i32
    "tpu.region"() ({
      %run_scoped3A = tpu.sem_alloc : memref<!tpu.dma_semaphore, #tpu.memory_space<semaphore_mem>>
      %dma_start3A_257 = tpu.memref_slice %arg3[%add3A_10] : memref<696320xi32, #tpu.memory_space<hbm>> -> memref<680xi32, #tpu.memory_space<hbm>>
      %dma_start3A_258 = tpu.memref_slice %arg3[%add3A_10] : memref<696320xi32, #tpu.memory_space<hbm>> -> memref<680xi32, #tpu.memory_space<hbm>>
      tpu.enqueue_dma source(%dma_start3A_258 : memref<680xi32, #tpu.memory_space<hbm>>) target(%arg5 : memref<680xi32, #tpu.memory_space<vmem>>) target_semaphore(%run_scoped3A : memref<!tpu.dma_semaphore, #tpu.memory_space<semaphore_mem>>)
      %dma_wait3A_259 = tpu.memref_slice %arg3[%add3A_10] : memref<696320xi32, #tpu.memory_space<hbm>> -> memref<680xi32, #tpu.memory_space<hbm>>
      %dma_wait3A_260 = tpu.memref_slice %arg3[%add3A_10] : memref<696320xi32, #tpu.memory_space<hbm>> -> memref<680xi32, #tpu.memory_space<hbm>>
      tpu.wait_dma2 semaphore(%run_scoped3A : memref<!tpu.dma_semaphore, #tpu.memory_space<semaphore_mem>>) src(%dma_wait3A_260 : memref<680xi32, #tpu.memory_space<hbm>>) dst(%arg5 : memref<680xi32, #tpu.memory_space<vmem>>)
      tpu.yield
    }) : () -> ()
    %dma_start3A_11 = arith.constant 0 : i32
    %dma_start3A_12 = arith.constant 0 : i32
    %dma_start3A_13 = tpu.memref_slice %arg2[%dma_start3A_11, %dma_start3A_12] : memref<10880x128xf32, #tpu.memory_space<hbm>> -> memref<10880x128xf32, #tpu.memory_space<hbm>>
    tpu.enqueue_indirect_dma source(%dma_start3A_13 : memref<10880x128xf32, #tpu.memory_space<hbm>>) target(%arg6 : memref<680x128xf32, #tpu.memory_space<vmem>>) offsets(%arg5 : memref<680xi32, #tpu.memory_space<vmem>>) semaphore(%arg7 : memref<!tpu.dma_semaphore, #tpu.memory_space<semaphore_mem>>)
    %dma_wait3A_14 = arith.constant 0 : i32
    %dma_wait3A_15 = arith.constant 0 : i32
    %dma_wait3A_16 = tpu.memref_slice %arg2[%dma_wait3A_14, %dma_wait3A_15] : memref<10880x128xf32, #tpu.memory_space<hbm>> -> memref<10880x128xf32, #tpu.memory_space<hbm>>
    tpu.wait_indirect_dma semaphore(%arg7 : memref<!tpu.dma_semaphore, #tpu.memory_space<semaphore_mem>>) src(%dma_wait3A_16 : memref<10880x128xf32, #tpu.memory_space<hbm>>) dst(%arg6 : memref<680x128xf32, #tpu.memory_space<vmem>>)
    "tpu.region"() ({
      %run_scoped3A = tpu.sem_alloc : memref<!tpu.dma_semaphore, #tpu.memory_space<semaphore_mem>>
      %dma_start3A_257 = arith.constant 0 : i32
      %dma_start3A_258 = tpu.memref_slice %arg4[%add3A_10, %dma_start3A_257] : memref<696320x128xf32, #tpu.memory_space<hbm>> -> memref<680x128xf32, #tpu.memory_space<hbm>>
      %dma_start3A_259 = arith.constant 0 : i32
      %dma_start3A_260 = tpu.memref_slice %arg4[%add3A_10, %dma_start3A_259] : memref<696320x128xf32, #tpu.memory_space<hbm>> -> memref<680x128xf32, #tpu.memory_space<hbm>>
      tpu.enqueue_dma source(%arg6 : memref<680x128xf32, #tpu.memory_space<vmem>>) target(%dma_start3A_260 : memref<680x128xf32, #tpu.memory_space<hbm>>) target_semaphore(%run_scoped3A : memref<!tpu.dma_semaphore, #tpu.memory_space<semaphore_mem>>)
      %dma_wait3A_261 = arith.constant 0 : i32
      %dma_wait3A_262 = tpu.memref_slice %arg4[%add3A_10, %dma_wait3A_261] : memref<696320x128xf32, #tpu.memory_space<hbm>> -> memref<680x128xf32, #tpu.memory_space<hbm>>
      %dma_wait3A_263 = arith.constant 0 : i32
      %dma_wait3A_264 = tpu.memref_slice %arg4[%add3A_10, %dma_wait3A_263] : memref<696320x128xf32, #tpu.memory_space<hbm>> -> memref<680x128xf32, #tpu.memory_space<hbm>>
      tpu.wait_dma2 semaphore(%run_scoped3A : memref<!tpu.dma_semaphore, #tpu.memory_space<semaphore_mem>>) src(%arg6 : memref<680x128xf32, #tpu.memory_space<vmem>>) dst(%dma_wait3A_264 : memref<680x128xf32, #tpu.memory_space<hbm>>)
      tpu.yield
    }) : () -> ()
    %add3A_17 = arith.constant 1360 : i32
    %add3A_18 = arith.addi %mul3A_2, %add3A_17 : i32
    "tpu.region"() ({
      %run_scoped3A = tpu.sem_alloc : memref<!tpu.dma_semaphore, #tpu.memory_space<semaphore_mem>>
      %dma_start3A_257 = tpu.memref_slice %arg3[%add3A_18] : memref<696320xi32, #tpu.memory_space<hbm>> -> memref<680xi32, #tpu.memory_space<hbm>>
      %dma_start3A_258 = tpu.memref_slice %arg3[%add3A_18] : memref<696320xi32, #tpu.memory_space<hbm>> -> memref<680xi32, #tpu.memory_space<hbm>>
      tpu.enqueue_dma source(%dma_start3A_258 : memref<680xi32, #tpu.memory_space<hbm>>) target(%arg5 : memref<680xi32, #tpu.memory_space<vmem>>) target_semaphore(%run_scoped3A : memref<!tpu.dma_semaphore, #tpu.memory_space<semaphore_mem>>)
      %dma_wait3A_259 = tpu.memref_slice %arg3[%add3A_18] : memref<696320xi32, #tpu.memory_space<hbm>> -> memref<680xi32, #tpu.memory_space<hbm>>
      %dma_wait3A_260 = tpu.memref_slice %arg3[%add3A_18] : memref<696320xi32, #tpu.memory_space<hbm>> -> memref<680xi32, #tpu.memory_space<hbm>>
      tpu.wait_dma2 semaphore(%run_scoped3A : memref<!tpu.dma_semaphore, #tpu.memory_space<semaphore_mem>>) src(%dma_wait3A_260 : memref<680xi32, #tpu.memory_space<hbm>>) dst(%arg5 : memref<680xi32, #tpu.memory_space<vmem>>)
      tpu.yield
    }) : () -> ()
    %dma_start3A_19 = arith.constant 0 : i32
    %dma_start3A_20 = arith.constant 0 : i32
    %dma_start3A_21 = tpu.memref_slice %arg2[%dma_start3A_19, %dma_start3A_20] : memref<10880x128xf32, #tpu.memory_space<hbm>> -> memref<10880x128xf32, #tpu.memory_space<hbm>>
    tpu.enqueue_indirect_dma source(%dma_start3A_21 : memref<10880x128xf32, #tpu.memory_space<hbm>>) target(%arg6 : memref<680x128xf32, #tpu.memory_space<vmem>>) offsets(%arg5 : memref<680xi32, #tpu.memory_space<vmem>>) semaphore(%arg7 : memref<!tpu.dma_semaphore, #tpu.memory_space<semaphore_mem>>)
    %dma_wait3A_22 = arith.constant 0 : i32
    %dma_wait3A_23 = arith.constant 0 : i32
    %dma_wait3A_24 = tpu.memref_slice %arg2[%dma_wait3A_22, %dma_wait3A_23] : memref<10880x128xf32, #tpu.memory_space<hbm>> -> memref<10880x128xf32, #tpu.memory_space<hbm>>
    tpu.wait_indirect_dma semaphore(%arg7 : memref<!tpu.dma_semaphore, #tpu.memory_space<semaphore_mem>>) src(%dma_wait3A_24 : memref<10880x128xf32, #tpu.memory_space<hbm>>) dst(%arg6 : memref<680x128xf32, #tpu.memory_space<vmem>>)
    "tpu.region"() ({
      %run_scoped3A = tpu.sem_alloc : memref<!tpu.dma_semaphore, #tpu.memory_space<semaphore_mem>>
      %dma_start3A_257 = arith.constant 0 : i32
      %dma_start3A_258 = tpu.memref_slice %arg4[%add3A_18, %dma_start3A_257] : memref<696320x128xf32, #tpu.memory_space<hbm>> -> memref<680x128xf32, #tpu.memory_space<hbm>>
      %dma_start3A_259 = arith.constant 0 : i32
      %dma_start3A_260 = tpu.memref_slice %arg4[%add3A_18, %dma_start3A_259] : memref<696320x128xf32, #tpu.memory_space<hbm>> -> memref<680x128xf32, #tpu.memory_space<hbm>>
      tpu.enqueue_dma source(%arg6 : memref<680x128xf32, #tpu.memory_space<vmem>>) target(%dma_start3A_260 : memref<680x128xf32, #tpu.memory_space<hbm>>) target_semaphore(%run_scoped3A : memref<!tpu.dma_semaphore, #tpu.memory_space<semaphore_mem>>)
      %dma_wait3A_261 = arith.constant 0 : i32
      %dma_wait3A_262 = tpu.memref_slice %arg4[%add3A_18, %dma_wait3A_261] : memref<696320x128xf32, #tpu.memory_space<hbm>> -> memref<680x128xf32, #tpu.memory_space<hbm>>
      %dma_wait3A_263 = arith.constant 0 : i32
      %dma_wait3A_264 = tpu.memref_slice %arg4[%add3A_18, %dma_wait3A_263] : memref<696320x128xf32, #tpu.memory_space<hbm>> -> memref<680x128xf32, #tpu.memory_space<hbm>>
      tpu.wait_dma2 semaphore(%run_scoped3A : memref<!tpu.dma_semaphore, #tpu.memory_space<semaphore_mem>>) src(%arg6 : memref<680x128xf32, #tpu.memory_space<vmem>>) dst(%dma_wait3A_264 : memref<680x128xf32, #tpu.memory_space<hbm>>)
      tpu.yield
    }) : () -> ()
    %add3A_25 = arith.constant 2040 : i32
    %add3A_26 = arith.addi %mul3A_2, %add3A_25 : i32
    "tpu.region"() ({
      %run_scoped3A = tpu.sem_alloc : memref<!tpu.dma_semaphore, #tpu.memory_space<semaphore_mem>>
      %dma_start3A_257 = tpu.memref_slice %arg3[%add3A_26] : memref<696320xi32, #tpu.memory_space<hbm>> -> memref<680xi32, #tpu.memory_space<hbm>>
      %dma_start3A_258 = tpu.memref_slice %arg3[%add3A_26] : memref<696320xi32, #tpu.memory_space<hbm>> -> memref<680xi32, #tpu.memory_space<hbm>>
      tpu.enqueue_dma source(%dma_start3A_258 : memref<680xi32, #tpu.memory_space<hbm>>) target(%arg5 : memref<680xi32, #tpu.memory_space<vmem>>) target_semaphore(%run_scoped3A : memref<!tpu.dma_semaphore, #tpu.memory_space<semaphore_mem>>)
      %dma_wait3A_259 = tpu.memref_slice %arg3[%add3A_26] : memref<696320xi32, #tpu.memory_space<hbm>> -> memref<680xi32, #tpu.memory_space<hbm>>
      %dma_wait3A_260 = tpu.memref_slice %arg3[%add3A_26] : memref<696320xi32, #tpu.memory_space<hbm>> -> memref<680xi32, #tpu.memory_space<hbm>>
      tpu.wait_dma2 semaphore(%run_scoped3A : memref<!tpu.dma_semaphore, #tpu.memory_space<semaphore_mem>>) src(%dma_wait3A_260 : memref<680xi32, #tpu.memory_space<hbm>>) dst(%arg5 : memref<680xi32, #tpu.memory_space<vmem>>)
      tpu.yield
    }) : () -> ()
    %dma_start3A_27 = arith.constant 0 : i32
    %dma_start3A_28 = arith.constant 0 : i32
    %dma_start3A_29 = tpu.memref_slice %arg2[%dma_start3A_27, %dma_start3A_28] : memref<10880x128xf32, #tpu.memory_space<hbm>> -> memref<10880x128xf32, #tpu.memory_space<hbm>>
    tpu.enqueue_indirect_dma source(%dma_start3A_29 : memref<10880x128xf32, #tpu.memory_space<hbm>>) target(%arg6 : memref<680x128xf32, #tpu.memory_space<vmem>>) offsets(%arg5 : memref<680xi32, #tpu.memory_space<vmem>>) semaphore(%arg7 : memref<!tpu.dma_semaphore, #tpu.memory_space<semaphore_mem>>)
    %dma_wait3A_30 = arith.constant 0 : i32
    %dma_wait3A_31 = arith.constant 0 : i32
    %dma_wait3A_32 = tpu.memref_slice %arg2[%dma_wait3A_30, %dma_wait3A_31] : memref<10880x128xf32, #tpu.memory_space<hbm>> -> memref<10880x128xf32, #tpu.memory_space<hbm>>
    tpu.wait_indirect_dma semaphore(%arg7 : memref<!tpu.dma_semaphore, #tpu.memory_space<semaphore_mem>>) src(%dma_wait3A_32 : memref<10880x128xf32, #tpu.memory_space<hbm>>) dst(%arg6 : memref<680x128xf32, #tpu.memory_space<vmem>>)
    "tpu.region"() ({
      %run_scoped3A = tpu.sem_alloc : memref<!tpu.dma_semaphore, #tpu.memory_space<semaphore_mem>>
      %dma_start3A_257 = arith.constant 0 : i32
      %dma_start3A_258 = tpu.memref_slice %arg4[%add3A_26, %dma_start3A_257] : memref<696320x128xf32, #tpu.memory_space<hbm>> -> memref<680x128xf32, #tpu.memory_space<hbm>>
      %dma_start3A_259 = arith.constant 0 : i32
      %dma_start3A_260 = tpu.memref_slice %arg4[%add3A_26, %dma_start3A_259] : memref<696320x128xf32, #tpu.memory_space<hbm>> -> memref<680x128xf32, #tpu.memory_space<hbm>>
      tpu.enqueue_dma source(%arg6 : memref<680x128xf32, #tpu.memory_space<vmem>>) target(%dma_start3A_260 : memref<680x128xf32, #tpu.memory_space<hbm>>) target_semaphore(%run_scoped3A : memref<!tpu.dma_semaphore, #tpu.memory_space<semaphore_mem>>)
      %dma_wait3A_261 = arith.constant 0 : i32
      %dma_wait3A_262 = tpu.memref_slice %arg4[%add3A_26, %dma_wait3A_261] : memref<696320x128xf32, #tpu.memory_space<hbm>> -> memref<680x128xf32, #tpu.memory_space<hbm>>
      %dma_wait3A_263 = arith.constant 0 : i32
      %dma_wait3A_264 = tpu.memref_slice %arg4[%add3A_26, %dma_wait3A_263] : memref<696320x128xf32, #tpu.memory_space<hbm>> -> memref<680x128xf32, #tpu.memory_space<hbm>>
      tpu.wait_dma2 semaphore(%run_scoped3A : memref<!tpu.dma_semaphore, #tpu.memory_space<semaphore_mem>>) src(%arg6 : memref<680x128xf32, #tpu.memory_space<vmem>>) dst(%dma_wait3A_264 : memref<680x128xf32, #tpu.memory_space<hbm>>)
      tpu.yield
    }) : () -> ()
    %add3A_33 = arith.constant 2720 : i32
    %add3A_34 = arith.addi %mul3A_2, %add3A_33 : i32
    "tpu.region"() ({
      %run_scoped3A = tpu.sem_alloc : memref<!tpu.dma_semaphore, #tpu.memory_space<semaphore_mem>>
      %dma_start3A_257 = tpu.memref_slice %arg3[%add3A_34] : memref<696320xi32, #tpu.memory_space<hbm>> -> memref<680xi32, #tpu.memory_space<hbm>>
      %dma_start3A_258 = tpu.memref_slice %arg3[%add3A_34] : memref<696320xi32, #tpu.memory_space<hbm>> -> memref<680xi32, #tpu.memory_space<hbm>>
      tpu.enqueue_dma source(%dma_start3A_258 : memref<680xi32, #tpu.memory_space<hbm>>) target(%arg5 : memref<680xi32, #tpu.memory_space<vmem>>) target_semaphore(%run_scoped3A : memref<!tpu.dma_semaphore, #tpu.memory_space<semaphore_mem>>)
      %dma_wait3A_259 = tpu.memref_slice %arg3[%add3A_34] : memref<696320xi32, #tpu.memory_space<hbm>> -> memref<680xi32, #tpu.memory_space<hbm>>
      %dma_wait3A_260 = tpu.memref_slice %arg3[%add3A_34] : memref<696320xi32, #tpu.memory_space<hbm>> -> memref<680xi32, #tpu.memory_space<hbm>>
      tpu.wait_dma2 semaphore(%run_scoped3A : memref<!tpu.dma_semaphore, #tpu.memory_space<semaphore_mem>>) src(%dma_wait3A_260 : memref<680xi32, #tpu.memory_space<hbm>>) dst(%arg5 : memref<680xi32, #tpu.memory_space<vmem>>)
      tpu.yield
    }) : () -> ()
    %dma_start3A_35 = arith.constant 0 : i32
    %dma_start3A_36 = arith.constant 0 : i32
    %dma_start3A_37 = tpu.memref_slice %arg2[%dma_start3A_35, %dma_start3A_36] : memref<10880x128xf32, #tpu.memory_space<hbm>> -> memref<10880x128xf32, #tpu.memory_space<hbm>>
    tpu.enqueue_indirect_dma source(%dma_start3A_37 : memref<10880x128xf32, #tpu.memory_space<hbm>>) target(%arg6 : memref<680x128xf32, #tpu.memory_space<vmem>>) offsets(%arg5 : memref<680xi32, #tpu.memory_space<vmem>>) semaphore(%arg7 : memref<!tpu.dma_semaphore, #tpu.memory_space<semaphore_mem>>)
    %dma_wait3A_38 = arith.constant 0 : i32
    %dma_wait3A_39 = arith.constant 0 : i32
    %dma_wait3A_40 = tpu.memref_slice %arg2[%dma_wait3A_38, %dma_wait3A_39] : memref<10880x128xf32, #tpu.memory_space<hbm>> -> memref<10880x128xf32, #tpu.memory_space<hbm>>
    tpu.wait_indirect_dma semaphore(%arg7 : memref<!tpu.dma_semaphore, #tpu.memory_space<semaphore_mem>>) src(%dma_wait3A_40 : memref<10880x128xf32, #tpu.memory_space<hbm>>) dst(%arg6 : memref<680x128xf32, #tpu.memory_space<vmem>>)
    "tpu.region"() ({
      %run_scoped3A = tpu.sem_alloc : memref<!tpu.dma_semaphore, #tpu.memory_space<semaphore_mem>>
      %dma_start3A_257 = arith.constant 0 : i32
      %dma_start3A_258 = tpu.memref_slice %arg4[%add3A_34, %dma_start3A_257] : memref<696320x128xf32, #tpu.memory_space<hbm>> -> memref<680x128xf32, #tpu.memory_space<hbm>>
      %dma_start3A_259 = arith.constant 0 : i32
      %dma_start3A_260 = tpu.memref_slice %arg4[%add3A_34, %dma_start3A_259] : memref<696320x128xf32, #tpu.memory_space<hbm>> -> memref<680x128xf32, #tpu.memory_space<hbm>>
      tpu.enqueue_dma source(%arg6 : memref<680x128xf32, #tpu.memory_space<vmem>>) target(%dma_start3A_260 : memref<680x128xf32, #tpu.memory_space<hbm>>) target_semaphore(%run_scoped3A : memref<!tpu.dma_semaphore, #tpu.memory_space<semaphore_mem>>)
      %dma_wait3A_261 = arith.constant 0 : i32
      %dma_wait3A_262 = tpu.memref_slice %arg4[%add3A_34, %dma_wait3A_261] : memref<696320x128xf32, #tpu.memory_space<hbm>> -> memref<680x128xf32, #tpu.memory_space<hbm>>
      %dma_wait3A_263 = arith.constant 0 : i32
      %dma_wait3A_264 = tpu.memref_slice %arg4[%add3A_34, %dma_wait3A_263] : memref<696320x128xf32, #tpu.memory_space<hbm>> -> memref<680x128xf32, #tpu.memory_space<hbm>>
      tpu.wait_dma2 semaphore(%run_scoped3A : memref<!tpu.dma_semaphore, #tpu.memory_space<semaphore_mem>>) src(%arg6 : memref<680x128xf32, #tpu.memory_space<vmem>>) dst(%dma_wait3A_264 : memref<680x128xf32, #tpu.memory_space<hbm>>)
      tpu.yield
    }) : () -> ()
    %add3A_41 = arith.constant 3400 : i32
    %add3A_42 = arith.addi %mul3A_2, %add3A_41 : i32
    "tpu.region"() ({
      %run_scoped3A = tpu.sem_alloc : memref<!tpu.dma_semaphore, #tpu.memory_space<semaphore_mem>>
      %dma_start3A_257 = tpu.memref_slice %arg3[%add3A_42] : memref<696320xi32, #tpu.memory_space<hbm>> -> memref<680xi32, #tpu.memory_space<hbm>>
      %dma_start3A_258 = tpu.memref_slice %arg3[%add3A_42] : memref<696320xi32, #tpu.memory_space<hbm>> -> memref<680xi32, #tpu.memory_space<hbm>>
      tpu.enqueue_dma source(%dma_start3A_258 : memref<680xi32, #tpu.memory_space<hbm>>) target(%arg5 : memref<680xi32, #tpu.memory_space<vmem>>) target_semaphore(%run_scoped3A : memref<!tpu.dma_semaphore, #tpu.memory_space<semaphore_mem>>)
      %dma_wait3A_259 = tpu.memref_slice %arg3[%add3A_42] : memref<696320xi32, #tpu.memory_space<hbm>> -> memref<680xi32, #tpu.memory_space<hbm>>
      %dma_wait3A_260 = tpu.memref_slice %arg3[%add3A_42] : memref<696320xi32, #tpu.memory_space<hbm>> -> memref<680xi32, #tpu.memory_space<hbm>>
      tpu.wait_dma2 semaphore(%run_scoped3A : memref<!tpu.dma_semaphore, #tpu.memory_space<semaphore_mem>>) src(%dma_wait3A_260 : memref<680xi32, #tpu.memory_space<hbm>>) dst(%arg5 : memref<680xi32, #tpu.memory_space<vmem>>)
      tpu.yield
    }) : () -> ()
    %dma_start3A_43 = arith.constant 0 : i32
    %dma_start3A_44 = arith.constant 0 : i32
    %dma_start3A_45 = tpu.memref_slice %arg2[%dma_start3A_43, %dma_start3A_44] : memref<10880x128xf32, #tpu.memory_space<hbm>> -> memref<10880x128xf32, #tpu.memory_space<hbm>>
    tpu.enqueue_indirect_dma source(%dma_start3A_45 : memref<10880x128xf32, #tpu.memory_space<hbm>>) target(%arg6 : memref<680x128xf32, #tpu.memory_space<vmem>>) offsets(%arg5 : memref<680xi32, #tpu.memory_space<vmem>>) semaphore(%arg7 : memref<!tpu.dma_semaphore, #tpu.memory_space<semaphore_mem>>)
    %dma_wait3A_46 = arith.constant 0 : i32
    %dma_wait3A_47 = arith.constant 0 : i32
    %dma_wait3A_48 = tpu.memref_slice %arg2[%dma_wait3A_46, %dma_wait3A_47] : memref<10880x128xf32, #tpu.memory_space<hbm>> -> memref<10880x128xf32, #tpu.memory_space<hbm>>
    tpu.wait_indirect_dma semaphore(%arg7 : memref<!tpu.dma_semaphore, #tpu.memory_space<semaphore_mem>>) src(%dma_wait3A_48 : memref<10880x128xf32, #tpu.memory_space<hbm>>) dst(%arg6 : memref<680x128xf32, #tpu.memory_space<vmem>>)
    "tpu.region"() ({
      %run_scoped3A = tpu.sem_alloc : memref<!tpu.dma_semaphore, #tpu.memory_space<semaphore_mem>>
      %dma_start3A_257 = arith.constant 0 : i32
      %dma_start3A_258 = tpu.memref_slice %arg4[%add3A_42, %dma_start3A_257] : memref<696320x128xf32, #tpu.memory_space<hbm>> -> memref<680x128xf32, #tpu.memory_space<hbm>>
      %dma_start3A_259 = arith.constant 0 : i32
      %dma_start3A_260 = tpu.memref_slice %arg4[%add3A_42, %dma_start3A_259] : memref<696320x128xf32, #tpu.memory_space<hbm>> -> memref<680x128xf32, #tpu.memory_space<hbm>>
      tpu.enqueue_dma source(%arg6 : memref<680x128xf32, #tpu.memory_space<vmem>>) target(%dma_start3A_260 : memref<680x128xf32, #tpu.memory_space<hbm>>) target_semaphore(%run_scoped3A : memref<!tpu.dma_semaphore, #tpu.memory_space<semaphore_mem>>)
      %dma_wait3A_261 = arith.constant 0 : i32
      %dma_wait3A_262 = tpu.memref_slice %arg4[%add3A_42, %dma_wait3A_261] : memref<696320x128xf32, #tpu.memory_space<hbm>> -> memref<680x128xf32, #tpu.memory_space<hbm>>
      %dma_wait3A_263 = arith.constant 0 : i32
      %dma_wait3A_264 = tpu.memref_slice %arg4[%add3A_42, %dma_wait3A_263] : memref<696320x128xf32, #tpu.memory_space<hbm>> -> memref<680x128xf32, #tpu.memory_space<hbm>>
      tpu.wait_dma2 semaphore(%run_scoped3A : memref<!tpu.dma_semaphore, #tpu.memory_space<semaphore_mem>>) src(%arg6 : memref<680x128xf32, #tpu.memory_space<vmem>>) dst(%dma_wait3A_264 : memref<680x128xf32, #tpu.memory_space<hbm>>)
      tpu.yield
    }) : () -> ()
    %add3A_49 = arith.constant 4080 : i32
    %add3A_50 = arith.addi %mul3A_2, %add3A_49 : i32
    "tpu.region"() ({
      %run_scoped3A = tpu.sem_alloc : memref<!tpu.dma_semaphore, #tpu.memory_space<semaphore_mem>>
      %dma_start3A_257 = tpu.memref_slice %arg3[%add3A_50] : memref<696320xi32, #tpu.memory_space<hbm>> -> memref<680xi32, #tpu.memory_space<hbm>>
      %dma_start3A_258 = tpu.memref_slice %arg3[%add3A_50] : memref<696320xi32, #tpu.memory_space<hbm>> -> memref<680xi32, #tpu.memory_space<hbm>>
      tpu.enqueue_dma source(%dma_start3A_258 : memref<680xi32, #tpu.memory_space<hbm>>) target(%arg5 : memref<680xi32, #tpu.memory_space<vmem>>) target_semaphore(%run_scoped3A : memref<!tpu.dma_semaphore, #tpu.memory_space<semaphore_mem>>)
      %dma_wait3A_259 = tpu.memref_slice %arg3[%add3A_50] : memref<696320xi32, #tpu.memory_space<hbm>> -> memref<680xi32, #tpu.memory_space<hbm>>
      %dma_wait3A_260 = tpu.memref_slice %arg3[%add3A_50] : memref<696320xi32, #tpu.memory_space<hbm>> -> memref<680xi32, #tpu.memory_space<hbm>>
      tpu.wait_dma2 semaphore(%run_scoped3A : memref<!tpu.dma_semaphore, #tpu.memory_space<semaphore_mem>>) src(%dma_wait3A_260 : memref<680xi32, #tpu.memory_space<hbm>>) dst(%arg5 : memref<680xi32, #tpu.memory_space<vmem>>)
      tpu.yield
    }) : () -> ()
    %dma_start3A_51 = arith.constant 0 : i32
    %dma_start3A_52 = arith.constant 0 : i32
    %dma_start3A_53 = tpu.memref_slice %arg2[%dma_start3A_51, %dma_start3A_52] : memref<10880x128xf32, #tpu.memory_space<hbm>> -> memref<10880x128xf32, #tpu.memory_space<hbm>>
    tpu.enqueue_indirect_dma source(%dma_start3A_53 : memref<10880x128xf32, #tpu.memory_space<hbm>>) target(%arg6 : memref<680x128xf32, #tpu.memory_space<vmem>>) offsets(%arg5 : memref<680xi32, #tpu.memory_space<vmem>>) semaphore(%arg7 : memref<!tpu.dma_semaphore, #tpu.memory_space<semaphore_mem>>)
    %dma_wait3A_54 = arith.constant 0 : i32
    %dma_wait3A_55 = arith.constant 0 : i32
    %dma_wait3A_56 = tpu.memref_slice %arg2[%dma_wait3A_54, %dma_wait3A_55] : memref<10880x128xf32, #tpu.memory_space<hbm>> -> memref<10880x128xf32, #tpu.memory_space<hbm>>
    tpu.wait_indirect_dma semaphore(%arg7 : memref<!tpu.dma_semaphore, #tpu.memory_space<semaphore_mem>>) src(%dma_wait3A_56 : memref<10880x128xf32, #tpu.memory_space<hbm>>) dst(%arg6 : memref<680x128xf32, #tpu.memory_space<vmem>>)
    "tpu.region"() ({
      %run_scoped3A = tpu.sem_alloc : memref<!tpu.dma_semaphore, #tpu.memory_space<semaphore_mem>>
      %dma_start3A_257 = arith.constant 0 : i32
      %dma_start3A_258 = tpu.memref_slice %arg4[%add3A_50, %dma_start3A_257] : memref<696320x128xf32, #tpu.memory_space<hbm>> -> memref<680x128xf32, #tpu.memory_space<hbm>>
      %dma_start3A_259 = arith.constant 0 : i32
      %dma_start3A_260 = tpu.memref_slice %arg4[%add3A_50, %dma_start3A_259] : memref<696320x128xf32, #tpu.memory_space<hbm>> -> memref<680x128xf32, #tpu.memory_space<hbm>>
      tpu.enqueue_dma source(%arg6 : memref<680x128xf32, #tpu.memory_space<vmem>>) target(%dma_start3A_260 : memref<680x128xf32, #tpu.memory_space<hbm>>) target_semaphore(%run_scoped3A : memref<!tpu.dma_semaphore, #tpu.memory_space<semaphore_mem>>)
      %dma_wait3A_261 = arith.constant 0 : i32
      %dma_wait3A_262 = tpu.memref_slice %arg4[%add3A_50, %dma_wait3A_261] : memref<696320x128xf32, #tpu.memory_space<hbm>> -> memref<680x128xf32, #tpu.memory_space<hbm>>
      %dma_wait3A_263 = arith.constant 0 : i32
      %dma_wait3A_264 = tpu.memref_slice %arg4[%add3A_50, %dma_wait3A_263] : memref<696320x128xf32, #tpu.memory_space<hbm>> -> memref<680x128xf32, #tpu.memory_space<hbm>>
      tpu.wait_dma2 semaphore(%run_scoped3A : memref<!tpu.dma_semaphore, #tpu.memory_space<semaphore_mem>>) src(%arg6 : memref<680x128xf32, #tpu.memory_space<vmem>>) dst(%dma_wait3A_264 : memref<680x128xf32, #tpu.memory_space<hbm>>)
      tpu.yield
    }) : () -> ()
    %add3A_57 = arith.constant 4760 : i32
    %add3A_58 = arith.addi %mul3A_2, %add3A_57 : i32
    "tpu.region"() ({
      %run_scoped3A = tpu.sem_alloc : memref<!tpu.dma_semaphore, #tpu.memory_space<semaphore_mem>>
      %dma_start3A_257 = tpu.memref_slice %arg3[%add3A_58] : memref<696320xi32, #tpu.memory_space<hbm>> -> memref<680xi32, #tpu.memory_space<hbm>>
      %dma_start3A_258 = tpu.memref_slice %arg3[%add3A_58] : memref<696320xi32, #tpu.memory_space<hbm>> -> memref<680xi32, #tpu.memory_space<hbm>>
      tpu.enqueue_dma source(%dma_start3A_258 : memref<680xi32, #tpu.memory_space<hbm>>) target(%arg5 : memref<680xi32, #tpu.memory_space<vmem>>) target_semaphore(%run_scoped3A : memref<!tpu.dma_semaphore, #tpu.memory_space<semaphore_mem>>)
      %dma_wait3A_259 = tpu.memref_slice %arg3[%add3A_58] : memref<696320xi32, #tpu.memory_space<hbm>> -> memref<680xi32, #tpu.memory_space<hbm>>
      %dma_wait3A_260 = tpu.memref_slice %arg3[%add3A_58] : memref<696320xi32, #tpu.memory_space<hbm>> -> memref<680xi32, #tpu.memory_space<hbm>>
      tpu.wait_dma2 semaphore(%run_scoped3A : memref<!tpu.dma_semaphore, #tpu.memory_space<semaphore_mem>>) src(%dma_wait3A_260 : memref<680xi32, #tpu.memory_space<hbm>>) dst(%arg5 : memref<680xi32, #tpu.memory_space<vmem>>)
      tpu.yield
    }) : () -> ()
    %dma_start3A_59 = arith.constant 0 : i32
    %dma_start3A_60 = arith.constant 0 : i32
    %dma_start3A_61 = tpu.memref_slice %arg2[%dma_start3A_59, %dma_start3A_60] : memref<10880x128xf32, #tpu.memory_space<hbm>> -> memref<10880x128xf32, #tpu.memory_space<hbm>>
    tpu.enqueue_indirect_dma source(%dma_start3A_61 : memref<10880x128xf32, #tpu.memory_space<hbm>>) target(%arg6 : memref<680x128xf32, #tpu.memory_space<vmem>>) offsets(%arg5 : memref<680xi32, #tpu.memory_space<vmem>>) semaphore(%arg7 : memref<!tpu.dma_semaphore, #tpu.memory_space<semaphore_mem>>)
    %dma_wait3A_62 = arith.constant 0 : i32
    %dma_wait3A_63 = arith.constant 0 : i32
    %dma_wait3A_64 = tpu.memref_slice %arg2[%dma_wait3A_62, %dma_wait3A_63] : memref<10880x128xf32, #tpu.memory_space<hbm>> -> memref<10880x128xf32, #tpu.memory_space<hbm>>
    tpu.wait_indirect_dma semaphore(%arg7 : memref<!tpu.dma_semaphore, #tpu.memory_space<semaphore_mem>>) src(%dma_wait3A_64 : memref<10880x128xf32, #tpu.memory_space<hbm>>) dst(%arg6 : memref<680x128xf32, #tpu.memory_space<vmem>>)
    "tpu.region"() ({
      %run_scoped3A = tpu.sem_alloc : memref<!tpu.dma_semaphore, #tpu.memory_space<semaphore_mem>>
      %dma_start3A_257 = arith.constant 0 : i32
      %dma_start3A_258 = tpu.memref_slice %arg4[%add3A_58, %dma_start3A_257] : memref<696320x128xf32, #tpu.memory_space<hbm>> -> memref<680x128xf32, #tpu.memory_space<hbm>>
      %dma_start3A_259 = arith.constant 0 : i32
      %dma_start3A_260 = tpu.memref_slice %arg4[%add3A_58, %dma_start3A_259] : memref<696320x128xf32, #tpu.memory_space<hbm>> -> memref<680x128xf32, #tpu.memory_space<hbm>>
      tpu.enqueue_dma source(%arg6 : memref<680x128xf32, #tpu.memory_space<vmem>>) target(%dma_start3A_260 : memref<680x128xf32, #tpu.memory_space<hbm>>) target_semaphore(%run_scoped3A : memref<!tpu.dma_semaphore, #tpu.memory_space<semaphore_mem>>)
      %dma_wait3A_261 = arith.constant 0 : i32
      %dma_wait3A_262 = tpu.memref_slice %arg4[%add3A_58, %dma_wait3A_261] : memref<696320x128xf32, #tpu.memory_space<hbm>> -> memref<680x128xf32, #tpu.memory_space<hbm>>
      %dma_wait3A_263 = arith.constant 0 : i32
      %dma_wait3A_264 = tpu.memref_slice %arg4[%add3A_58, %dma_wait3A_263] : memref<696320x128xf32, #tpu.memory_space<hbm>> -> memref<680x128xf32, #tpu.memory_space<hbm>>
      tpu.wait_dma2 semaphore(%run_scoped3A : memref<!tpu.dma_semaphore, #tpu.memory_space<semaphore_mem>>) src(%arg6 : memref<680x128xf32, #tpu.memory_space<vmem>>) dst(%dma_wait3A_264 : memref<680x128xf32, #tpu.memory_space<hbm>>)
      tpu.yield
    }) : () -> ()
    %add3A_65 = arith.constant 5440 : i32
    %add3A_66 = arith.addi %mul3A_2, %add3A_65 : i32
    "tpu.region"() ({
      %run_scoped3A = tpu.sem_alloc : memref<!tpu.dma_semaphore, #tpu.memory_space<semaphore_mem>>
      %dma_start3A_257 = tpu.memref_slice %arg3[%add3A_66] : memref<696320xi32, #tpu.memory_space<hbm>> -> memref<680xi32, #tpu.memory_space<hbm>>
      %dma_start3A_258 = tpu.memref_slice %arg3[%add3A_66] : memref<696320xi32, #tpu.memory_space<hbm>> -> memref<680xi32, #tpu.memory_space<hbm>>
      tpu.enqueue_dma source(%dma_start3A_258 : memref<680xi32, #tpu.memory_space<hbm>>) target(%arg5 : memref<680xi32, #tpu.memory_space<vmem>>) target_semaphore(%run_scoped3A : memref<!tpu.dma_semaphore, #tpu.memory_space<semaphore_mem>>)
      %dma_wait3A_259 = tpu.memref_slice %arg3[%add3A_66] : memref<696320xi32, #tpu.memory_space<hbm>> -> memref<680xi32, #tpu.memory_space<hbm>>
      %dma_wait3A_260 = tpu.memref_slice %arg3[%add3A_66] : memref<696320xi32, #tpu.memory_space<hbm>> -> memref<680xi32, #tpu.memory_space<hbm>>
      tpu.wait_dma2 semaphore(%run_scoped3A : memref<!tpu.dma_semaphore, #tpu.memory_space<semaphore_mem>>) src(%dma_wait3A_260 : memref<680xi32, #tpu.memory_space<hbm>>) dst(%arg5 : memref<680xi32, #tpu.memory_space<vmem>>)
      tpu.yield
    }) : () -> ()
    %dma_start3A_67 = arith.constant 0 : i32
    %dma_start3A_68 = arith.constant 0 : i32
    %dma_start3A_69 = tpu.memref_slice %arg2[%dma_start3A_67, %dma_start3A_68] : memref<10880x128xf32, #tpu.memory_space<hbm>> -> memref<10880x128xf32, #tpu.memory_space<hbm>>
    tpu.enqueue_indirect_dma source(%dma_start3A_69 : memref<10880x128xf32, #tpu.memory_space<hbm>>) target(%arg6 : memref<680x128xf32, #tpu.memory_space<vmem>>) offsets(%arg5 : memref<680xi32, #tpu.memory_space<vmem>>) semaphore(%arg7 : memref<!tpu.dma_semaphore, #tpu.memory_space<semaphore_mem>>)
    %dma_wait3A_70 = arith.constant 0 : i32
    %dma_wait3A_71 = arith.constant 0 : i32
    %dma_wait3A_72 = tpu.memref_slice %arg2[%dma_wait3A_70, %dma_wait3A_71] : memref<10880x128xf32, #tpu.memory_space<hbm>> -> memref<10880x128xf32, #tpu.memory_space<hbm>>
    tpu.wait_indirect_dma semaphore(%arg7 : memref<!tpu.dma_semaphore, #tpu.memory_space<semaphore_mem>>) src(%dma_wait3A_72 : memref<10880x128xf32, #tpu.memory_space<hbm>>) dst(%arg6 : memref<680x128xf32, #tpu.memory_space<vmem>>)
    "tpu.region"() ({
      %run_scoped3A = tpu.sem_alloc : memref<!tpu.dma_semaphore, #tpu.memory_space<semaphore_mem>>
      %dma_start3A_257 = arith.constant 0 : i32
      %dma_start3A_258 = tpu.memref_slice %arg4[%add3A_66, %dma_start3A_257] : memref<696320x128xf32, #tpu.memory_space<hbm>> -> memref<680x128xf32, #tpu.memory_space<hbm>>
      %dma_start3A_259 = arith.constant 0 : i32
      %dma_start3A_260 = tpu.memref_slice %arg4[%add3A_66, %dma_start3A_259] : memref<696320x128xf32, #tpu.memory_space<hbm>> -> memref<680x128xf32, #tpu.memory_space<hbm>>
      tpu.enqueue_dma source(%arg6 : memref<680x128xf32, #tpu.memory_space<vmem>>) target(%dma_start3A_260 : memref<680x128xf32, #tpu.memory_space<hbm>>) target_semaphore(%run_scoped3A : memref<!tpu.dma_semaphore, #tpu.memory_space<semaphore_mem>>)
      %dma_wait3A_261 = arith.constant 0 : i32
      %dma_wait3A_262 = tpu.memref_slice %arg4[%add3A_66, %dma_wait3A_261] : memref<696320x128xf32, #tpu.memory_space<hbm>> -> memref<680x128xf32, #tpu.memory_space<hbm>>
      %dma_wait3A_263 = arith.constant 0 : i32
      %dma_wait3A_264 = tpu.memref_slice %arg4[%add3A_66, %dma_wait3A_263] : memref<696320x128xf32, #tpu.memory_space<hbm>> -> memref<680x128xf32, #tpu.memory_space<hbm>>
      tpu.wait_dma2 semaphore(%run_scoped3A : memref<!tpu.dma_semaphore, #tpu.memory_space<semaphore_mem>>) src(%arg6 : memref<680x128xf32, #tpu.memory_space<vmem>>) dst(%dma_wait3A_264 : memref<680x128xf32, #tpu.memory_space<hbm>>)
      tpu.yield
    }) : () -> ()
    %add3A_73 = arith.constant 6120 : i32
    %add3A_74 = arith.addi %mul3A_2, %add3A_73 : i32
    "tpu.region"() ({
      %run_scoped3A = tpu.sem_alloc : memref<!tpu.dma_semaphore, #tpu.memory_space<semaphore_mem>>
      %dma_start3A_257 = tpu.memref_slice %arg3[%add3A_74] : memref<696320xi32, #tpu.memory_space<hbm>> -> memref<680xi32, #tpu.memory_space<hbm>>
      %dma_start3A_258 = tpu.memref_slice %arg3[%add3A_74] : memref<696320xi32, #tpu.memory_space<hbm>> -> memref<680xi32, #tpu.memory_space<hbm>>
      tpu.enqueue_dma source(%dma_start3A_258 : memref<680xi32, #tpu.memory_space<hbm>>) target(%arg5 : memref<680xi32, #tpu.memory_space<vmem>>) target_semaphore(%run_scoped3A : memref<!tpu.dma_semaphore, #tpu.memory_space<semaphore_mem>>)
      %dma_wait3A_259 = tpu.memref_slice %arg3[%add3A_74] : memref<696320xi32, #tpu.memory_space<hbm>> -> memref<680xi32, #tpu.memory_space<hbm>>
      %dma_wait3A_260 = tpu.memref_slice %arg3[%add3A_74] : memref<696320xi32, #tpu.memory_space<hbm>> -> memref<680xi32, #tpu.memory_space<hbm>>
      tpu.wait_dma2 semaphore(%run_scoped3A : memref<!tpu.dma_semaphore, #tpu.memory_space<semaphore_mem>>) src(%dma_wait3A_260 : memref<680xi32, #tpu.memory_space<hbm>>) dst(%arg5 : memref<680xi32, #tpu.memory_space<vmem>>)
      tpu.yield
    }) : () -> ()
    %dma_start3A_75 = arith.constant 0 : i32
    %dma_start3A_76 = arith.constant 0 : i32
    %dma_start3A_77 = tpu.memref_slice %arg2[%dma_start3A_75, %dma_start3A_76] : memref<10880x128xf32, #tpu.memory_space<hbm>> -> memref<10880x128xf32, #tpu.memory_space<hbm>>
    tpu.enqueue_indirect_dma source(%dma_start3A_77 : memref<10880x128xf32, #tpu.memory_space<hbm>>) target(%arg6 : memref<680x128xf32, #tpu.memory_space<vmem>>) offsets(%arg5 : memref<680xi32, #tpu.memory_space<vmem>>) semaphore(%arg7 : memref<!tpu.dma_semaphore, #tpu.memory_space<semaphore_mem>>)
    %dma_wait3A_78 = arith.constant 0 : i32
    %dma_wait3A_79 = arith.constant 0 : i32
    %dma_wait3A_80 = tpu.memref_slice %arg2[%dma_wait3A_78, %dma_wait3A_79] : memref<10880x128xf32, #tpu.memory_space<hbm>> -> memref<10880x128xf32, #tpu.memory_space<hbm>>
    tpu.wait_indirect_dma semaphore(%arg7 : memref<!tpu.dma_semaphore, #tpu.memory_space<semaphore_mem>>) src(%dma_wait3A_80 : memref<10880x128xf32, #tpu.memory_space<hbm>>) dst(%arg6 : memref<680x128xf32, #tpu.memory_space<vmem>>)
    "tpu.region"() ({
      %run_scoped3A = tpu.sem_alloc : memref<!tpu.dma_semaphore, #tpu.memory_space<semaphore_mem>>
      %dma_start3A_257 = arith.constant 0 : i32
      %dma_start3A_258 = tpu.memref_slice %arg4[%add3A_74, %dma_start3A_257] : memref<696320x128xf32, #tpu.memory_space<hbm>> -> memref<680x128xf32, #tpu.memory_space<hbm>>
      %dma_start3A_259 = arith.constant 0 : i32
      %dma_start3A_260 = tpu.memref_slice %arg4[%add3A_74, %dma_start3A_259] : memref<696320x128xf32, #tpu.memory_space<hbm>> -> memref<680x128xf32, #tpu.memory_space<hbm>>
      tpu.enqueue_dma source(%arg6 : memref<680x128xf32, #tpu.memory_space<vmem>>) target(%dma_start3A_260 : memref<680x128xf32, #tpu.memory_space<hbm>>) target_semaphore(%run_scoped3A : memref<!tpu.dma_semaphore, #tpu.memory_space<semaphore_mem>>)
      %dma_wait3A_261 = arith.constant 0 : i32
      %dma_wait3A_262 = tpu.memref_slice %arg4[%add3A_74, %dma_wait3A_261] : memref<696320x128xf32, #tpu.memory_space<hbm>> -> memref<680x128xf32, #tpu.memory_space<hbm>>
      %dma_wait3A_263 = arith.constant 0 : i32
      %dma_wait3A_264 = tpu.memref_slice %arg4[%add3A_74, %dma_wait3A_263] : memref<696320x128xf32, #tpu.memory_space<hbm>> -> memref<680x128xf32, #tpu.memory_space<hbm>>
      tpu.wait_dma2 semaphore(%run_scoped3A : memref<!tpu.dma_semaphore, #tpu.memory_space<semaphore_mem>>) src(%arg6 : memref<680x128xf32, #tpu.memory_space<vmem>>) dst(%dma_wait3A_264 : memref<680x128xf32, #tpu.memory_space<hbm>>)
      tpu.yield
    }) : () -> ()
    %add3A_81 = arith.constant 6800 : i32
    %add3A_82 = arith.addi %mul3A_2, %add3A_81 : i32
    "tpu.region"() ({
      %run_scoped3A = tpu.sem_alloc : memref<!tpu.dma_semaphore, #tpu.memory_space<semaphore_mem>>
      %dma_start3A_257 = tpu.memref_slice %arg3[%add3A_82] : memref<696320xi32, #tpu.memory_space<hbm>> -> memref<680xi32, #tpu.memory_space<hbm>>
      %dma_start3A_258 = tpu.memref_slice %arg3[%add3A_82] : memref<696320xi32, #tpu.memory_space<hbm>> -> memref<680xi32, #tpu.memory_space<hbm>>
      tpu.enqueue_dma source(%dma_start3A_258 : memref<680xi32, #tpu.memory_space<hbm>>) target(%arg5 : memref<680xi32, #tpu.memory_space<vmem>>) target_semaphore(%run_scoped3A : memref<!tpu.dma_semaphore, #tpu.memory_space<semaphore_mem>>)
      %dma_wait3A_259 = tpu.memref_slice %arg3[%add3A_82] : memref<696320xi32, #tpu.memory_space<hbm>> -> memref<680xi32, #tpu.memory_space<hbm>>
      %dma_wait3A_260 = tpu.memref_slice %arg3[%add3A_82] : memref<696320xi32, #tpu.memory_space<hbm>> -> memref<680xi32, #tpu.memory_space<hbm>>
      tpu.wait_dma2 semaphore(%run_scoped3A : memref<!tpu.dma_semaphore, #tpu.memory_space<semaphore_mem>>) src(%dma_wait3A_260 : memref<680xi32, #tpu.memory_space<hbm>>) dst(%arg5 : memref<680xi32, #tpu.memory_space<vmem>>)
      tpu.yield
    }) : () -> ()
    %dma_start3A_83 = arith.constant 0 : i32
    %dma_start3A_84 = arith.constant 0 : i32
    %dma_start3A_85 = tpu.memref_slice %arg2[%dma_start3A_83, %dma_start3A_84] : memref<10880x128xf32, #tpu.memory_space<hbm>> -> memref<10880x128xf32, #tpu.memory_space<hbm>>
    tpu.enqueue_indirect_dma source(%dma_start3A_85 : memref<10880x128xf32, #tpu.memory_space<hbm>>) target(%arg6 : memref<680x128xf32, #tpu.memory_space<vmem>>) offsets(%arg5 : memref<680xi32, #tpu.memory_space<vmem>>) semaphore(%arg7 : memref<!tpu.dma_semaphore, #tpu.memory_space<semaphore_mem>>)
    %dma_wait3A_86 = arith.constant 0 : i32
    %dma_wait3A_87 = arith.constant 0 : i32
    %dma_wait3A_88 = tpu.memref_slice %arg2[%dma_wait3A_86, %dma_wait3A_87] : memref<10880x128xf32, #tpu.memory_space<hbm>> -> memref<10880x128xf32, #tpu.memory_space<hbm>>
    tpu.wait_indirect_dma semaphore(%arg7 : memref<!tpu.dma_semaphore, #tpu.memory_space<semaphore_mem>>) src(%dma_wait3A_88 : memref<10880x128xf32, #tpu.memory_space<hbm>>) dst(%arg6 : memref<680x128xf32, #tpu.memory_space<vmem>>)
    "tpu.region"() ({
      %run_scoped3A = tpu.sem_alloc : memref<!tpu.dma_semaphore, #tpu.memory_space<semaphore_mem>>
      %dma_start3A_257 = arith.constant 0 : i32
      %dma_start3A_258 = tpu.memref_slice %arg4[%add3A_82, %dma_start3A_257] : memref<696320x128xf32, #tpu.memory_space<hbm>> -> memref<680x128xf32, #tpu.memory_space<hbm>>
      %dma_start3A_259 = arith.constant 0 : i32
      %dma_start3A_260 = tpu.memref_slice %arg4[%add3A_82, %dma_start3A_259] : memref<696320x128xf32, #tpu.memory_space<hbm>> -> memref<680x128xf32, #tpu.memory_space<hbm>>
      tpu.enqueue_dma source(%arg6 : memref<680x128xf32, #tpu.memory_space<vmem>>) target(%dma_start3A_260 : memref<680x128xf32, #tpu.memory_space<hbm>>) target_semaphore(%run_scoped3A : memref<!tpu.dma_semaphore, #tpu.memory_space<semaphore_mem>>)
      %dma_wait3A_261 = arith.constant 0 : i32
      %dma_wait3A_262 = tpu.memref_slice %arg4[%add3A_82, %dma_wait3A_261] : memref<696320x128xf32, #tpu.memory_space<hbm>> -> memref<680x128xf32, #tpu.memory_space<hbm>>
      %dma_wait3A_263 = arith.constant 0 : i32
      %dma_wait3A_264 = tpu.memref_slice %arg4[%add3A_82, %dma_wait3A_263] : memref<696320x128xf32, #tpu.memory_space<hbm>> -> memref<680x128xf32, #tpu.memory_space<hbm>>
      tpu.wait_dma2 semaphore(%run_scoped3A : memref<!tpu.dma_semaphore, #tpu.memory_space<semaphore_mem>>) src(%arg6 : memref<680x128xf32, #tpu.memory_space<vmem>>) dst(%dma_wait3A_264 : memref<680x128xf32, #tpu.memory_space<hbm>>)
      tpu.yield
    }) : () -> ()
    %add3A_89 = arith.constant 7480 : i32
    %add3A_90 = arith.addi %mul3A_2, %add3A_89 : i32
    "tpu.region"() ({
      %run_scoped3A = tpu.sem_alloc : memref<!tpu.dma_semaphore, #tpu.memory_space<semaphore_mem>>
      %dma_start3A_257 = tpu.memref_slice %arg3[%add3A_90] : memref<696320xi32, #tpu.memory_space<hbm>> -> memref<680xi32, #tpu.memory_space<hbm>>
      %dma_start3A_258 = tpu.memref_slice %arg3[%add3A_90] : memref<696320xi32, #tpu.memory_space<hbm>> -> memref<680xi32, #tpu.memory_space<hbm>>
      tpu.enqueue_dma source(%dma_start3A_258 : memref<680xi32, #tpu.memory_space<hbm>>) target(%arg5 : memref<680xi32, #tpu.memory_space<vmem>>) target_semaphore(%run_scoped3A : memref<!tpu.dma_semaphore, #tpu.memory_space<semaphore_mem>>)
      %dma_wait3A_259 = tpu.memref_slice %arg3[%add3A_90] : memref<696320xi32, #tpu.memory_space<hbm>> -> memref<680xi32, #tpu.memory_space<hbm>>
      %dma_wait3A_260 = tpu.memref_slice %arg3[%add3A_90] : memref<696320xi32, #tpu.memory_space<hbm>> -> memref<680xi32, #tpu.memory_space<hbm>>
      tpu.wait_dma2 semaphore(%run_scoped3A : memref<!tpu.dma_semaphore, #tpu.memory_space<semaphore_mem>>) src(%dma_wait3A_260 : memref<680xi32, #tpu.memory_space<hbm>>) dst(%arg5 : memref<680xi32, #tpu.memory_space<vmem>>)
      tpu.yield
    }) : () -> ()
    %dma_start3A_91 = arith.constant 0 : i32
    %dma_start3A_92 = arith.constant 0 : i32
    %dma_start3A_93 = tpu.memref_slice %arg2[%dma_start3A_91, %dma_start3A_92] : memref<10880x128xf32, #tpu.memory_space<hbm>> -> memref<10880x128xf32, #tpu.memory_space<hbm>>
    tpu.enqueue_indirect_dma source(%dma_start3A_93 : memref<10880x128xf32, #tpu.memory_space<hbm>>) target(%arg6 : memref<680x128xf32, #tpu.memory_space<vmem>>) offsets(%arg5 : memref<680xi32, #tpu.memory_space<vmem>>) semaphore(%arg7 : memref<!tpu.dma_semaphore, #tpu.memory_space<semaphore_mem>>)
    %dma_wait3A_94 = arith.constant 0 : i32
    %dma_wait3A_95 = arith.constant 0 : i32
    %dma_wait3A_96 = tpu.memref_slice %arg2[%dma_wait3A_94, %dma_wait3A_95] : memref<10880x128xf32, #tpu.memory_space<hbm>> -> memref<10880x128xf32, #tpu.memory_space<hbm>>
    tpu.wait_indirect_dma semaphore(%arg7 : memref<!tpu.dma_semaphore, #tpu.memory_space<semaphore_mem>>) src(%dma_wait3A_96 : memref<10880x128xf32, #tpu.memory_space<hbm>>) dst(%arg6 : memref<680x128xf32, #tpu.memory_space<vmem>>)
    "tpu.region"() ({
      %run_scoped3A = tpu.sem_alloc : memref<!tpu.dma_semaphore, #tpu.memory_space<semaphore_mem>>
      %dma_start3A_257 = arith.constant 0 : i32
      %dma_start3A_258 = tpu.memref_slice %arg4[%add3A_90, %dma_start3A_257] : memref<696320x128xf32, #tpu.memory_space<hbm>> -> memref<680x128xf32, #tpu.memory_space<hbm>>
      %dma_start3A_259 = arith.constant 0 : i32
      %dma_start3A_260 = tpu.memref_slice %arg4[%add3A_90, %dma_start3A_259] : memref<696320x128xf32, #tpu.memory_space<hbm>> -> memref<680x128xf32, #tpu.memory_space<hbm>>
      tpu.enqueue_dma source(%arg6 : memref<680x128xf32, #tpu.memory_space<vmem>>) target(%dma_start3A_260 : memref<680x128xf32, #tpu.memory_space<hbm>>) target_semaphore(%run_scoped3A : memref<!tpu.dma_semaphore, #tpu.memory_space<semaphore_mem>>)
      %dma_wait3A_261 = arith.constant 0 : i32
      %dma_wait3A_262 = tpu.memref_slice %arg4[%add3A_90, %dma_wait3A_261] : memref<696320x128xf32, #tpu.memory_space<hbm>> -> memref<680x128xf32, #tpu.memory_space<hbm>>
      %dma_wait3A_263 = arith.constant 0 : i32
      %dma_wait3A_264 = tpu.memref_slice %arg4[%add3A_90, %dma_wait3A_263] : memref<696320x128xf32, #tpu.memory_space<hbm>> -> memref<680x128xf32, #tpu.memory_space<hbm>>
      tpu.wait_dma2 semaphore(%run_scoped3A : memref<!tpu.dma_semaphore, #tpu.memory_space<semaphore_mem>>) src(%arg6 : memref<680x128xf32, #tpu.memory_space<vmem>>) dst(%dma_wait3A_264 : memref<680x128xf32, #tpu.memory_space<hbm>>)
      tpu.yield
    }) : () -> ()
    %add3A_97 = arith.constant 8160 : i32
    %add3A_98 = arith.addi %mul3A_2, %add3A_97 : i32
    "tpu.region"() ({
      %run_scoped3A = tpu.sem_alloc : memref<!tpu.dma_semaphore, #tpu.memory_space<semaphore_mem>>
      %dma_start3A_257 = tpu.memref_slice %arg3[%add3A_98] : memref<696320xi32, #tpu.memory_space<hbm>> -> memref<680xi32, #tpu.memory_space<hbm>>
      %dma_start3A_258 = tpu.memref_slice %arg3[%add3A_98] : memref<696320xi32, #tpu.memory_space<hbm>> -> memref<680xi32, #tpu.memory_space<hbm>>
      tpu.enqueue_dma source(%dma_start3A_258 : memref<680xi32, #tpu.memory_space<hbm>>) target(%arg5 : memref<680xi32, #tpu.memory_space<vmem>>) target_semaphore(%run_scoped3A : memref<!tpu.dma_semaphore, #tpu.memory_space<semaphore_mem>>)
      %dma_wait3A_259 = tpu.memref_slice %arg3[%add3A_98] : memref<696320xi32, #tpu.memory_space<hbm>> -> memref<680xi32, #tpu.memory_space<hbm>>
      %dma_wait3A_260 = tpu.memref_slice %arg3[%add3A_98] : memref<696320xi32, #tpu.memory_space<hbm>> -> memref<680xi32, #tpu.memory_space<hbm>>
      tpu.wait_dma2 semaphore(%run_scoped3A : memref<!tpu.dma_semaphore, #tpu.memory_space<semaphore_mem>>) src(%dma_wait3A_260 : memref<680xi32, #tpu.memory_space<hbm>>) dst(%arg5 : memref<680xi32, #tpu.memory_space<vmem>>)
      tpu.yield
    }) : () -> ()
    %dma_start3A_99 = arith.constant 0 : i32
    %dma_start3A_100 = arith.constant 0 : i32
    %dma_start3A_101 = tpu.memref_slice %arg2[%dma_start3A_99, %dma_start3A_100] : memref<10880x128xf32, #tpu.memory_space<hbm>> -> memref<10880x128xf32, #tpu.memory_space<hbm>>
    tpu.enqueue_indirect_dma source(%dma_start3A_101 : memref<10880x128xf32, #tpu.memory_space<hbm>>) target(%arg6 : memref<680x128xf32, #tpu.memory_space<vmem>>) offsets(%arg5 : memref<680xi32, #tpu.memory_space<vmem>>) semaphore(%arg7 : memref<!tpu.dma_semaphore, #tpu.memory_space<semaphore_mem>>)
    %dma_wait3A_102 = arith.constant 0 : i32
    %dma_wait3A_103 = arith.constant 0 : i32
    %dma_wait3A_104 = tpu.memref_slice %arg2[%dma_wait3A_102, %dma_wait3A_103] : memref<10880x128xf32, #tpu.memory_space<hbm>> -> memref<10880x128xf32, #tpu.memory_space<hbm>>
    tpu.wait_indirect_dma semaphore(%arg7 : memref<!tpu.dma_semaphore, #tpu.memory_space<semaphore_mem>>) src(%dma_wait3A_104 : memref<10880x128xf32, #tpu.memory_space<hbm>>) dst(%arg6 : memref<680x128xf32, #tpu.memory_space<vmem>>)
    "tpu.region"() ({
      %run_scoped3A = tpu.sem_alloc : memref<!tpu.dma_semaphore, #tpu.memory_space<semaphore_mem>>
      %dma_start3A_257 = arith.constant 0 : i32
      %dma_start3A_258 = tpu.memref_slice %arg4[%add3A_98, %dma_start3A_257] : memref<696320x128xf32, #tpu.memory_space<hbm>> -> memref<680x128xf32, #tpu.memory_space<hbm>>
      %dma_start3A_259 = arith.constant 0 : i32
      %dma_start3A_260 = tpu.memref_slice %arg4[%add3A_98, %dma_start3A_259] : memref<696320x128xf32, #tpu.memory_space<hbm>> -> memref<680x128xf32, #tpu.memory_space<hbm>>
      tpu.enqueue_dma source(%arg6 : memref<680x128xf32, #tpu.memory_space<vmem>>) target(%dma_start3A_260 : memref<680x128xf32, #tpu.memory_space<hbm>>) target_semaphore(%run_scoped3A : memref<!tpu.dma_semaphore, #tpu.memory_space<semaphore_mem>>)
      %dma_wait3A_261 = arith.constant 0 : i32
      %dma_wait3A_262 = tpu.memref_slice %arg4[%add3A_98, %dma_wait3A_261] : memref<696320x128xf32, #tpu.memory_space<hbm>> -> memref<680x128xf32, #tpu.memory_space<hbm>>
      %dma_wait3A_263 = arith.constant 0 : i32
      %dma_wait3A_264 = tpu.memref_slice %arg4[%add3A_98, %dma_wait3A_263] : memref<696320x128xf32, #tpu.memory_space<hbm>> -> memref<680x128xf32, #tpu.memory_space<hbm>>
      tpu.wait_dma2 semaphore(%run_scoped3A : memref<!tpu.dma_semaphore, #tpu.memory_space<semaphore_mem>>) src(%arg6 : memref<680x128xf32, #tpu.memory_space<vmem>>) dst(%dma_wait3A_264 : memref<680x128xf32, #tpu.memory_space<hbm>>)
      tpu.yield
    }) : () -> ()
    %add3A_105 = arith.constant 8840 : i32
    %add3A_106 = arith.addi %mul3A_2, %add3A_105 : i32
    "tpu.region"() ({
      %run_scoped3A = tpu.sem_alloc : memref<!tpu.dma_semaphore, #tpu.memory_space<semaphore_mem>>
      %dma_start3A_257 = tpu.memref_slice %arg3[%add3A_106] : memref<696320xi32, #tpu.memory_space<hbm>> -> memref<680xi32, #tpu.memory_space<hbm>>
      %dma_start3A_258 = tpu.memref_slice %arg3[%add3A_106] : memref<696320xi32, #tpu.memory_space<hbm>> -> memref<680xi32, #tpu.memory_space<hbm>>
      tpu.enqueue_dma source(%dma_start3A_258 : memref<680xi32, #tpu.memory_space<hbm>>) target(%arg5 : memref<680xi32, #tpu.memory_space<vmem>>) target_semaphore(%run_scoped3A : memref<!tpu.dma_semaphore, #tpu.memory_space<semaphore_mem>>)
      %dma_wait3A_259 = tpu.memref_slice %arg3[%add3A_106] : memref<696320xi32, #tpu.memory_space<hbm>> -> memref<680xi32, #tpu.memory_space<hbm>>
      %dma_wait3A_260 = tpu.memref_slice %arg3[%add3A_106] : memref<696320xi32, #tpu.memory_space<hbm>> -> memref<680xi32, #tpu.memory_space<hbm>>
      tpu.wait_dma2 semaphore(%run_scoped3A : memref<!tpu.dma_semaphore, #tpu.memory_space<semaphore_mem>>) src(%dma_wait3A_260 : memref<680xi32, #tpu.memory_space<hbm>>) dst(%arg5 : memref<680xi32, #tpu.memory_space<vmem>>)
      tpu.yield
    }) : () -> ()
    %dma_start3A_107 = arith.constant 0 : i32
    %dma_start3A_108 = arith.constant 0 : i32
    %dma_start3A_109 = tpu.memref_slice %arg2[%dma_start3A_107, %dma_start3A_108] : memref<10880x128xf32, #tpu.memory_space<hbm>> -> memref<10880x128xf32, #tpu.memory_space<hbm>>
    tpu.enqueue_indirect_dma source(%dma_start3A_109 : memref<10880x128xf32, #tpu.memory_space<hbm>>) target(%arg6 : memref<680x128xf32, #tpu.memory_space<vmem>>) offsets(%arg5 : memref<680xi32, #tpu.memory_space<vmem>>) semaphore(%arg7 : memref<!tpu.dma_semaphore, #tpu.memory_space<semaphore_mem>>)
    %dma_wait3A_110 = arith.constant 0 : i32
    %dma_wait3A_111 = arith.constant 0 : i32
    %dma_wait3A_112 = tpu.memref_slice %arg2[%dma_wait3A_110, %dma_wait3A_111] : memref<10880x128xf32, #tpu.memory_space<hbm>> -> memref<10880x128xf32, #tpu.memory_space<hbm>>
    tpu.wait_indirect_dma semaphore(%arg7 : memref<!tpu.dma_semaphore, #tpu.memory_space<semaphore_mem>>) src(%dma_wait3A_112 : memref<10880x128xf32, #tpu.memory_space<hbm>>) dst(%arg6 : memref<680x128xf32, #tpu.memory_space<vmem>>)
    "tpu.region"() ({
      %run_scoped3A = tpu.sem_alloc : memref<!tpu.dma_semaphore, #tpu.memory_space<semaphore_mem>>
      %dma_start3A_257 = arith.constant 0 : i32
      %dma_start3A_258 = tpu.memref_slice %arg4[%add3A_106, %dma_start3A_257] : memref<696320x128xf32, #tpu.memory_space<hbm>> -> memref<680x128xf32, #tpu.memory_space<hbm>>
      %dma_start3A_259 = arith.constant 0 : i32
      %dma_start3A_260 = tpu.memref_slice %arg4[%add3A_106, %dma_start3A_259] : memref<696320x128xf32, #tpu.memory_space<hbm>> -> memref<680x128xf32, #tpu.memory_space<hbm>>
      tpu.enqueue_dma source(%arg6 : memref<680x128xf32, #tpu.memory_space<vmem>>) target(%dma_start3A_260 : memref<680x128xf32, #tpu.memory_space<hbm>>) target_semaphore(%run_scoped3A : memref<!tpu.dma_semaphore, #tpu.memory_space<semaphore_mem>>)
      %dma_wait3A_261 = arith.constant 0 : i32
      %dma_wait3A_262 = tpu.memref_slice %arg4[%add3A_106, %dma_wait3A_261] : memref<696320x128xf32, #tpu.memory_space<hbm>> -> memref<680x128xf32, #tpu.memory_space<hbm>>
      %dma_wait3A_263 = arith.constant 0 : i32
      %dma_wait3A_264 = tpu.memref_slice %arg4[%add3A_106, %dma_wait3A_263] : memref<696320x128xf32, #tpu.memory_space<hbm>> -> memref<680x128xf32, #tpu.memory_space<hbm>>
      tpu.wait_dma2 semaphore(%run_scoped3A : memref<!tpu.dma_semaphore, #tpu.memory_space<semaphore_mem>>) src(%arg6 : memref<680x128xf32, #tpu.memory_space<vmem>>) dst(%dma_wait3A_264 : memref<680x128xf32, #tpu.memory_space<hbm>>)
      tpu.yield
    }) : () -> ()
    %add3A_113 = arith.constant 9520 : i32
    %add3A_114 = arith.addi %mul3A_2, %add3A_113 : i32
    "tpu.region"() ({
      %run_scoped3A = tpu.sem_alloc : memref<!tpu.dma_semaphore, #tpu.memory_space<semaphore_mem>>
      %dma_start3A_257 = tpu.memref_slice %arg3[%add3A_114] : memref<696320xi32, #tpu.memory_space<hbm>> -> memref<680xi32, #tpu.memory_space<hbm>>
      %dma_start3A_258 = tpu.memref_slice %arg3[%add3A_114] : memref<696320xi32, #tpu.memory_space<hbm>> -> memref<680xi32, #tpu.memory_space<hbm>>
      tpu.enqueue_dma source(%dma_start3A_258 : memref<680xi32, #tpu.memory_space<hbm>>) target(%arg5 : memref<680xi32, #tpu.memory_space<vmem>>) target_semaphore(%run_scoped3A : memref<!tpu.dma_semaphore, #tpu.memory_space<semaphore_mem>>)
      %dma_wait3A_259 = tpu.memref_slice %arg3[%add3A_114] : memref<696320xi32, #tpu.memory_space<hbm>> -> memref<680xi32, #tpu.memory_space<hbm>>
      %dma_wait3A_260 = tpu.memref_slice %arg3[%add3A_114] : memref<696320xi32, #tpu.memory_space<hbm>> -> memref<680xi32, #tpu.memory_space<hbm>>
      tpu.wait_dma2 semaphore(%run_scoped3A : memref<!tpu.dma_semaphore, #tpu.memory_space<semaphore_mem>>) src(%dma_wait3A_260 : memref<680xi32, #tpu.memory_space<hbm>>) dst(%arg5 : memref<680xi32, #tpu.memory_space<vmem>>)
      tpu.yield
    }) : () -> ()
    %dma_start3A_115 = arith.constant 0 : i32
    %dma_start3A_116 = arith.constant 0 : i32
    %dma_start3A_117 = tpu.memref_slice %arg2[%dma_start3A_115, %dma_start3A_116] : memref<10880x128xf32, #tpu.memory_space<hbm>> -> memref<10880x128xf32, #tpu.memory_space<hbm>>
    tpu.enqueue_indirect_dma source(%dma_start3A_117 : memref<10880x128xf32, #tpu.memory_space<hbm>>) target(%arg6 : memref<680x128xf32, #tpu.memory_space<vmem>>) offsets(%arg5 : memref<680xi32, #tpu.memory_space<vmem>>) semaphore(%arg7 : memref<!tpu.dma_semaphore, #tpu.memory_space<semaphore_mem>>)
    %dma_wait3A_118 = arith.constant 0 : i32
    %dma_wait3A_119 = arith.constant 0 : i32
    %dma_wait3A_120 = tpu.memref_slice %arg2[%dma_wait3A_118, %dma_wait3A_119] : memref<10880x128xf32, #tpu.memory_space<hbm>> -> memref<10880x128xf32, #tpu.memory_space<hbm>>
    tpu.wait_indirect_dma semaphore(%arg7 : memref<!tpu.dma_semaphore, #tpu.memory_space<semaphore_mem>>) src(%dma_wait3A_120 : memref<10880x128xf32, #tpu.memory_space<hbm>>) dst(%arg6 : memref<680x128xf32, #tpu.memory_space<vmem>>)
    "tpu.region"() ({
      %run_scoped3A = tpu.sem_alloc : memref<!tpu.dma_semaphore, #tpu.memory_space<semaphore_mem>>
      %dma_start3A_257 = arith.constant 0 : i32
      %dma_start3A_258 = tpu.memref_slice %arg4[%add3A_114, %dma_start3A_257] : memref<696320x128xf32, #tpu.memory_space<hbm>> -> memref<680x128xf32, #tpu.memory_space<hbm>>
      %dma_start3A_259 = arith.constant 0 : i32
      %dma_start3A_260 = tpu.memref_slice %arg4[%add3A_114, %dma_start3A_259] : memref<696320x128xf32, #tpu.memory_space<hbm>> -> memref<680x128xf32, #tpu.memory_space<hbm>>
      tpu.enqueue_dma source(%arg6 : memref<680x128xf32, #tpu.memory_space<vmem>>) target(%dma_start3A_260 : memref<680x128xf32, #tpu.memory_space<hbm>>) target_semaphore(%run_scoped3A : memref<!tpu.dma_semaphore, #tpu.memory_space<semaphore_mem>>)
      %dma_wait3A_261 = arith.constant 0 : i32
      %dma_wait3A_262 = tpu.memref_slice %arg4[%add3A_114, %dma_wait3A_261] : memref<696320x128xf32, #tpu.memory_space<hbm>> -> memref<680x128xf32, #tpu.memory_space<hbm>>
      %dma_wait3A_263 = arith.constant 0 : i32
      %dma_wait3A_264 = tpu.memref_slice %arg4[%add3A_114, %dma_wait3A_263] : memref<696320x128xf32, #tpu.memory_space<hbm>> -> memref<680x128xf32, #tpu.memory_space<hbm>>
      tpu.wait_dma2 semaphore(%run_scoped3A : memref<!tpu.dma_semaphore, #tpu.memory_space<semaphore_mem>>) src(%arg6 : memref<680x128xf32, #tpu.memory_space<vmem>>) dst(%dma_wait3A_264 : memref<680x128xf32, #tpu.memory_space<hbm>>)
      tpu.yield
    }) : () -> ()
    %add3A_121 = arith.constant 10200 : i32
    %add3A_122 = arith.addi %mul3A_2, %add3A_121 : i32
    "tpu.region"() ({
      %run_scoped3A = tpu.sem_alloc : memref<!tpu.dma_semaphore, #tpu.memory_space<semaphore_mem>>
      %dma_start3A_257 = tpu.memref_slice %arg3[%add3A_122] : memref<696320xi32, #tpu.memory_space<hbm>> -> memref<680xi32, #tpu.memory_space<hbm>>
      %dma_start3A_258 = tpu.memref_slice %arg3[%add3A_122] : memref<696320xi32, #tpu.memory_space<hbm>> -> memref<680xi32, #tpu.memory_space<hbm>>
      tpu.enqueue_dma source(%dma_start3A_258 : memref<680xi32, #tpu.memory_space<hbm>>) target(%arg5 : memref<680xi32, #tpu.memory_space<vmem>>) target_semaphore(%run_scoped3A : memref<!tpu.dma_semaphore, #tpu.memory_space<semaphore_mem>>)
      %dma_wait3A_259 = tpu.memref_slice %arg3[%add3A_122] : memref<696320xi32, #tpu.memory_space<hbm>> -> memref<680xi32, #tpu.memory_space<hbm>>
      %dma_wait3A_260 = tpu.memref_slice %arg3[%add3A_122] : memref<696320xi32, #tpu.memory_space<hbm>> -> memref<680xi32, #tpu.memory_space<hbm>>
      tpu.wait_dma2 semaphore(%run_scoped3A : memref<!tpu.dma_semaphore, #tpu.memory_space<semaphore_mem>>) src(%dma_wait3A_260 : memref<680xi32, #tpu.memory_space<hbm>>) dst(%arg5 : memref<680xi32, #tpu.memory_space<vmem>>)
      tpu.yield
    }) : () -> ()
    %dma_start3A_123 = arith.constant 0 : i32
    %dma_start3A_124 = arith.constant 0 : i32
    %dma_start3A_125 = tpu.memref_slice %arg2[%dma_start3A_123, %dma_start3A_124] : memref<10880x128xf32, #tpu.memory_space<hbm>> -> memref<10880x128xf32, #tpu.memory_space<hbm>>
    tpu.enqueue_indirect_dma source(%dma_start3A_125 : memref<10880x128xf32, #tpu.memory_space<hbm>>) target(%arg6 : memref<680x128xf32, #tpu.memory_space<vmem>>) offsets(%arg5 : memref<680xi32, #tpu.memory_space<vmem>>) semaphore(%arg7 : memref<!tpu.dma_semaphore, #tpu.memory_space<semaphore_mem>>)
    %dma_wait3A_126 = arith.constant 0 : i32
    %dma_wait3A_127 = arith.constant 0 : i32
    %dma_wait3A_128 = tpu.memref_slice %arg2[%dma_wait3A_126, %dma_wait3A_127] : memref<10880x128xf32, #tpu.memory_space<hbm>> -> memref<10880x128xf32, #tpu.memory_space<hbm>>
    tpu.wait_indirect_dma semaphore(%arg7 : memref<!tpu.dma_semaphore, #tpu.memory_space<semaphore_mem>>) src(%dma_wait3A_128 : memref<10880x128xf32, #tpu.memory_space<hbm>>) dst(%arg6 : memref<680x128xf32, #tpu.memory_space<vmem>>)
    "tpu.region"() ({
      %run_scoped3A = tpu.sem_alloc : memref<!tpu.dma_semaphore, #tpu.memory_space<semaphore_mem>>
      %dma_start3A_257 = arith.constant 0 : i32
      %dma_start3A_258 = tpu.memref_slice %arg4[%add3A_122, %dma_start3A_257] : memref<696320x128xf32, #tpu.memory_space<hbm>> -> memref<680x128xf32, #tpu.memory_space<hbm>>
      %dma_start3A_259 = arith.constant 0 : i32
      %dma_start3A_260 = tpu.memref_slice %arg4[%add3A_122, %dma_start3A_259] : memref<696320x128xf32, #tpu.memory_space<hbm>> -> memref<680x128xf32, #tpu.memory_space<hbm>>
      tpu.enqueue_dma source(%arg6 : memref<680x128xf32, #tpu.memory_space<vmem>>) target(%dma_start3A_260 : memref<680x128xf32, #tpu.memory_space<hbm>>) target_semaphore(%run_scoped3A : memref<!tpu.dma_semaphore, #tpu.memory_space<semaphore_mem>>)
      %dma_wait3A_261 = arith.constant 0 : i32
      %dma_wait3A_262 = tpu.memref_slice %arg4[%add3A_122, %dma_wait3A_261] : memref<696320x128xf32, #tpu.memory_space<hbm>> -> memref<680x128xf32, #tpu.memory_space<hbm>>
      %dma_wait3A_263 = arith.constant 0 : i32
      %dma_wait3A_264 = tpu.memref_slice %arg4[%add3A_122, %dma_wait3A_263] : memref<696320x128xf32, #tpu.memory_space<hbm>> -> memref<680x128xf32, #tpu.memory_space<hbm>>
      tpu.wait_dma2 semaphore(%run_scoped3A : memref<!tpu.dma_semaphore, #tpu.memory_space<semaphore_mem>>) src(%arg6 : memref<680x128xf32, #tpu.memory_space<vmem>>) dst(%dma_wait3A_264 : memref<680x128xf32, #tpu.memory_space<hbm>>)
      tpu.yield
    }) : () -> ()
    %add3A_129 = arith.constant 10880 : i32
    %add3A_130 = arith.addi %mul3A_2, %add3A_129 : i32
    "tpu.region"() ({
      %run_scoped3A = tpu.sem_alloc : memref<!tpu.dma_semaphore, #tpu.memory_space<semaphore_mem>>
      %dma_start3A_257 = tpu.memref_slice %arg3[%add3A_130] : memref<696320xi32, #tpu.memory_space<hbm>> -> memref<680xi32, #tpu.memory_space<hbm>>
      %dma_start3A_258 = tpu.memref_slice %arg3[%add3A_130] : memref<696320xi32, #tpu.memory_space<hbm>> -> memref<680xi32, #tpu.memory_space<hbm>>
      tpu.enqueue_dma source(%dma_start3A_258 : memref<680xi32, #tpu.memory_space<hbm>>) target(%arg5 : memref<680xi32, #tpu.memory_space<vmem>>) target_semaphore(%run_scoped3A : memref<!tpu.dma_semaphore, #tpu.memory_space<semaphore_mem>>)
      %dma_wait3A_259 = tpu.memref_slice %arg3[%add3A_130] : memref<696320xi32, #tpu.memory_space<hbm>> -> memref<680xi32, #tpu.memory_space<hbm>>
      %dma_wait3A_260 = tpu.memref_slice %arg3[%add3A_130] : memref<696320xi32, #tpu.memory_space<hbm>> -> memref<680xi32, #tpu.memory_space<hbm>>
      tpu.wait_dma2 semaphore(%run_scoped3A : memref<!tpu.dma_semaphore, #tpu.memory_space<semaphore_mem>>) src(%dma_wait3A_260 : memref<680xi32, #tpu.memory_space<hbm>>) dst(%arg5 : memref<680xi32, #tpu.memory_space<vmem>>)
      tpu.yield
    }) : () -> ()
    %dma_start3A_131 = arith.constant 0 : i32
    %dma_start3A_132 = arith.constant 0 : i32
    %dma_start3A_133 = tpu.memref_slice %arg2[%dma_start3A_131, %dma_start3A_132] : memref<10880x128xf32, #tpu.memory_space<hbm>> -> memref<10880x128xf32, #tpu.memory_space<hbm>>
    tpu.enqueue_indirect_dma source(%dma_start3A_133 : memref<10880x128xf32, #tpu.memory_space<hbm>>) target(%arg6 : memref<680x128xf32, #tpu.memory_space<vmem>>) offsets(%arg5 : memref<680xi32, #tpu.memory_space<vmem>>) semaphore(%arg7 : memref<!tpu.dma_semaphore, #tpu.memory_space<semaphore_mem>>)
    %dma_wait3A_134 = arith.constant 0 : i32
    %dma_wait3A_135 = arith.constant 0 : i32
    %dma_wait3A_136 = tpu.memref_slice %arg2[%dma_wait3A_134, %dma_wait3A_135] : memref<10880x128xf32, #tpu.memory_space<hbm>> -> memref<10880x128xf32, #tpu.memory_space<hbm>>
    tpu.wait_indirect_dma semaphore(%arg7 : memref<!tpu.dma_semaphore, #tpu.memory_space<semaphore_mem>>) src(%dma_wait3A_136 : memref<10880x128xf32, #tpu.memory_space<hbm>>) dst(%arg6 : memref<680x128xf32, #tpu.memory_space<vmem>>)
    "tpu.region"() ({
      %run_scoped3A = tpu.sem_alloc : memref<!tpu.dma_semaphore, #tpu.memory_space<semaphore_mem>>
      %dma_start3A_257 = arith.constant 0 : i32
      %dma_start3A_258 = tpu.memref_slice %arg4[%add3A_130, %dma_start3A_257] : memref<696320x128xf32, #tpu.memory_space<hbm>> -> memref<680x128xf32, #tpu.memory_space<hbm>>
      %dma_start3A_259 = arith.constant 0 : i32
      %dma_start3A_260 = tpu.memref_slice %arg4[%add3A_130, %dma_start3A_259] : memref<696320x128xf32, #tpu.memory_space<hbm>> -> memref<680x128xf32, #tpu.memory_space<hbm>>
      tpu.enqueue_dma source(%arg6 : memref<680x128xf32, #tpu.memory_space<vmem>>) target(%dma_start3A_260 : memref<680x128xf32, #tpu.memory_space<hbm>>) target_semaphore(%run_scoped3A : memref<!tpu.dma_semaphore, #tpu.memory_space<semaphore_mem>>)
      %dma_wait3A_261 = arith.constant 0 : i32
      %dma_wait3A_262 = tpu.memref_slice %arg4[%add3A_130, %dma_wait3A_261] : memref<696320x128xf32, #tpu.memory_space<hbm>> -> memref<680x128xf32, #tpu.memory_space<hbm>>
      %dma_wait3A_263 = arith.constant 0 : i32
      %dma_wait3A_264 = tpu.memref_slice %arg4[%add3A_130, %dma_wait3A_263] : memref<696320x128xf32, #tpu.memory_space<hbm>> -> memref<680x128xf32, #tpu.memory_space<hbm>>
      tpu.wait_dma2 semaphore(%run_scoped3A : memref<!tpu.dma_semaphore, #tpu.memory_space<semaphore_mem>>) src(%arg6 : memref<680x128xf32, #tpu.memory_space<vmem>>) dst(%dma_wait3A_264 : memref<680x128xf32, #tpu.memory_space<hbm>>)
      tpu.yield
    }) : () -> ()
    %add3A_137 = arith.constant 11560 : i32
    %add3A_138 = arith.addi %mul3A_2, %add3A_137 : i32
    "tpu.region"() ({
      %run_scoped3A = tpu.sem_alloc : memref<!tpu.dma_semaphore, #tpu.memory_space<semaphore_mem>>
      %dma_start3A_257 = tpu.memref_slice %arg3[%add3A_138] : memref<696320xi32, #tpu.memory_space<hbm>> -> memref<680xi32, #tpu.memory_space<hbm>>
      %dma_start3A_258 = tpu.memref_slice %arg3[%add3A_138] : memref<696320xi32, #tpu.memory_space<hbm>> -> memref<680xi32, #tpu.memory_space<hbm>>
      tpu.enqueue_dma source(%dma_start3A_258 : memref<680xi32, #tpu.memory_space<hbm>>) target(%arg5 : memref<680xi32, #tpu.memory_space<vmem>>) target_semaphore(%run_scoped3A : memref<!tpu.dma_semaphore, #tpu.memory_space<semaphore_mem>>)
      %dma_wait3A_259 = tpu.memref_slice %arg3[%add3A_138] : memref<696320xi32, #tpu.memory_space<hbm>> -> memref<680xi32, #tpu.memory_space<hbm>>
      %dma_wait3A_260 = tpu.memref_slice %arg3[%add3A_138] : memref<696320xi32, #tpu.memory_space<hbm>> -> memref<680xi32, #tpu.memory_space<hbm>>
      tpu.wait_dma2 semaphore(%run_scoped3A : memref<!tpu.dma_semaphore, #tpu.memory_space<semaphore_mem>>) src(%dma_wait3A_260 : memref<680xi32, #tpu.memory_space<hbm>>) dst(%arg5 : memref<680xi32, #tpu.memory_space<vmem>>)
      tpu.yield
    }) : () -> ()
    %dma_start3A_139 = arith.constant 0 : i32
    %dma_start3A_140 = arith.constant 0 : i32
    %dma_start3A_141 = tpu.memref_slice %arg2[%dma_start3A_139, %dma_start3A_140] : memref<10880x128xf32, #tpu.memory_space<hbm>> -> memref<10880x128xf32, #tpu.memory_space<hbm>>
    tpu.enqueue_indirect_dma source(%dma_start3A_141 : memref<10880x128xf32, #tpu.memory_space<hbm>>) target(%arg6 : memref<680x128xf32, #tpu.memory_space<vmem>>) offsets(%arg5 : memref<680xi32, #tpu.memory_space<vmem>>) semaphore(%arg7 : memref<!tpu.dma_semaphore, #tpu.memory_space<semaphore_mem>>)
    %dma_wait3A_142 = arith.constant 0 : i32
    %dma_wait3A_143 = arith.constant 0 : i32
    %dma_wait3A_144 = tpu.memref_slice %arg2[%dma_wait3A_142, %dma_wait3A_143] : memref<10880x128xf32, #tpu.memory_space<hbm>> -> memref<10880x128xf32, #tpu.memory_space<hbm>>
    tpu.wait_indirect_dma semaphore(%arg7 : memref<!tpu.dma_semaphore, #tpu.memory_space<semaphore_mem>>) src(%dma_wait3A_144 : memref<10880x128xf32, #tpu.memory_space<hbm>>) dst(%arg6 : memref<680x128xf32, #tpu.memory_space<vmem>>)
    "tpu.region"() ({
      %run_scoped3A = tpu.sem_alloc : memref<!tpu.dma_semaphore, #tpu.memory_space<semaphore_mem>>
      %dma_start3A_257 = arith.constant 0 : i32
      %dma_start3A_258 = tpu.memref_slice %arg4[%add3A_138, %dma_start3A_257] : memref<696320x128xf32, #tpu.memory_space<hbm>> -> memref<680x128xf32, #tpu.memory_space<hbm>>
      %dma_start3A_259 = arith.constant 0 : i32
      %dma_start3A_260 = tpu.memref_slice %arg4[%add3A_138, %dma_start3A_259] : memref<696320x128xf32, #tpu.memory_space<hbm>> -> memref<680x128xf32, #tpu.memory_space<hbm>>
      tpu.enqueue_dma source(%arg6 : memref<680x128xf32, #tpu.memory_space<vmem>>) target(%dma_start3A_260 : memref<680x128xf32, #tpu.memory_space<hbm>>) target_semaphore(%run_scoped3A : memref<!tpu.dma_semaphore, #tpu.memory_space<semaphore_mem>>)
      %dma_wait3A_261 = arith.constant 0 : i32
      %dma_wait3A_262 = tpu.memref_slice %arg4[%add3A_138, %dma_wait3A_261] : memref<696320x128xf32, #tpu.memory_space<hbm>> -> memref<680x128xf32, #tpu.memory_space<hbm>>
      %dma_wait3A_263 = arith.constant 0 : i32
      %dma_wait3A_264 = tpu.memref_slice %arg4[%add3A_138, %dma_wait3A_263] : memref<696320x128xf32, #tpu.memory_space<hbm>> -> memref<680x128xf32, #tpu.memory_space<hbm>>
      tpu.wait_dma2 semaphore(%run_scoped3A : memref<!tpu.dma_semaphore, #tpu.memory_space<semaphore_mem>>) src(%arg6 : memref<680x128xf32, #tpu.memory_space<vmem>>) dst(%dma_wait3A_264 : memref<680x128xf32, #tpu.memory_space<hbm>>)
      tpu.yield
    }) : () -> ()
    %add3A_145 = arith.constant 12240 : i32
    %add3A_146 = arith.addi %mul3A_2, %add3A_145 : i32
    "tpu.region"() ({
      %run_scoped3A = tpu.sem_alloc : memref<!tpu.dma_semaphore, #tpu.memory_space<semaphore_mem>>
      %dma_start3A_257 = tpu.memref_slice %arg3[%add3A_146] : memref<696320xi32, #tpu.memory_space<hbm>> -> memref<680xi32, #tpu.memory_space<hbm>>
      %dma_start3A_258 = tpu.memref_slice %arg3[%add3A_146] : memref<696320xi32, #tpu.memory_space<hbm>> -> memref<680xi32, #tpu.memory_space<hbm>>
      tpu.enqueue_dma source(%dma_start3A_258 : memref<680xi32, #tpu.memory_space<hbm>>) target(%arg5 : memref<680xi32, #tpu.memory_space<vmem>>) target_semaphore(%run_scoped3A : memref<!tpu.dma_semaphore, #tpu.memory_space<semaphore_mem>>)
      %dma_wait3A_259 = tpu.memref_slice %arg3[%add3A_146] : memref<696320xi32, #tpu.memory_space<hbm>> -> memref<680xi32, #tpu.memory_space<hbm>>
      %dma_wait3A_260 = tpu.memref_slice %arg3[%add3A_146] : memref<696320xi32, #tpu.memory_space<hbm>> -> memref<680xi32, #tpu.memory_space<hbm>>
      tpu.wait_dma2 semaphore(%run_scoped3A : memref<!tpu.dma_semaphore, #tpu.memory_space<semaphore_mem>>) src(%dma_wait3A_260 : memref<680xi32, #tpu.memory_space<hbm>>) dst(%arg5 : memref<680xi32, #tpu.memory_space<vmem>>)
      tpu.yield
    }) : () -> ()
    %dma_start3A_147 = arith.constant 0 : i32
    %dma_start3A_148 = arith.constant 0 : i32
    %dma_start3A_149 = tpu.memref_slice %arg2[%dma_start3A_147, %dma_start3A_148] : memref<10880x128xf32, #tpu.memory_space<hbm>> -> memref<10880x128xf32, #tpu.memory_space<hbm>>
    tpu.enqueue_indirect_dma source(%dma_start3A_149 : memref<10880x128xf32, #tpu.memory_space<hbm>>) target(%arg6 : memref<680x128xf32, #tpu.memory_space<vmem>>) offsets(%arg5 : memref<680xi32, #tpu.memory_space<vmem>>) semaphore(%arg7 : memref<!tpu.dma_semaphore, #tpu.memory_space<semaphore_mem>>)
    %dma_wait3A_150 = arith.constant 0 : i32
    %dma_wait3A_151 = arith.constant 0 : i32
    %dma_wait3A_152 = tpu.memref_slice %arg2[%dma_wait3A_150, %dma_wait3A_151] : memref<10880x128xf32, #tpu.memory_space<hbm>> -> memref<10880x128xf32, #tpu.memory_space<hbm>>
    tpu.wait_indirect_dma semaphore(%arg7 : memref<!tpu.dma_semaphore, #tpu.memory_space<semaphore_mem>>) src(%dma_wait3A_152 : memref<10880x128xf32, #tpu.memory_space<hbm>>) dst(%arg6 : memref<680x128xf32, #tpu.memory_space<vmem>>)
    "tpu.region"() ({
      %run_scoped3A = tpu.sem_alloc : memref<!tpu.dma_semaphore, #tpu.memory_space<semaphore_mem>>
      %dma_start3A_257 = arith.constant 0 : i32
      %dma_start3A_258 = tpu.memref_slice %arg4[%add3A_146, %dma_start3A_257] : memref<696320x128xf32, #tpu.memory_space<hbm>> -> memref<680x128xf32, #tpu.memory_space<hbm>>
      %dma_start3A_259 = arith.constant 0 : i32
      %dma_start3A_260 = tpu.memref_slice %arg4[%add3A_146, %dma_start3A_259] : memref<696320x128xf32, #tpu.memory_space<hbm>> -> memref<680x128xf32, #tpu.memory_space<hbm>>
      tpu.enqueue_dma source(%arg6 : memref<680x128xf32, #tpu.memory_space<vmem>>) target(%dma_start3A_260 : memref<680x128xf32, #tpu.memory_space<hbm>>) target_semaphore(%run_scoped3A : memref<!tpu.dma_semaphore, #tpu.memory_space<semaphore_mem>>)
      %dma_wait3A_261 = arith.constant 0 : i32
      %dma_wait3A_262 = tpu.memref_slice %arg4[%add3A_146, %dma_wait3A_261] : memref<696320x128xf32, #tpu.memory_space<hbm>> -> memref<680x128xf32, #tpu.memory_space<hbm>>
      %dma_wait3A_263 = arith.constant 0 : i32
      %dma_wait3A_264 = tpu.memref_slice %arg4[%add3A_146, %dma_wait3A_263] : memref<696320x128xf32, #tpu.memory_space<hbm>> -> memref<680x128xf32, #tpu.memory_space<hbm>>
      tpu.wait_dma2 semaphore(%run_scoped3A : memref<!tpu.dma_semaphore, #tpu.memory_space<semaphore_mem>>) src(%arg6 : memref<680x128xf32, #tpu.memory_space<vmem>>) dst(%dma_wait3A_264 : memref<680x128xf32, #tpu.memory_space<hbm>>)
      tpu.yield
    }) : () -> ()
    %add3A_153 = arith.constant 12920 : i32
    %add3A_154 = arith.addi %mul3A_2, %add3A_153 : i32
    "tpu.region"() ({
      %run_scoped3A = tpu.sem_alloc : memref<!tpu.dma_semaphore, #tpu.memory_space<semaphore_mem>>
      %dma_start3A_257 = tpu.memref_slice %arg3[%add3A_154] : memref<696320xi32, #tpu.memory_space<hbm>> -> memref<680xi32, #tpu.memory_space<hbm>>
      %dma_start3A_258 = tpu.memref_slice %arg3[%add3A_154] : memref<696320xi32, #tpu.memory_space<hbm>> -> memref<680xi32, #tpu.memory_space<hbm>>
      tpu.enqueue_dma source(%dma_start3A_258 : memref<680xi32, #tpu.memory_space<hbm>>) target(%arg5 : memref<680xi32, #tpu.memory_space<vmem>>) target_semaphore(%run_scoped3A : memref<!tpu.dma_semaphore, #tpu.memory_space<semaphore_mem>>)
      %dma_wait3A_259 = tpu.memref_slice %arg3[%add3A_154] : memref<696320xi32, #tpu.memory_space<hbm>> -> memref<680xi32, #tpu.memory_space<hbm>>
      %dma_wait3A_260 = tpu.memref_slice %arg3[%add3A_154] : memref<696320xi32, #tpu.memory_space<hbm>> -> memref<680xi32, #tpu.memory_space<hbm>>
      tpu.wait_dma2 semaphore(%run_scoped3A : memref<!tpu.dma_semaphore, #tpu.memory_space<semaphore_mem>>) src(%dma_wait3A_260 : memref<680xi32, #tpu.memory_space<hbm>>) dst(%arg5 : memref<680xi32, #tpu.memory_space<vmem>>)
      tpu.yield
    }) : () -> ()
    %dma_start3A_155 = arith.constant 0 : i32
    %dma_start3A_156 = arith.constant 0 : i32
    %dma_start3A_157 = tpu.memref_slice %arg2[%dma_start3A_155, %dma_start3A_156] : memref<10880x128xf32, #tpu.memory_space<hbm>> -> memref<10880x128xf32, #tpu.memory_space<hbm>>
    tpu.enqueue_indirect_dma source(%dma_start3A_157 : memref<10880x128xf32, #tpu.memory_space<hbm>>) target(%arg6 : memref<680x128xf32, #tpu.memory_space<vmem>>) offsets(%arg5 : memref<680xi32, #tpu.memory_space<vmem>>) semaphore(%arg7 : memref<!tpu.dma_semaphore, #tpu.memory_space<semaphore_mem>>)
    %dma_wait3A_158 = arith.constant 0 : i32
    %dma_wait3A_159 = arith.constant 0 : i32
    %dma_wait3A_160 = tpu.memref_slice %arg2[%dma_wait3A_158, %dma_wait3A_159] : memref<10880x128xf32, #tpu.memory_space<hbm>> -> memref<10880x128xf32, #tpu.memory_space<hbm>>
    tpu.wait_indirect_dma semaphore(%arg7 : memref<!tpu.dma_semaphore, #tpu.memory_space<semaphore_mem>>) src(%dma_wait3A_160 : memref<10880x128xf32, #tpu.memory_space<hbm>>) dst(%arg6 : memref<680x128xf32, #tpu.memory_space<vmem>>)
    "tpu.region"() ({
      %run_scoped3A = tpu.sem_alloc : memref<!tpu.dma_semaphore, #tpu.memory_space<semaphore_mem>>
      %dma_start3A_257 = arith.constant 0 : i32
      %dma_start3A_258 = tpu.memref_slice %arg4[%add3A_154, %dma_start3A_257] : memref<696320x128xf32, #tpu.memory_space<hbm>> -> memref<680x128xf32, #tpu.memory_space<hbm>>
      %dma_start3A_259 = arith.constant 0 : i32
      %dma_start3A_260 = tpu.memref_slice %arg4[%add3A_154, %dma_start3A_259] : memref<696320x128xf32, #tpu.memory_space<hbm>> -> memref<680x128xf32, #tpu.memory_space<hbm>>
      tpu.enqueue_dma source(%arg6 : memref<680x128xf32, #tpu.memory_space<vmem>>) target(%dma_start3A_260 : memref<680x128xf32, #tpu.memory_space<hbm>>) target_semaphore(%run_scoped3A : memref<!tpu.dma_semaphore, #tpu.memory_space<semaphore_mem>>)
      %dma_wait3A_261 = arith.constant 0 : i32
      %dma_wait3A_262 = tpu.memref_slice %arg4[%add3A_154, %dma_wait3A_261] : memref<696320x128xf32, #tpu.memory_space<hbm>> -> memref<680x128xf32, #tpu.memory_space<hbm>>
      %dma_wait3A_263 = arith.constant 0 : i32
      %dma_wait3A_264 = tpu.memref_slice %arg4[%add3A_154, %dma_wait3A_263] : memref<696320x128xf32, #tpu.memory_space<hbm>> -> memref<680x128xf32, #tpu.memory_space<hbm>>
      tpu.wait_dma2 semaphore(%run_scoped3A : memref<!tpu.dma_semaphore, #tpu.memory_space<semaphore_mem>>) src(%arg6 : memref<680x128xf32, #tpu.memory_space<vmem>>) dst(%dma_wait3A_264 : memref<680x128xf32, #tpu.memory_space<hbm>>)
      tpu.yield
    }) : () -> ()
    %add3A_161 = arith.constant 13600 : i32
    %add3A_162 = arith.addi %mul3A_2, %add3A_161 : i32
    "tpu.region"() ({
      %run_scoped3A = tpu.sem_alloc : memref<!tpu.dma_semaphore, #tpu.memory_space<semaphore_mem>>
      %dma_start3A_257 = tpu.memref_slice %arg3[%add3A_162] : memref<696320xi32, #tpu.memory_space<hbm>> -> memref<680xi32, #tpu.memory_space<hbm>>
      %dma_start3A_258 = tpu.memref_slice %arg3[%add3A_162] : memref<696320xi32, #tpu.memory_space<hbm>> -> memref<680xi32, #tpu.memory_space<hbm>>
      tpu.enqueue_dma source(%dma_start3A_258 : memref<680xi32, #tpu.memory_space<hbm>>) target(%arg5 : memref<680xi32, #tpu.memory_space<vmem>>) target_semaphore(%run_scoped3A : memref<!tpu.dma_semaphore, #tpu.memory_space<semaphore_mem>>)
      %dma_wait3A_259 = tpu.memref_slice %arg3[%add3A_162] : memref<696320xi32, #tpu.memory_space<hbm>> -> memref<680xi32, #tpu.memory_space<hbm>>
      %dma_wait3A_260 = tpu.memref_slice %arg3[%add3A_162] : memref<696320xi32, #tpu.memory_space<hbm>> -> memref<680xi32, #tpu.memory_space<hbm>>
      tpu.wait_dma2 semaphore(%run_scoped3A : memref<!tpu.dma_semaphore, #tpu.memory_space<semaphore_mem>>) src(%dma_wait3A_260 : memref<680xi32, #tpu.memory_space<hbm>>) dst(%arg5 : memref<680xi32, #tpu.memory_space<vmem>>)
      tpu.yield
    }) : () -> ()
    %dma_start3A_163 = arith.constant 0 : i32
    %dma_start3A_164 = arith.constant 0 : i32
    %dma_start3A_165 = tpu.memref_slice %arg2[%dma_start3A_163, %dma_start3A_164] : memref<10880x128xf32, #tpu.memory_space<hbm>> -> memref<10880x128xf32, #tpu.memory_space<hbm>>
    tpu.enqueue_indirect_dma source(%dma_start3A_165 : memref<10880x128xf32, #tpu.memory_space<hbm>>) target(%arg6 : memref<680x128xf32, #tpu.memory_space<vmem>>) offsets(%arg5 : memref<680xi32, #tpu.memory_space<vmem>>) semaphore(%arg7 : memref<!tpu.dma_semaphore, #tpu.memory_space<semaphore_mem>>)
    %dma_wait3A_166 = arith.constant 0 : i32
    %dma_wait3A_167 = arith.constant 0 : i32
    %dma_wait3A_168 = tpu.memref_slice %arg2[%dma_wait3A_166, %dma_wait3A_167] : memref<10880x128xf32, #tpu.memory_space<hbm>> -> memref<10880x128xf32, #tpu.memory_space<hbm>>
    tpu.wait_indirect_dma semaphore(%arg7 : memref<!tpu.dma_semaphore, #tpu.memory_space<semaphore_mem>>) src(%dma_wait3A_168 : memref<10880x128xf32, #tpu.memory_space<hbm>>) dst(%arg6 : memref<680x128xf32, #tpu.memory_space<vmem>>)
    "tpu.region"() ({
      %run_scoped3A = tpu.sem_alloc : memref<!tpu.dma_semaphore, #tpu.memory_space<semaphore_mem>>
      %dma_start3A_257 = arith.constant 0 : i32
      %dma_start3A_258 = tpu.memref_slice %arg4[%add3A_162, %dma_start3A_257] : memref<696320x128xf32, #tpu.memory_space<hbm>> -> memref<680x128xf32, #tpu.memory_space<hbm>>
      %dma_start3A_259 = arith.constant 0 : i32
      %dma_start3A_260 = tpu.memref_slice %arg4[%add3A_162, %dma_start3A_259] : memref<696320x128xf32, #tpu.memory_space<hbm>> -> memref<680x128xf32, #tpu.memory_space<hbm>>
      tpu.enqueue_dma source(%arg6 : memref<680x128xf32, #tpu.memory_space<vmem>>) target(%dma_start3A_260 : memref<680x128xf32, #tpu.memory_space<hbm>>) target_semaphore(%run_scoped3A : memref<!tpu.dma_semaphore, #tpu.memory_space<semaphore_mem>>)
      %dma_wait3A_261 = arith.constant 0 : i32
      %dma_wait3A_262 = tpu.memref_slice %arg4[%add3A_162, %dma_wait3A_261] : memref<696320x128xf32, #tpu.memory_space<hbm>> -> memref<680x128xf32, #tpu.memory_space<hbm>>
      %dma_wait3A_263 = arith.constant 0 : i32
      %dma_wait3A_264 = tpu.memref_slice %arg4[%add3A_162, %dma_wait3A_263] : memref<696320x128xf32, #tpu.memory_space<hbm>> -> memref<680x128xf32, #tpu.memory_space<hbm>>
      tpu.wait_dma2 semaphore(%run_scoped3A : memref<!tpu.dma_semaphore, #tpu.memory_space<semaphore_mem>>) src(%arg6 : memref<680x128xf32, #tpu.memory_space<vmem>>) dst(%dma_wait3A_264 : memref<680x128xf32, #tpu.memory_space<hbm>>)
      tpu.yield
    }) : () -> ()
    %add3A_169 = arith.constant 14280 : i32
    %add3A_170 = arith.addi %mul3A_2, %add3A_169 : i32
    "tpu.region"() ({
      %run_scoped3A = tpu.sem_alloc : memref<!tpu.dma_semaphore, #tpu.memory_space<semaphore_mem>>
      %dma_start3A_257 = tpu.memref_slice %arg3[%add3A_170] : memref<696320xi32, #tpu.memory_space<hbm>> -> memref<680xi32, #tpu.memory_space<hbm>>
      %dma_start3A_258 = tpu.memref_slice %arg3[%add3A_170] : memref<696320xi32, #tpu.memory_space<hbm>> -> memref<680xi32, #tpu.memory_space<hbm>>
      tpu.enqueue_dma source(%dma_start3A_258 : memref<680xi32, #tpu.memory_space<hbm>>) target(%arg5 : memref<680xi32, #tpu.memory_space<vmem>>) target_semaphore(%run_scoped3A : memref<!tpu.dma_semaphore, #tpu.memory_space<semaphore_mem>>)
      %dma_wait3A_259 = tpu.memref_slice %arg3[%add3A_170] : memref<696320xi32, #tpu.memory_space<hbm>> -> memref<680xi32, #tpu.memory_space<hbm>>
      %dma_wait3A_260 = tpu.memref_slice %arg3[%add3A_170] : memref<696320xi32, #tpu.memory_space<hbm>> -> memref<680xi32, #tpu.memory_space<hbm>>
      tpu.wait_dma2 semaphore(%run_scoped3A : memref<!tpu.dma_semaphore, #tpu.memory_space<semaphore_mem>>) src(%dma_wait3A_260 : memref<680xi32, #tpu.memory_space<hbm>>) dst(%arg5 : memref<680xi32, #tpu.memory_space<vmem>>)
      tpu.yield
    }) : () -> ()
    %dma_start3A_171 = arith.constant 0 : i32
    %dma_start3A_172 = arith.constant 0 : i32
    %dma_start3A_173 = tpu.memref_slice %arg2[%dma_start3A_171, %dma_start3A_172] : memref<10880x128xf32, #tpu.memory_space<hbm>> -> memref<10880x128xf32, #tpu.memory_space<hbm>>
    tpu.enqueue_indirect_dma source(%dma_start3A_173 : memref<10880x128xf32, #tpu.memory_space<hbm>>) target(%arg6 : memref<680x128xf32, #tpu.memory_space<vmem>>) offsets(%arg5 : memref<680xi32, #tpu.memory_space<vmem>>) semaphore(%arg7 : memref<!tpu.dma_semaphore, #tpu.memory_space<semaphore_mem>>)
    %dma_wait3A_174 = arith.constant 0 : i32
    %dma_wait3A_175 = arith.constant 0 : i32
    %dma_wait3A_176 = tpu.memref_slice %arg2[%dma_wait3A_174, %dma_wait3A_175] : memref<10880x128xf32, #tpu.memory_space<hbm>> -> memref<10880x128xf32, #tpu.memory_space<hbm>>
    tpu.wait_indirect_dma semaphore(%arg7 : memref<!tpu.dma_semaphore, #tpu.memory_space<semaphore_mem>>) src(%dma_wait3A_176 : memref<10880x128xf32, #tpu.memory_space<hbm>>) dst(%arg6 : memref<680x128xf32, #tpu.memory_space<vmem>>)
    "tpu.region"() ({
      %run_scoped3A = tpu.sem_alloc : memref<!tpu.dma_semaphore, #tpu.memory_space<semaphore_mem>>
      %dma_start3A_257 = arith.constant 0 : i32
      %dma_start3A_258 = tpu.memref_slice %arg4[%add3A_170, %dma_start3A_257] : memref<696320x128xf32, #tpu.memory_space<hbm>> -> memref<680x128xf32, #tpu.memory_space<hbm>>
      %dma_start3A_259 = arith.constant 0 : i32
      %dma_start3A_260 = tpu.memref_slice %arg4[%add3A_170, %dma_start3A_259] : memref<696320x128xf32, #tpu.memory_space<hbm>> -> memref<680x128xf32, #tpu.memory_space<hbm>>
      tpu.enqueue_dma source(%arg6 : memref<680x128xf32, #tpu.memory_space<vmem>>) target(%dma_start3A_260 : memref<680x128xf32, #tpu.memory_space<hbm>>) target_semaphore(%run_scoped3A : memref<!tpu.dma_semaphore, #tpu.memory_space<semaphore_mem>>)
      %dma_wait3A_261 = arith.constant 0 : i32
      %dma_wait3A_262 = tpu.memref_slice %arg4[%add3A_170, %dma_wait3A_261] : memref<696320x128xf32, #tpu.memory_space<hbm>> -> memref<680x128xf32, #tpu.memory_space<hbm>>
      %dma_wait3A_263 = arith.constant 0 : i32
      %dma_wait3A_264 = tpu.memref_slice %arg4[%add3A_170, %dma_wait3A_263] : memref<696320x128xf32, #tpu.memory_space<hbm>> -> memref<680x128xf32, #tpu.memory_space<hbm>>
      tpu.wait_dma2 semaphore(%run_scoped3A : memref<!tpu.dma_semaphore, #tpu.memory_space<semaphore_mem>>) src(%arg6 : memref<680x128xf32, #tpu.memory_space<vmem>>) dst(%dma_wait3A_264 : memref<680x128xf32, #tpu.memory_space<hbm>>)
      tpu.yield
    }) : () -> ()
    %add3A_177 = arith.constant 14960 : i32
    %add3A_178 = arith.addi %mul3A_2, %add3A_177 : i32
    "tpu.region"() ({
      %run_scoped3A = tpu.sem_alloc : memref<!tpu.dma_semaphore, #tpu.memory_space<semaphore_mem>>
      %dma_start3A_257 = tpu.memref_slice %arg3[%add3A_178] : memref<696320xi32, #tpu.memory_space<hbm>> -> memref<680xi32, #tpu.memory_space<hbm>>
      %dma_start3A_258 = tpu.memref_slice %arg3[%add3A_178] : memref<696320xi32, #tpu.memory_space<hbm>> -> memref<680xi32, #tpu.memory_space<hbm>>
      tpu.enqueue_dma source(%dma_start3A_258 : memref<680xi32, #tpu.memory_space<hbm>>) target(%arg5 : memref<680xi32, #tpu.memory_space<vmem>>) target_semaphore(%run_scoped3A : memref<!tpu.dma_semaphore, #tpu.memory_space<semaphore_mem>>)
      %dma_wait3A_259 = tpu.memref_slice %arg3[%add3A_178] : memref<696320xi32, #tpu.memory_space<hbm>> -> memref<680xi32, #tpu.memory_space<hbm>>
      %dma_wait3A_260 = tpu.memref_slice %arg3[%add3A_178] : memref<696320xi32, #tpu.memory_space<hbm>> -> memref<680xi32, #tpu.memory_space<hbm>>
      tpu.wait_dma2 semaphore(%run_scoped3A : memref<!tpu.dma_semaphore, #tpu.memory_space<semaphore_mem>>) src(%dma_wait3A_260 : memref<680xi32, #tpu.memory_space<hbm>>) dst(%arg5 : memref<680xi32, #tpu.memory_space<vmem>>)
      tpu.yield
    }) : () -> ()
    %dma_start3A_179 = arith.constant 0 : i32
    %dma_start3A_180 = arith.constant 0 : i32
    %dma_start3A_181 = tpu.memref_slice %arg2[%dma_start3A_179, %dma_start3A_180] : memref<10880x128xf32, #tpu.memory_space<hbm>> -> memref<10880x128xf32, #tpu.memory_space<hbm>>
    tpu.enqueue_indirect_dma source(%dma_start3A_181 : memref<10880x128xf32, #tpu.memory_space<hbm>>) target(%arg6 : memref<680x128xf32, #tpu.memory_space<vmem>>) offsets(%arg5 : memref<680xi32, #tpu.memory_space<vmem>>) semaphore(%arg7 : memref<!tpu.dma_semaphore, #tpu.memory_space<semaphore_mem>>)
    %dma_wait3A_182 = arith.constant 0 : i32
    %dma_wait3A_183 = arith.constant 0 : i32
    %dma_wait3A_184 = tpu.memref_slice %arg2[%dma_wait3A_182, %dma_wait3A_183] : memref<10880x128xf32, #tpu.memory_space<hbm>> -> memref<10880x128xf32, #tpu.memory_space<hbm>>
    tpu.wait_indirect_dma semaphore(%arg7 : memref<!tpu.dma_semaphore, #tpu.memory_space<semaphore_mem>>) src(%dma_wait3A_184 : memref<10880x128xf32, #tpu.memory_space<hbm>>) dst(%arg6 : memref<680x128xf32, #tpu.memory_space<vmem>>)
    "tpu.region"() ({
      %run_scoped3A = tpu.sem_alloc : memref<!tpu.dma_semaphore, #tpu.memory_space<semaphore_mem>>
      %dma_start3A_257 = arith.constant 0 : i32
      %dma_start3A_258 = tpu.memref_slice %arg4[%add3A_178, %dma_start3A_257] : memref<696320x128xf32, #tpu.memory_space<hbm>> -> memref<680x128xf32, #tpu.memory_space<hbm>>
      %dma_start3A_259 = arith.constant 0 : i32
      %dma_start3A_260 = tpu.memref_slice %arg4[%add3A_178, %dma_start3A_259] : memref<696320x128xf32, #tpu.memory_space<hbm>> -> memref<680x128xf32, #tpu.memory_space<hbm>>
      tpu.enqueue_dma source(%arg6 : memref<680x128xf32, #tpu.memory_space<vmem>>) target(%dma_start3A_260 : memref<680x128xf32, #tpu.memory_space<hbm>>) target_semaphore(%run_scoped3A : memref<!tpu.dma_semaphore, #tpu.memory_space<semaphore_mem>>)
      %dma_wait3A_261 = arith.constant 0 : i32
      %dma_wait3A_262 = tpu.memref_slice %arg4[%add3A_178, %dma_wait3A_261] : memref<696320x128xf32, #tpu.memory_space<hbm>> -> memref<680x128xf32, #tpu.memory_space<hbm>>
      %dma_wait3A_263 = arith.constant 0 : i32
      %dma_wait3A_264 = tpu.memref_slice %arg4[%add3A_178, %dma_wait3A_263] : memref<696320x128xf32, #tpu.memory_space<hbm>> -> memref<680x128xf32, #tpu.memory_space<hbm>>
      tpu.wait_dma2 semaphore(%run_scoped3A : memref<!tpu.dma_semaphore, #tpu.memory_space<semaphore_mem>>) src(%arg6 : memref<680x128xf32, #tpu.memory_space<vmem>>) dst(%dma_wait3A_264 : memref<680x128xf32, #tpu.memory_space<hbm>>)
      tpu.yield
    }) : () -> ()
    %add3A_185 = arith.constant 15640 : i32
    %add3A_186 = arith.addi %mul3A_2, %add3A_185 : i32
    "tpu.region"() ({
      %run_scoped3A = tpu.sem_alloc : memref<!tpu.dma_semaphore, #tpu.memory_space<semaphore_mem>>
      %dma_start3A_257 = tpu.memref_slice %arg3[%add3A_186] : memref<696320xi32, #tpu.memory_space<hbm>> -> memref<680xi32, #tpu.memory_space<hbm>>
      %dma_start3A_258 = tpu.memref_slice %arg3[%add3A_186] : memref<696320xi32, #tpu.memory_space<hbm>> -> memref<680xi32, #tpu.memory_space<hbm>>
      tpu.enqueue_dma source(%dma_start3A_258 : memref<680xi32, #tpu.memory_space<hbm>>) target(%arg5 : memref<680xi32, #tpu.memory_space<vmem>>) target_semaphore(%run_scoped3A : memref<!tpu.dma_semaphore, #tpu.memory_space<semaphore_mem>>)
      %dma_wait3A_259 = tpu.memref_slice %arg3[%add3A_186] : memref<696320xi32, #tpu.memory_space<hbm>> -> memref<680xi32, #tpu.memory_space<hbm>>
      %dma_wait3A_260 = tpu.memref_slice %arg3[%add3A_186] : memref<696320xi32, #tpu.memory_space<hbm>> -> memref<680xi32, #tpu.memory_space<hbm>>
      tpu.wait_dma2 semaphore(%run_scoped3A : memref<!tpu.dma_semaphore, #tpu.memory_space<semaphore_mem>>) src(%dma_wait3A_260 : memref<680xi32, #tpu.memory_space<hbm>>) dst(%arg5 : memref<680xi32, #tpu.memory_space<vmem>>)
      tpu.yield
    }) : () -> ()
    %dma_start3A_187 = arith.constant 0 : i32
    %dma_start3A_188 = arith.constant 0 : i32
    %dma_start3A_189 = tpu.memref_slice %arg2[%dma_start3A_187, %dma_start3A_188] : memref<10880x128xf32, #tpu.memory_space<hbm>> -> memref<10880x128xf32, #tpu.memory_space<hbm>>
    tpu.enqueue_indirect_dma source(%dma_start3A_189 : memref<10880x128xf32, #tpu.memory_space<hbm>>) target(%arg6 : memref<680x128xf32, #tpu.memory_space<vmem>>) offsets(%arg5 : memref<680xi32, #tpu.memory_space<vmem>>) semaphore(%arg7 : memref<!tpu.dma_semaphore, #tpu.memory_space<semaphore_mem>>)
    %dma_wait3A_190 = arith.constant 0 : i32
    %dma_wait3A_191 = arith.constant 0 : i32
    %dma_wait3A_192 = tpu.memref_slice %arg2[%dma_wait3A_190, %dma_wait3A_191] : memref<10880x128xf32, #tpu.memory_space<hbm>> -> memref<10880x128xf32, #tpu.memory_space<hbm>>
    tpu.wait_indirect_dma semaphore(%arg7 : memref<!tpu.dma_semaphore, #tpu.memory_space<semaphore_mem>>) src(%dma_wait3A_192 : memref<10880x128xf32, #tpu.memory_space<hbm>>) dst(%arg6 : memref<680x128xf32, #tpu.memory_space<vmem>>)
    "tpu.region"() ({
      %run_scoped3A = tpu.sem_alloc : memref<!tpu.dma_semaphore, #tpu.memory_space<semaphore_mem>>
      %dma_start3A_257 = arith.constant 0 : i32
      %dma_start3A_258 = tpu.memref_slice %arg4[%add3A_186, %dma_start3A_257] : memref<696320x128xf32, #tpu.memory_space<hbm>> -> memref<680x128xf32, #tpu.memory_space<hbm>>
      %dma_start3A_259 = arith.constant 0 : i32
      %dma_start3A_260 = tpu.memref_slice %arg4[%add3A_186, %dma_start3A_259] : memref<696320x128xf32, #tpu.memory_space<hbm>> -> memref<680x128xf32, #tpu.memory_space<hbm>>
      tpu.enqueue_dma source(%arg6 : memref<680x128xf32, #tpu.memory_space<vmem>>) target(%dma_start3A_260 : memref<680x128xf32, #tpu.memory_space<hbm>>) target_semaphore(%run_scoped3A : memref<!tpu.dma_semaphore, #tpu.memory_space<semaphore_mem>>)
      %dma_wait3A_261 = arith.constant 0 : i32
      %dma_wait3A_262 = tpu.memref_slice %arg4[%add3A_186, %dma_wait3A_261] : memref<696320x128xf32, #tpu.memory_space<hbm>> -> memref<680x128xf32, #tpu.memory_space<hbm>>
      %dma_wait3A_263 = arith.constant 0 : i32
      %dma_wait3A_264 = tpu.memref_slice %arg4[%add3A_186, %dma_wait3A_263] : memref<696320x128xf32, #tpu.memory_space<hbm>> -> memref<680x128xf32, #tpu.memory_space<hbm>>
      tpu.wait_dma2 semaphore(%run_scoped3A : memref<!tpu.dma_semaphore, #tpu.memory_space<semaphore_mem>>) src(%arg6 : memref<680x128xf32, #tpu.memory_space<vmem>>) dst(%dma_wait3A_264 : memref<680x128xf32, #tpu.memory_space<hbm>>)
      tpu.yield
    }) : () -> ()
    %add3A_193 = arith.constant 16320 : i32
    %add3A_194 = arith.addi %mul3A_2, %add3A_193 : i32
    "tpu.region"() ({
      %run_scoped3A = tpu.sem_alloc : memref<!tpu.dma_semaphore, #tpu.memory_space<semaphore_mem>>
      %dma_start3A_257 = tpu.memref_slice %arg3[%add3A_194] : memref<696320xi32, #tpu.memory_space<hbm>> -> memref<680xi32, #tpu.memory_space<hbm>>
      %dma_start3A_258 = tpu.memref_slice %arg3[%add3A_194] : memref<696320xi32, #tpu.memory_space<hbm>> -> memref<680xi32, #tpu.memory_space<hbm>>
      tpu.enqueue_dma source(%dma_start3A_258 : memref<680xi32, #tpu.memory_space<hbm>>) target(%arg5 : memref<680xi32, #tpu.memory_space<vmem>>) target_semaphore(%run_scoped3A : memref<!tpu.dma_semaphore, #tpu.memory_space<semaphore_mem>>)
      %dma_wait3A_259 = tpu.memref_slice %arg3[%add3A_194] : memref<696320xi32, #tpu.memory_space<hbm>> -> memref<680xi32, #tpu.memory_space<hbm>>
      %dma_wait3A_260 = tpu.memref_slice %arg3[%add3A_194] : memref<696320xi32, #tpu.memory_space<hbm>> -> memref<680xi32, #tpu.memory_space<hbm>>
      tpu.wait_dma2 semaphore(%run_scoped3A : memref<!tpu.dma_semaphore, #tpu.memory_space<semaphore_mem>>) src(%dma_wait3A_260 : memref<680xi32, #tpu.memory_space<hbm>>) dst(%arg5 : memref<680xi32, #tpu.memory_space<vmem>>)
      tpu.yield
    }) : () -> ()
    %dma_start3A_195 = arith.constant 0 : i32
    %dma_start3A_196 = arith.constant 0 : i32
    %dma_start3A_197 = tpu.memref_slice %arg2[%dma_start3A_195, %dma_start3A_196] : memref<10880x128xf32, #tpu.memory_space<hbm>> -> memref<10880x128xf32, #tpu.memory_space<hbm>>
    tpu.enqueue_indirect_dma source(%dma_start3A_197 : memref<10880x128xf32, #tpu.memory_space<hbm>>) target(%arg6 : memref<680x128xf32, #tpu.memory_space<vmem>>) offsets(%arg5 : memref<680xi32, #tpu.memory_space<vmem>>) semaphore(%arg7 : memref<!tpu.dma_semaphore, #tpu.memory_space<semaphore_mem>>)
    %dma_wait3A_198 = arith.constant 0 : i32
    %dma_wait3A_199 = arith.constant 0 : i32
    %dma_wait3A_200 = tpu.memref_slice %arg2[%dma_wait3A_198, %dma_wait3A_199] : memref<10880x128xf32, #tpu.memory_space<hbm>> -> memref<10880x128xf32, #tpu.memory_space<hbm>>
    tpu.wait_indirect_dma semaphore(%arg7 : memref<!tpu.dma_semaphore, #tpu.memory_space<semaphore_mem>>) src(%dma_wait3A_200 : memref<10880x128xf32, #tpu.memory_space<hbm>>) dst(%arg6 : memref<680x128xf32, #tpu.memory_space<vmem>>)
    "tpu.region"() ({
      %run_scoped3A = tpu.sem_alloc : memref<!tpu.dma_semaphore, #tpu.memory_space<semaphore_mem>>
      %dma_start3A_257 = arith.constant 0 : i32
      %dma_start3A_258 = tpu.memref_slice %arg4[%add3A_194, %dma_start3A_257] : memref<696320x128xf32, #tpu.memory_space<hbm>> -> memref<680x128xf32, #tpu.memory_space<hbm>>
      %dma_start3A_259 = arith.constant 0 : i32
      %dma_start3A_260 = tpu.memref_slice %arg4[%add3A_194, %dma_start3A_259] : memref<696320x128xf32, #tpu.memory_space<hbm>> -> memref<680x128xf32, #tpu.memory_space<hbm>>
      tpu.enqueue_dma source(%arg6 : memref<680x128xf32, #tpu.memory_space<vmem>>) target(%dma_start3A_260 : memref<680x128xf32, #tpu.memory_space<hbm>>) target_semaphore(%run_scoped3A : memref<!tpu.dma_semaphore, #tpu.memory_space<semaphore_mem>>)
      %dma_wait3A_261 = arith.constant 0 : i32
      %dma_wait3A_262 = tpu.memref_slice %arg4[%add3A_194, %dma_wait3A_261] : memref<696320x128xf32, #tpu.memory_space<hbm>> -> memref<680x128xf32, #tpu.memory_space<hbm>>
      %dma_wait3A_263 = arith.constant 0 : i32
      %dma_wait3A_264 = tpu.memref_slice %arg4[%add3A_194, %dma_wait3A_263] : memref<696320x128xf32, #tpu.memory_space<hbm>> -> memref<680x128xf32, #tpu.memory_space<hbm>>
      tpu.wait_dma2 semaphore(%run_scoped3A : memref<!tpu.dma_semaphore, #tpu.memory_space<semaphore_mem>>) src(%arg6 : memref<680x128xf32, #tpu.memory_space<vmem>>) dst(%dma_wait3A_264 : memref<680x128xf32, #tpu.memory_space<hbm>>)
      tpu.yield
    }) : () -> ()
    %add3A_201 = arith.constant 17000 : i32
    %add3A_202 = arith.addi %mul3A_2, %add3A_201 : i32
    "tpu.region"() ({
      %run_scoped3A = tpu.sem_alloc : memref<!tpu.dma_semaphore, #tpu.memory_space<semaphore_mem>>
      %dma_start3A_257 = tpu.memref_slice %arg3[%add3A_202] : memref<696320xi32, #tpu.memory_space<hbm>> -> memref<680xi32, #tpu.memory_space<hbm>>
      %dma_start3A_258 = tpu.memref_slice %arg3[%add3A_202] : memref<696320xi32, #tpu.memory_space<hbm>> -> memref<680xi32, #tpu.memory_space<hbm>>
      tpu.enqueue_dma source(%dma_start3A_258 : memref<680xi32, #tpu.memory_space<hbm>>) target(%arg5 : memref<680xi32, #tpu.memory_space<vmem>>) target_semaphore(%run_scoped3A : memref<!tpu.dma_semaphore, #tpu.memory_space<semaphore_mem>>)
      %dma_wait3A_259 = tpu.memref_slice %arg3[%add3A_202] : memref<696320xi32, #tpu.memory_space<hbm>> -> memref<680xi32, #tpu.memory_space<hbm>>
      %dma_wait3A_260 = tpu.memref_slice %arg3[%add3A_202] : memref<696320xi32, #tpu.memory_space<hbm>> -> memref<680xi32, #tpu.memory_space<hbm>>
      tpu.wait_dma2 semaphore(%run_scoped3A : memref<!tpu.dma_semaphore, #tpu.memory_space<semaphore_mem>>) src(%dma_wait3A_260 : memref<680xi32, #tpu.memory_space<hbm>>) dst(%arg5 : memref<680xi32, #tpu.memory_space<vmem>>)
      tpu.yield
    }) : () -> ()
    %dma_start3A_203 = arith.constant 0 : i32
    %dma_start3A_204 = arith.constant 0 : i32
    %dma_start3A_205 = tpu.memref_slice %arg2[%dma_start3A_203, %dma_start3A_204] : memref<10880x128xf32, #tpu.memory_space<hbm>> -> memref<10880x128xf32, #tpu.memory_space<hbm>>
    tpu.enqueue_indirect_dma source(%dma_start3A_205 : memref<10880x128xf32, #tpu.memory_space<hbm>>) target(%arg6 : memref<680x128xf32, #tpu.memory_space<vmem>>) offsets(%arg5 : memref<680xi32, #tpu.memory_space<vmem>>) semaphore(%arg7 : memref<!tpu.dma_semaphore, #tpu.memory_space<semaphore_mem>>)
    %dma_wait3A_206 = arith.constant 0 : i32
    %dma_wait3A_207 = arith.constant 0 : i32
    %dma_wait3A_208 = tpu.memref_slice %arg2[%dma_wait3A_206, %dma_wait3A_207] : memref<10880x128xf32, #tpu.memory_space<hbm>> -> memref<10880x128xf32, #tpu.memory_space<hbm>>
    tpu.wait_indirect_dma semaphore(%arg7 : memref<!tpu.dma_semaphore, #tpu.memory_space<semaphore_mem>>) src(%dma_wait3A_208 : memref<10880x128xf32, #tpu.memory_space<hbm>>) dst(%arg6 : memref<680x128xf32, #tpu.memory_space<vmem>>)
    "tpu.region"() ({
      %run_scoped3A = tpu.sem_alloc : memref<!tpu.dma_semaphore, #tpu.memory_space<semaphore_mem>>
      %dma_start3A_257 = arith.constant 0 : i32
      %dma_start3A_258 = tpu.memref_slice %arg4[%add3A_202, %dma_start3A_257] : memref<696320x128xf32, #tpu.memory_space<hbm>> -> memref<680x128xf32, #tpu.memory_space<hbm>>
      %dma_start3A_259 = arith.constant 0 : i32
      %dma_start3A_260 = tpu.memref_slice %arg4[%add3A_202, %dma_start3A_259] : memref<696320x128xf32, #tpu.memory_space<hbm>> -> memref<680x128xf32, #tpu.memory_space<hbm>>
      tpu.enqueue_dma source(%arg6 : memref<680x128xf32, #tpu.memory_space<vmem>>) target(%dma_start3A_260 : memref<680x128xf32, #tpu.memory_space<hbm>>) target_semaphore(%run_scoped3A : memref<!tpu.dma_semaphore, #tpu.memory_space<semaphore_mem>>)
      %dma_wait3A_261 = arith.constant 0 : i32
      %dma_wait3A_262 = tpu.memref_slice %arg4[%add3A_202, %dma_wait3A_261] : memref<696320x128xf32, #tpu.memory_space<hbm>> -> memref<680x128xf32, #tpu.memory_space<hbm>>
      %dma_wait3A_263 = arith.constant 0 : i32
      %dma_wait3A_264 = tpu.memref_slice %arg4[%add3A_202, %dma_wait3A_263] : memref<696320x128xf32, #tpu.memory_space<hbm>> -> memref<680x128xf32, #tpu.memory_space<hbm>>
      tpu.wait_dma2 semaphore(%run_scoped3A : memref<!tpu.dma_semaphore, #tpu.memory_space<semaphore_mem>>) src(%arg6 : memref<680x128xf32, #tpu.memory_space<vmem>>) dst(%dma_wait3A_264 : memref<680x128xf32, #tpu.memory_space<hbm>>)
      tpu.yield
    }) : () -> ()
    %add3A_209 = arith.constant 17680 : i32
    %add3A_210 = arith.addi %mul3A_2, %add3A_209 : i32
    "tpu.region"() ({
      %run_scoped3A = tpu.sem_alloc : memref<!tpu.dma_semaphore, #tpu.memory_space<semaphore_mem>>
      %dma_start3A_257 = tpu.memref_slice %arg3[%add3A_210] : memref<696320xi32, #tpu.memory_space<hbm>> -> memref<680xi32, #tpu.memory_space<hbm>>
      %dma_start3A_258 = tpu.memref_slice %arg3[%add3A_210] : memref<696320xi32, #tpu.memory_space<hbm>> -> memref<680xi32, #tpu.memory_space<hbm>>
      tpu.enqueue_dma source(%dma_start3A_258 : memref<680xi32, #tpu.memory_space<hbm>>) target(%arg5 : memref<680xi32, #tpu.memory_space<vmem>>) target_semaphore(%run_scoped3A : memref<!tpu.dma_semaphore, #tpu.memory_space<semaphore_mem>>)
      %dma_wait3A_259 = tpu.memref_slice %arg3[%add3A_210] : memref<696320xi32, #tpu.memory_space<hbm>> -> memref<680xi32, #tpu.memory_space<hbm>>
      %dma_wait3A_260 = tpu.memref_slice %arg3[%add3A_210] : memref<696320xi32, #tpu.memory_space<hbm>> -> memref<680xi32, #tpu.memory_space<hbm>>
      tpu.wait_dma2 semaphore(%run_scoped3A : memref<!tpu.dma_semaphore, #tpu.memory_space<semaphore_mem>>) src(%dma_wait3A_260 : memref<680xi32, #tpu.memory_space<hbm>>) dst(%arg5 : memref<680xi32, #tpu.memory_space<vmem>>)
      tpu.yield
    }) : () -> ()
    %dma_start3A_211 = arith.constant 0 : i32
    %dma_start3A_212 = arith.constant 0 : i32
    %dma_start3A_213 = tpu.memref_slice %arg2[%dma_start3A_211, %dma_start3A_212] : memref<10880x128xf32, #tpu.memory_space<hbm>> -> memref<10880x128xf32, #tpu.memory_space<hbm>>
    tpu.enqueue_indirect_dma source(%dma_start3A_213 : memref<10880x128xf32, #tpu.memory_space<hbm>>) target(%arg6 : memref<680x128xf32, #tpu.memory_space<vmem>>) offsets(%arg5 : memref<680xi32, #tpu.memory_space<vmem>>) semaphore(%arg7 : memref<!tpu.dma_semaphore, #tpu.memory_space<semaphore_mem>>)
    %dma_wait3A_214 = arith.constant 0 : i32
    %dma_wait3A_215 = arith.constant 0 : i32
    %dma_wait3A_216 = tpu.memref_slice %arg2[%dma_wait3A_214, %dma_wait3A_215] : memref<10880x128xf32, #tpu.memory_space<hbm>> -> memref<10880x128xf32, #tpu.memory_space<hbm>>
    tpu.wait_indirect_dma semaphore(%arg7 : memref<!tpu.dma_semaphore, #tpu.memory_space<semaphore_mem>>) src(%dma_wait3A_216 : memref<10880x128xf32, #tpu.memory_space<hbm>>) dst(%arg6 : memref<680x128xf32, #tpu.memory_space<vmem>>)
    "tpu.region"() ({
      %run_scoped3A = tpu.sem_alloc : memref<!tpu.dma_semaphore, #tpu.memory_space<semaphore_mem>>
      %dma_start3A_257 = arith.constant 0 : i32
      %dma_start3A_258 = tpu.memref_slice %arg4[%add3A_210, %dma_start3A_257] : memref<696320x128xf32, #tpu.memory_space<hbm>> -> memref<680x128xf32, #tpu.memory_space<hbm>>
      %dma_start3A_259 = arith.constant 0 : i32
      %dma_start3A_260 = tpu.memref_slice %arg4[%add3A_210, %dma_start3A_259] : memref<696320x128xf32, #tpu.memory_space<hbm>> -> memref<680x128xf32, #tpu.memory_space<hbm>>
      tpu.enqueue_dma source(%arg6 : memref<680x128xf32, #tpu.memory_space<vmem>>) target(%dma_start3A_260 : memref<680x128xf32, #tpu.memory_space<hbm>>) target_semaphore(%run_scoped3A : memref<!tpu.dma_semaphore, #tpu.memory_space<semaphore_mem>>)
      %dma_wait3A_261 = arith.constant 0 : i32
      %dma_wait3A_262 = tpu.memref_slice %arg4[%add3A_210, %dma_wait3A_261] : memref<696320x128xf32, #tpu.memory_space<hbm>> -> memref<680x128xf32, #tpu.memory_space<hbm>>
      %dma_wait3A_263 = arith.constant 0 : i32
      %dma_wait3A_264 = tpu.memref_slice %arg4[%add3A_210, %dma_wait3A_263] : memref<696320x128xf32, #tpu.memory_space<hbm>> -> memref<680x128xf32, #tpu.memory_space<hbm>>
      tpu.wait_dma2 semaphore(%run_scoped3A : memref<!tpu.dma_semaphore, #tpu.memory_space<semaphore_mem>>) src(%arg6 : memref<680x128xf32, #tpu.memory_space<vmem>>) dst(%dma_wait3A_264 : memref<680x128xf32, #tpu.memory_space<hbm>>)
      tpu.yield
    }) : () -> ()
    %add3A_217 = arith.constant 18360 : i32
    %add3A_218 = arith.addi %mul3A_2, %add3A_217 : i32
    "tpu.region"() ({
      %run_scoped3A = tpu.sem_alloc : memref<!tpu.dma_semaphore, #tpu.memory_space<semaphore_mem>>
      %dma_start3A_257 = tpu.memref_slice %arg3[%add3A_218] : memref<696320xi32, #tpu.memory_space<hbm>> -> memref<680xi32, #tpu.memory_space<hbm>>
      %dma_start3A_258 = tpu.memref_slice %arg3[%add3A_218] : memref<696320xi32, #tpu.memory_space<hbm>> -> memref<680xi32, #tpu.memory_space<hbm>>
      tpu.enqueue_dma source(%dma_start3A_258 : memref<680xi32, #tpu.memory_space<hbm>>) target(%arg5 : memref<680xi32, #tpu.memory_space<vmem>>) target_semaphore(%run_scoped3A : memref<!tpu.dma_semaphore, #tpu.memory_space<semaphore_mem>>)
      %dma_wait3A_259 = tpu.memref_slice %arg3[%add3A_218] : memref<696320xi32, #tpu.memory_space<hbm>> -> memref<680xi32, #tpu.memory_space<hbm>>
      %dma_wait3A_260 = tpu.memref_slice %arg3[%add3A_218] : memref<696320xi32, #tpu.memory_space<hbm>> -> memref<680xi32, #tpu.memory_space<hbm>>
      tpu.wait_dma2 semaphore(%run_scoped3A : memref<!tpu.dma_semaphore, #tpu.memory_space<semaphore_mem>>) src(%dma_wait3A_260 : memref<680xi32, #tpu.memory_space<hbm>>) dst(%arg5 : memref<680xi32, #tpu.memory_space<vmem>>)
      tpu.yield
    }) : () -> ()
    %dma_start3A_219 = arith.constant 0 : i32
    %dma_start3A_220 = arith.constant 0 : i32
    %dma_start3A_221 = tpu.memref_slice %arg2[%dma_start3A_219, %dma_start3A_220] : memref<10880x128xf32, #tpu.memory_space<hbm>> -> memref<10880x128xf32, #tpu.memory_space<hbm>>
    tpu.enqueue_indirect_dma source(%dma_start3A_221 : memref<10880x128xf32, #tpu.memory_space<hbm>>) target(%arg6 : memref<680x128xf32, #tpu.memory_space<vmem>>) offsets(%arg5 : memref<680xi32, #tpu.memory_space<vmem>>) semaphore(%arg7 : memref<!tpu.dma_semaphore, #tpu.memory_space<semaphore_mem>>)
    %dma_wait3A_222 = arith.constant 0 : i32
    %dma_wait3A_223 = arith.constant 0 : i32
    %dma_wait3A_224 = tpu.memref_slice %arg2[%dma_wait3A_222, %dma_wait3A_223] : memref<10880x128xf32, #tpu.memory_space<hbm>> -> memref<10880x128xf32, #tpu.memory_space<hbm>>
    tpu.wait_indirect_dma semaphore(%arg7 : memref<!tpu.dma_semaphore, #tpu.memory_space<semaphore_mem>>) src(%dma_wait3A_224 : memref<10880x128xf32, #tpu.memory_space<hbm>>) dst(%arg6 : memref<680x128xf32, #tpu.memory_space<vmem>>)
    "tpu.region"() ({
      %run_scoped3A = tpu.sem_alloc : memref<!tpu.dma_semaphore, #tpu.memory_space<semaphore_mem>>
      %dma_start3A_257 = arith.constant 0 : i32
      %dma_start3A_258 = tpu.memref_slice %arg4[%add3A_218, %dma_start3A_257] : memref<696320x128xf32, #tpu.memory_space<hbm>> -> memref<680x128xf32, #tpu.memory_space<hbm>>
      %dma_start3A_259 = arith.constant 0 : i32
      %dma_start3A_260 = tpu.memref_slice %arg4[%add3A_218, %dma_start3A_259] : memref<696320x128xf32, #tpu.memory_space<hbm>> -> memref<680x128xf32, #tpu.memory_space<hbm>>
      tpu.enqueue_dma source(%arg6 : memref<680x128xf32, #tpu.memory_space<vmem>>) target(%dma_start3A_260 : memref<680x128xf32, #tpu.memory_space<hbm>>) target_semaphore(%run_scoped3A : memref<!tpu.dma_semaphore, #tpu.memory_space<semaphore_mem>>)
      %dma_wait3A_261 = arith.constant 0 : i32
      %dma_wait3A_262 = tpu.memref_slice %arg4[%add3A_218, %dma_wait3A_261] : memref<696320x128xf32, #tpu.memory_space<hbm>> -> memref<680x128xf32, #tpu.memory_space<hbm>>
      %dma_wait3A_263 = arith.constant 0 : i32
      %dma_wait3A_264 = tpu.memref_slice %arg4[%add3A_218, %dma_wait3A_263] : memref<696320x128xf32, #tpu.memory_space<hbm>> -> memref<680x128xf32, #tpu.memory_space<hbm>>
      tpu.wait_dma2 semaphore(%run_scoped3A : memref<!tpu.dma_semaphore, #tpu.memory_space<semaphore_mem>>) src(%arg6 : memref<680x128xf32, #tpu.memory_space<vmem>>) dst(%dma_wait3A_264 : memref<680x128xf32, #tpu.memory_space<hbm>>)
      tpu.yield
    }) : () -> ()
    %add3A_225 = arith.constant 19040 : i32
    %add3A_226 = arith.addi %mul3A_2, %add3A_225 : i32
    "tpu.region"() ({
      %run_scoped3A = tpu.sem_alloc : memref<!tpu.dma_semaphore, #tpu.memory_space<semaphore_mem>>
      %dma_start3A_257 = tpu.memref_slice %arg3[%add3A_226] : memref<696320xi32, #tpu.memory_space<hbm>> -> memref<680xi32, #tpu.memory_space<hbm>>
      %dma_start3A_258 = tpu.memref_slice %arg3[%add3A_226] : memref<696320xi32, #tpu.memory_space<hbm>> -> memref<680xi32, #tpu.memory_space<hbm>>
      tpu.enqueue_dma source(%dma_start3A_258 : memref<680xi32, #tpu.memory_space<hbm>>) target(%arg5 : memref<680xi32, #tpu.memory_space<vmem>>) target_semaphore(%run_scoped3A : memref<!tpu.dma_semaphore, #tpu.memory_space<semaphore_mem>>)
      %dma_wait3A_259 = tpu.memref_slice %arg3[%add3A_226] : memref<696320xi32, #tpu.memory_space<hbm>> -> memref<680xi32, #tpu.memory_space<hbm>>
      %dma_wait3A_260 = tpu.memref_slice %arg3[%add3A_226] : memref<696320xi32, #tpu.memory_space<hbm>> -> memref<680xi32, #tpu.memory_space<hbm>>
      tpu.wait_dma2 semaphore(%run_scoped3A : memref<!tpu.dma_semaphore, #tpu.memory_space<semaphore_mem>>) src(%dma_wait3A_260 : memref<680xi32, #tpu.memory_space<hbm>>) dst(%arg5 : memref<680xi32, #tpu.memory_space<vmem>>)
      tpu.yield
    }) : () -> ()
    %dma_start3A_227 = arith.constant 0 : i32
    %dma_start3A_228 = arith.constant 0 : i32
    %dma_start3A_229 = tpu.memref_slice %arg2[%dma_start3A_227, %dma_start3A_228] : memref<10880x128xf32, #tpu.memory_space<hbm>> -> memref<10880x128xf32, #tpu.memory_space<hbm>>
    tpu.enqueue_indirect_dma source(%dma_start3A_229 : memref<10880x128xf32, #tpu.memory_space<hbm>>) target(%arg6 : memref<680x128xf32, #tpu.memory_space<vmem>>) offsets(%arg5 : memref<680xi32, #tpu.memory_space<vmem>>) semaphore(%arg7 : memref<!tpu.dma_semaphore, #tpu.memory_space<semaphore_mem>>)
    %dma_wait3A_230 = arith.constant 0 : i32
    %dma_wait3A_231 = arith.constant 0 : i32
    %dma_wait3A_232 = tpu.memref_slice %arg2[%dma_wait3A_230, %dma_wait3A_231] : memref<10880x128xf32, #tpu.memory_space<hbm>> -> memref<10880x128xf32, #tpu.memory_space<hbm>>
    tpu.wait_indirect_dma semaphore(%arg7 : memref<!tpu.dma_semaphore, #tpu.memory_space<semaphore_mem>>) src(%dma_wait3A_232 : memref<10880x128xf32, #tpu.memory_space<hbm>>) dst(%arg6 : memref<680x128xf32, #tpu.memory_space<vmem>>)
    "tpu.region"() ({
      %run_scoped3A = tpu.sem_alloc : memref<!tpu.dma_semaphore, #tpu.memory_space<semaphore_mem>>
      %dma_start3A_257 = arith.constant 0 : i32
      %dma_start3A_258 = tpu.memref_slice %arg4[%add3A_226, %dma_start3A_257] : memref<696320x128xf32, #tpu.memory_space<hbm>> -> memref<680x128xf32, #tpu.memory_space<hbm>>
      %dma_start3A_259 = arith.constant 0 : i32
      %dma_start3A_260 = tpu.memref_slice %arg4[%add3A_226, %dma_start3A_259] : memref<696320x128xf32, #tpu.memory_space<hbm>> -> memref<680x128xf32, #tpu.memory_space<hbm>>
      tpu.enqueue_dma source(%arg6 : memref<680x128xf32, #tpu.memory_space<vmem>>) target(%dma_start3A_260 : memref<680x128xf32, #tpu.memory_space<hbm>>) target_semaphore(%run_scoped3A : memref<!tpu.dma_semaphore, #tpu.memory_space<semaphore_mem>>)
      %dma_wait3A_261 = arith.constant 0 : i32
      %dma_wait3A_262 = tpu.memref_slice %arg4[%add3A_226, %dma_wait3A_261] : memref<696320x128xf32, #tpu.memory_space<hbm>> -> memref<680x128xf32, #tpu.memory_space<hbm>>
      %dma_wait3A_263 = arith.constant 0 : i32
      %dma_wait3A_264 = tpu.memref_slice %arg4[%add3A_226, %dma_wait3A_263] : memref<696320x128xf32, #tpu.memory_space<hbm>> -> memref<680x128xf32, #tpu.memory_space<hbm>>
      tpu.wait_dma2 semaphore(%run_scoped3A : memref<!tpu.dma_semaphore, #tpu.memory_space<semaphore_mem>>) src(%arg6 : memref<680x128xf32, #tpu.memory_space<vmem>>) dst(%dma_wait3A_264 : memref<680x128xf32, #tpu.memory_space<hbm>>)
      tpu.yield
    }) : () -> ()
    %add3A_233 = arith.constant 19720 : i32
    %add3A_234 = arith.addi %mul3A_2, %add3A_233 : i32
    "tpu.region"() ({
      %run_scoped3A = tpu.sem_alloc : memref<!tpu.dma_semaphore, #tpu.memory_space<semaphore_mem>>
      %dma_start3A_257 = tpu.memref_slice %arg3[%add3A_234] : memref<696320xi32, #tpu.memory_space<hbm>> -> memref<680xi32, #tpu.memory_space<hbm>>
      %dma_start3A_258 = tpu.memref_slice %arg3[%add3A_234] : memref<696320xi32, #tpu.memory_space<hbm>> -> memref<680xi32, #tpu.memory_space<hbm>>
      tpu.enqueue_dma source(%dma_start3A_258 : memref<680xi32, #tpu.memory_space<hbm>>) target(%arg5 : memref<680xi32, #tpu.memory_space<vmem>>) target_semaphore(%run_scoped3A : memref<!tpu.dma_semaphore, #tpu.memory_space<semaphore_mem>>)
      %dma_wait3A_259 = tpu.memref_slice %arg3[%add3A_234] : memref<696320xi32, #tpu.memory_space<hbm>> -> memref<680xi32, #tpu.memory_space<hbm>>
      %dma_wait3A_260 = tpu.memref_slice %arg3[%add3A_234] : memref<696320xi32, #tpu.memory_space<hbm>> -> memref<680xi32, #tpu.memory_space<hbm>>
      tpu.wait_dma2 semaphore(%run_scoped3A : memref<!tpu.dma_semaphore, #tpu.memory_space<semaphore_mem>>) src(%dma_wait3A_260 : memref<680xi32, #tpu.memory_space<hbm>>) dst(%arg5 : memref<680xi32, #tpu.memory_space<vmem>>)
      tpu.yield
    }) : () -> ()
    %dma_start3A_235 = arith.constant 0 : i32
    %dma_start3A_236 = arith.constant 0 : i32
    %dma_start3A_237 = tpu.memref_slice %arg2[%dma_start3A_235, %dma_start3A_236] : memref<10880x128xf32, #tpu.memory_space<hbm>> -> memref<10880x128xf32, #tpu.memory_space<hbm>>
    tpu.enqueue_indirect_dma source(%dma_start3A_237 : memref<10880x128xf32, #tpu.memory_space<hbm>>) target(%arg6 : memref<680x128xf32, #tpu.memory_space<vmem>>) offsets(%arg5 : memref<680xi32, #tpu.memory_space<vmem>>) semaphore(%arg7 : memref<!tpu.dma_semaphore, #tpu.memory_space<semaphore_mem>>)
    %dma_wait3A_238 = arith.constant 0 : i32
    %dma_wait3A_239 = arith.constant 0 : i32
    %dma_wait3A_240 = tpu.memref_slice %arg2[%dma_wait3A_238, %dma_wait3A_239] : memref<10880x128xf32, #tpu.memory_space<hbm>> -> memref<10880x128xf32, #tpu.memory_space<hbm>>
    tpu.wait_indirect_dma semaphore(%arg7 : memref<!tpu.dma_semaphore, #tpu.memory_space<semaphore_mem>>) src(%dma_wait3A_240 : memref<10880x128xf32, #tpu.memory_space<hbm>>) dst(%arg6 : memref<680x128xf32, #tpu.memory_space<vmem>>)
    "tpu.region"() ({
      %run_scoped3A = tpu.sem_alloc : memref<!tpu.dma_semaphore, #tpu.memory_space<semaphore_mem>>
      %dma_start3A_257 = arith.constant 0 : i32
      %dma_start3A_258 = tpu.memref_slice %arg4[%add3A_234, %dma_start3A_257] : memref<696320x128xf32, #tpu.memory_space<hbm>> -> memref<680x128xf32, #tpu.memory_space<hbm>>
      %dma_start3A_259 = arith.constant 0 : i32
      %dma_start3A_260 = tpu.memref_slice %arg4[%add3A_234, %dma_start3A_259] : memref<696320x128xf32, #tpu.memory_space<hbm>> -> memref<680x128xf32, #tpu.memory_space<hbm>>
      tpu.enqueue_dma source(%arg6 : memref<680x128xf32, #tpu.memory_space<vmem>>) target(%dma_start3A_260 : memref<680x128xf32, #tpu.memory_space<hbm>>) target_semaphore(%run_scoped3A : memref<!tpu.dma_semaphore, #tpu.memory_space<semaphore_mem>>)
      %dma_wait3A_261 = arith.constant 0 : i32
      %dma_wait3A_262 = tpu.memref_slice %arg4[%add3A_234, %dma_wait3A_261] : memref<696320x128xf32, #tpu.memory_space<hbm>> -> memref<680x128xf32, #tpu.memory_space<hbm>>
      %dma_wait3A_263 = arith.constant 0 : i32
      %dma_wait3A_264 = tpu.memref_slice %arg4[%add3A_234, %dma_wait3A_263] : memref<696320x128xf32, #tpu.memory_space<hbm>> -> memref<680x128xf32, #tpu.memory_space<hbm>>
      tpu.wait_dma2 semaphore(%run_scoped3A : memref<!tpu.dma_semaphore, #tpu.memory_space<semaphore_mem>>) src(%arg6 : memref<680x128xf32, #tpu.memory_space<vmem>>) dst(%dma_wait3A_264 : memref<680x128xf32, #tpu.memory_space<hbm>>)
      tpu.yield
    }) : () -> ()
    %add3A_241 = arith.constant 20400 : i32
    %add3A_242 = arith.addi %mul3A_2, %add3A_241 : i32
    "tpu.region"() ({
      %run_scoped3A = tpu.sem_alloc : memref<!tpu.dma_semaphore, #tpu.memory_space<semaphore_mem>>
      %dma_start3A_257 = tpu.memref_slice %arg3[%add3A_242] : memref<696320xi32, #tpu.memory_space<hbm>> -> memref<680xi32, #tpu.memory_space<hbm>>
      %dma_start3A_258 = tpu.memref_slice %arg3[%add3A_242] : memref<696320xi32, #tpu.memory_space<hbm>> -> memref<680xi32, #tpu.memory_space<hbm>>
      tpu.enqueue_dma source(%dma_start3A_258 : memref<680xi32, #tpu.memory_space<hbm>>) target(%arg5 : memref<680xi32, #tpu.memory_space<vmem>>) target_semaphore(%run_scoped3A : memref<!tpu.dma_semaphore, #tpu.memory_space<semaphore_mem>>)
      %dma_wait3A_259 = tpu.memref_slice %arg3[%add3A_242] : memref<696320xi32, #tpu.memory_space<hbm>> -> memref<680xi32, #tpu.memory_space<hbm>>
      %dma_wait3A_260 = tpu.memref_slice %arg3[%add3A_242] : memref<696320xi32, #tpu.memory_space<hbm>> -> memref<680xi32, #tpu.memory_space<hbm>>
      tpu.wait_dma2 semaphore(%run_scoped3A : memref<!tpu.dma_semaphore, #tpu.memory_space<semaphore_mem>>) src(%dma_wait3A_260 : memref<680xi32, #tpu.memory_space<hbm>>) dst(%arg5 : memref<680xi32, #tpu.memory_space<vmem>>)
      tpu.yield
    }) : () -> ()
    %dma_start3A_243 = arith.constant 0 : i32
    %dma_start3A_244 = arith.constant 0 : i32
    %dma_start3A_245 = tpu.memref_slice %arg2[%dma_start3A_243, %dma_start3A_244] : memref<10880x128xf32, #tpu.memory_space<hbm>> -> memref<10880x128xf32, #tpu.memory_space<hbm>>
    tpu.enqueue_indirect_dma source(%dma_start3A_245 : memref<10880x128xf32, #tpu.memory_space<hbm>>) target(%arg6 : memref<680x128xf32, #tpu.memory_space<vmem>>) offsets(%arg5 : memref<680xi32, #tpu.memory_space<vmem>>) semaphore(%arg7 : memref<!tpu.dma_semaphore, #tpu.memory_space<semaphore_mem>>)
    %dma_wait3A_246 = arith.constant 0 : i32
    %dma_wait3A_247 = arith.constant 0 : i32
    %dma_wait3A_248 = tpu.memref_slice %arg2[%dma_wait3A_246, %dma_wait3A_247] : memref<10880x128xf32, #tpu.memory_space<hbm>> -> memref<10880x128xf32, #tpu.memory_space<hbm>>
    tpu.wait_indirect_dma semaphore(%arg7 : memref<!tpu.dma_semaphore, #tpu.memory_space<semaphore_mem>>) src(%dma_wait3A_248 : memref<10880x128xf32, #tpu.memory_space<hbm>>) dst(%arg6 : memref<680x128xf32, #tpu.memory_space<vmem>>)
    "tpu.region"() ({
      %run_scoped3A = tpu.sem_alloc : memref<!tpu.dma_semaphore, #tpu.memory_space<semaphore_mem>>
      %dma_start3A_257 = arith.constant 0 : i32
      %dma_start3A_258 = tpu.memref_slice %arg4[%add3A_242, %dma_start3A_257] : memref<696320x128xf32, #tpu.memory_space<hbm>> -> memref<680x128xf32, #tpu.memory_space<hbm>>
      %dma_start3A_259 = arith.constant 0 : i32
      %dma_start3A_260 = tpu.memref_slice %arg4[%add3A_242, %dma_start3A_259] : memref<696320x128xf32, #tpu.memory_space<hbm>> -> memref<680x128xf32, #tpu.memory_space<hbm>>
      tpu.enqueue_dma source(%arg6 : memref<680x128xf32, #tpu.memory_space<vmem>>) target(%dma_start3A_260 : memref<680x128xf32, #tpu.memory_space<hbm>>) target_semaphore(%run_scoped3A : memref<!tpu.dma_semaphore, #tpu.memory_space<semaphore_mem>>)
      %dma_wait3A_261 = arith.constant 0 : i32
      %dma_wait3A_262 = tpu.memref_slice %arg4[%add3A_242, %dma_wait3A_261] : memref<696320x128xf32, #tpu.memory_space<hbm>> -> memref<680x128xf32, #tpu.memory_space<hbm>>
      %dma_wait3A_263 = arith.constant 0 : i32
      %dma_wait3A_264 = tpu.memref_slice %arg4[%add3A_242, %dma_wait3A_263] : memref<696320x128xf32, #tpu.memory_space<hbm>> -> memref<680x128xf32, #tpu.memory_space<hbm>>
      tpu.wait_dma2 semaphore(%run_scoped3A : memref<!tpu.dma_semaphore, #tpu.memory_space<semaphore_mem>>) src(%arg6 : memref<680x128xf32, #tpu.memory_space<vmem>>) dst(%dma_wait3A_264 : memref<680x128xf32, #tpu.memory_space<hbm>>)
      tpu.yield
    }) : () -> ()
    %add3A_249 = arith.constant 21080 : i32
    %add3A_250 = arith.addi %mul3A_2, %add3A_249 : i32
    "tpu.region"() ({
      %run_scoped3A = tpu.sem_alloc : memref<!tpu.dma_semaphore, #tpu.memory_space<semaphore_mem>>
      %dma_start3A_257 = tpu.memref_slice %arg3[%add3A_250] : memref<696320xi32, #tpu.memory_space<hbm>> -> memref<680xi32, #tpu.memory_space<hbm>>
      %dma_start3A_258 = tpu.memref_slice %arg3[%add3A_250] : memref<696320xi32, #tpu.memory_space<hbm>> -> memref<680xi32, #tpu.memory_space<hbm>>
      tpu.enqueue_dma source(%dma_start3A_258 : memref<680xi32, #tpu.memory_space<hbm>>) target(%arg5 : memref<680xi32, #tpu.memory_space<vmem>>) target_semaphore(%run_scoped3A : memref<!tpu.dma_semaphore, #tpu.memory_space<semaphore_mem>>)
      %dma_wait3A_259 = tpu.memref_slice %arg3[%add3A_250] : memref<696320xi32, #tpu.memory_space<hbm>> -> memref<680xi32, #tpu.memory_space<hbm>>
      %dma_wait3A_260 = tpu.memref_slice %arg3[%add3A_250] : memref<696320xi32, #tpu.memory_space<hbm>> -> memref<680xi32, #tpu.memory_space<hbm>>
      tpu.wait_dma2 semaphore(%run_scoped3A : memref<!tpu.dma_semaphore, #tpu.memory_space<semaphore_mem>>) src(%dma_wait3A_260 : memref<680xi32, #tpu.memory_space<hbm>>) dst(%arg5 : memref<680xi32, #tpu.memory_space<vmem>>)
      tpu.yield
    }) : () -> ()
    %dma_start3A_251 = arith.constant 0 : i32
    %dma_start3A_252 = arith.constant 0 : i32
    %dma_start3A_253 = tpu.memref_slice %arg2[%dma_start3A_251, %dma_start3A_252] : memref<10880x128xf32, #tpu.memory_space<hbm>> -> memref<10880x128xf32, #tpu.memory_space<hbm>>
    tpu.enqueue_indirect_dma source(%dma_start3A_253 : memref<10880x128xf32, #tpu.memory_space<hbm>>) target(%arg6 : memref<680x128xf32, #tpu.memory_space<vmem>>) offsets(%arg5 : memref<680xi32, #tpu.memory_space<vmem>>) semaphore(%arg7 : memref<!tpu.dma_semaphore, #tpu.memory_space<semaphore_mem>>)
    %dma_wait3A_254 = arith.constant 0 : i32
    %dma_wait3A_255 = arith.constant 0 : i32
    %dma_wait3A_256 = tpu.memref_slice %arg2[%dma_wait3A_254, %dma_wait3A_255] : memref<10880x128xf32, #tpu.memory_space<hbm>> -> memref<10880x128xf32, #tpu.memory_space<hbm>>
    tpu.wait_indirect_dma semaphore(%arg7 : memref<!tpu.dma_semaphore, #tpu.memory_space<semaphore_mem>>) src(%dma_wait3A_256 : memref<10880x128xf32, #tpu.memory_space<hbm>>) dst(%arg6 : memref<680x128xf32, #tpu.memory_space<vmem>>)
    "tpu.region"() ({
      %run_scoped3A = tpu.sem_alloc : memref<!tpu.dma_semaphore, #tpu.memory_space<semaphore_mem>>
      %dma_start3A_257 = arith.constant 0 : i32
      %dma_start3A_258 = tpu.memref_slice %arg4[%add3A_250, %dma_start3A_257] : memref<696320x128xf32, #tpu.memory_space<hbm>> -> memref<680x128xf32, #tpu.memory_space<hbm>>
      %dma_start3A_259 = arith.constant 0 : i32
      %dma_start3A_260 = tpu.memref_slice %arg4[%add3A_250, %dma_start3A_259] : memref<696320x128xf32, #tpu.memory_space<hbm>> -> memref<680x128xf32, #tpu.memory_space<hbm>>
      tpu.enqueue_dma source(%arg6 : memref<680x128xf32, #tpu.memory_space<vmem>>) target(%dma_start3A_260 : memref<680x128xf32, #tpu.memory_space<hbm>>) target_semaphore(%run_scoped3A : memref<!tpu.dma_semaphore, #tpu.memory_space<semaphore_mem>>)
      %dma_wait3A_261 = arith.constant 0 : i32
      %dma_wait3A_262 = tpu.memref_slice %arg4[%add3A_250, %dma_wait3A_261] : memref<696320x128xf32, #tpu.memory_space<hbm>> -> memref<680x128xf32, #tpu.memory_space<hbm>>
      %dma_wait3A_263 = arith.constant 0 : i32
      %dma_wait3A_264 = tpu.memref_slice %arg4[%add3A_250, %dma_wait3A_263] : memref<696320x128xf32, #tpu.memory_space<hbm>> -> memref<680x128xf32, #tpu.memory_space<hbm>>
      tpu.wait_dma2 semaphore(%run_scoped3A : memref<!tpu.dma_semaphore, #tpu.memory_space<semaphore_mem>>) src(%arg6 : memref<680x128xf32, #tpu.memory_space<vmem>>) dst(%dma_wait3A_264 : memref<680x128xf32, #tpu.memory_space<hbm>>)
      tpu.yield
    }) : () -> ()
    return
  }
}

module attributes {stable_mosaic.version = 14 : i64} {
  func.func @_stage_a_body(%arg0: i32, %arg1: memref<680x256xf32, #tpu.memory_space<vmem>>, %arg2: memref<680x256xf32, #tpu.memory_space<vmem>>, %arg3: memref<256x2048xf32, #tpu.memory_space<vmem>>, %arg4: memref<256x256xf32, #tpu.memory_space<vmem>>, %arg5: memref<1x256xf32, #tpu.memory_space<vmem>>, %arg6: memref<680x2048xf32, #tpu.memory_space<vmem>>, %arg7: memref<680x256xf32, #tpu.memory_space<vmem>>) attributes {dimension_semantics = [#tpu.dimension_semantics<arbitrary>], iteration_bounds = array<i64: 4>, scalar_prefetch = 0 : i64, scratch_operands = 0 : i64, tpu.core_type = #tpu.core_type<tc>, window_params = [{transform_indices = @transform_0, window_bounds = array<i64: 680, 256>}, {transform_indices = @transform_1, window_bounds = array<i64: 680, 256>}, {pipeline_mode = #tpu.pipeline_mode<synchronous>, transform_indices = @transform_2, window_bounds = array<i64: 256, 2048>}, {pipeline_mode = #tpu.pipeline_mode<synchronous>, transform_indices = @transform_3, window_bounds = array<i64: 256, 256>}, {pipeline_mode = #tpu.pipeline_mode<synchronous>, transform_indices = @transform_4, window_bounds = array<i64: 1, 256>}, {transform_indices = @transform_5, window_bounds = array<i64: 680, 2048>}, {transform_indices = @transform_6, window_bounds = array<i64: 680, 256>}]} {
    %get3A = arith.constant 0 : index
    %get3A_0 = arith.constant 0 : index
    %get3A_1 = vector.load %arg1[%get3A, %get3A_0] : memref<680x256xf32, #tpu.memory_space<vmem>>, vector<680x256xf32>
    %get3A_2 = arith.constant 0 : index
    %get3A_3 = arith.constant 0 : index
    %get3A_4 = vector.load %arg3[%get3A_2, %get3A_3] : memref<256x2048xf32, #tpu.memory_space<vmem>>, vector<256x2048xf32>
    %dot_general3A = arith.constant dense<0.000000e+00> : vector<680x2048xf32>
    %dot_general3A_5 = tpu.matmul %get3A_1, %get3A_4, %dot_general3A {dimension_numbers = #tpu.dot_dimension_numbers<[1], [0], [0], [1], [0, 0, 1, 1], [], []>, transpose_lhs_hint = false} : vector<680x256xf32>, vector<256x2048xf32>, vector<680x2048xf32> -> vector<680x2048xf32>
    %logistic3A = arith.negf %dot_general3A_5 : vector<680x2048xf32>
    %logistic3A_6 = math.exp %logistic3A : vector<680x2048xf32>
    %logistic3A_7 = arith.constant 1.000000e+00 : f32
    %logistic3A_8 = vector.broadcast %logistic3A_7 : f32 to vector<680x2048xf32>
    %logistic3A_9 = arith.addf %logistic3A_8, %logistic3A_6 : vector<680x2048xf32>
    %logistic3A_10 = arith.divf %logistic3A_8, %logistic3A_9 : vector<680x2048xf32>
    %mul3A = arith.mulf %dot_general3A_5, %logistic3A_10 : vector<680x2048xf32>
    %swap3A = arith.constant 0 : index
    %swap3A_11 = arith.constant 0 : index
    %swap3A_12 = vector.load %arg6[%swap3A, %swap3A_11] : memref<680x2048xf32, #tpu.memory_space<vmem>>, vector<680x2048xf32>
    tpu.vector_store %arg6[%swap3A, %swap3A_11], %mul3A {strides = array<i32>} : memref<680x2048xf32, #tpu.memory_space<vmem>>, vector<680x2048xf32>,
    %get3A_13 = arith.constant 0 : index
    %get3A_14 = arith.constant 0 : index
    %get3A_15 = vector.load %arg2[%get3A_13, %get3A_14] : memref<680x256xf32, #tpu.memory_space<vmem>>, vector<680x256xf32>
    %get3A_16 = arith.constant 0 : index
    %get3A_17 = arith.constant 0 : index
    %get3A_18 = vector.load %arg4[%get3A_16, %get3A_17] : memref<256x256xf32, #tpu.memory_space<vmem>>, vector<256x256xf32>
    %dot_general3A_19 = arith.constant dense<0.000000e+00> : vector<680x256xf32>
    %dot_general3A_20 = tpu.matmul %get3A_15, %get3A_18, %dot_general3A_19 {dimension_numbers = #tpu.dot_dimension_numbers<[1], [0], [0], [1], [0, 0, 1, 1], [], []>, transpose_lhs_hint = false} : vector<680x256xf32>, vector<256x256xf32>, vector<680x256xf32> -> vector<680x256xf32>
    %get3A_21 = arith.constant 0 : index
    %get3A_22 = arith.constant 0 : index
    %get3A_23 = vector.load %arg5[%get3A_21, %get3A_22] : memref<1x256xf32, #tpu.memory_space<vmem>>, vector<1x256xf32>
    %add3A = vector.broadcast %get3A_23 : vector<1x256xf32> to vector<680x256xf32>
    %add3A_24 = arith.addf %dot_general3A_20, %add3A : vector<680x256xf32>
    %swap3A_25 = arith.constant 0 : index
    %swap3A_26 = arith.constant 0 : index
    %swap3A_27 = vector.load %arg7[%swap3A_25, %swap3A_26] : memref<680x256xf32, #tpu.memory_space<vmem>>, vector<680x256xf32>
    tpu.vector_store %arg7[%swap3A_25, %swap3A_26], %add3A_24 {strides = array<i32>} : memref<680x256xf32, #tpu.memory_space<vmem>>, vector<680x256xf32>,
    return
  }
  func.func @transform_0(%arg0: i32) -> (i32, i32) {
    %c0_i32 = arith.constant 0 : i32
    %c0_i32_0 = arith.constant 0 : i32
    return %arg0, %c0_i32 : i32, i32
  }
  func.func @transform_1(%arg0: i32) -> (i32, i32) {
    %c0_i32 = arith.constant 0 : i32
    %c0_i32_0 = arith.constant 0 : i32
    return %arg0, %c0_i32 : i32, i32
  }
  func.func @transform_2(%arg0: i32) -> (i32, i32) {
    %c0_i32 = arith.constant 0 : i32
    %c0_i32_0 = arith.constant 0 : i32
    %c0_i32_1 = arith.constant 0 : i32
    return %c0_i32, %c0_i32_0 : i32, i32
  }
  func.func @transform_3(%arg0: i32) -> (i32, i32) {
    %c0_i32 = arith.constant 0 : i32
    %c0_i32_0 = arith.constant 0 : i32
    %c0_i32_1 = arith.constant 0 : i32
    return %c0_i32, %c0_i32_0 : i32, i32
  }
  func.func @transform_4(%arg0: i32) -> (i32, i32) {
    %c0_i32 = arith.constant 0 : i32
    %c0_i32_0 = arith.constant 0 : i32
    %c0_i32_1 = arith.constant 0 : i32
    return %c0_i32, %c0_i32_0 : i32, i32
  }
  func.func @transform_5(%arg0: i32) -> (i32, i32) {
    %c0_i32 = arith.constant 0 : i32
    %c0_i32_0 = arith.constant 0 : i32
    return %arg0, %c0_i32 : i32, i32
  }
  func.func @transform_6(%arg0: i32) -> (i32, i32) {
    %c0_i32 = arith.constant 0 : i32
    %c0_i32_0 = arith.constant 0 : i32
    return %arg0, %c0_i32 : i32, i32
  }
}

module attributes {stable_mosaic.version = 14 : i64} {
  func.func @_stage_b_body(%arg0: i32, %arg1: memref<128x16x768xf32, #tpu.memory_space<vmem>>, %arg2: memref<512x16xf32, #tpu.memory_space<vmem>>, %arg3: memref<128x19xf32, #tpu.memory_space<vmem>>, %arg4: memref<128x16x768xf32, #tpu.memory_space<vmem>>) attributes {dimension_semantics = [#tpu.dimension_semantics<arbitrary>], iteration_bounds = array<i64: 4>, scalar_prefetch = 0 : i64, scratch_operands = 0 : i64, tpu.core_type = #tpu.core_type<tc>, window_params = [{transform_indices = @transform_0, window_bounds = array<i64: 128, 16, 768>}, {pipeline_mode = #tpu.pipeline_mode<synchronous>, transform_indices = @transform_1, window_bounds = array<i64: 512, 16>}, {pipeline_mode = #tpu.pipeline_mode<synchronous>, transform_indices = @transform_2, window_bounds = array<i64: 128, 19>}, {transform_indices = @transform_3, window_bounds = array<i64: 128, 16, 768>}]} {
    %get3A = arith.constant 0 : index
    %get3A_0 = arith.constant 0 : index
    %get3A_1 = vector.load %arg3[%get3A, %get3A_0] : memref<128x19xf32, #tpu.memory_space<vmem>>, vector<128x1xf32>
    %get3A_2 = arith.constant 0 : index
    %get3A_3 = arith.constant 1 : index
    %get3A_4 = vector.load %arg3[%get3A_2, %get3A_3] : memref<128x19xf32, #tpu.memory_space<vmem>>, vector<128x1xf32>
    %get3A_5 = arith.constant 0 : index
    %get3A_6 = arith.constant 2 : index
    %get3A_7 = vector.load %arg3[%get3A_5, %get3A_6] : memref<128x19xf32, #tpu.memory_space<vmem>>, vector<128x1xf32>
    %get3A_8 = arith.constant 0 : index
    %get3A_9 = arith.constant 3 : index
    %get3A_10 = vector.load %arg3[%get3A_8, %get3A_9] : memref<128x19xf32, #tpu.memory_space<vmem>>, vector<128x16xf32>
    %transpose3A = tpu.transpose %get3A_10, [1, 0] : vector<128x16xf32> -> vector<16x128xf32>
    %get3A_11 = arith.constant 0 : index
    %get3A_12 = arith.constant 0 : index
    %get3A_13 = vector.load %arg2[%get3A_11, %get3A_12] : memref<512x16xf32, #tpu.memory_space<vmem>>, vector<512x16xf32>
    %broadcast_in_dim3A = arith.constant 0.000000e+00 : f32
    %broadcast_in_dim3A_14 = vector.broadcast %broadcast_in_dim3A : f32 to vector<128x768xf32>
    %scan3A = arith.constant 0 : i32
    %scan3A_15 = arith.constant 128 : i32
    %scan3A_16 = arith.addi %scan3A, %scan3A_15 : i32
    %scan3A_17 = arith.constant 1 : i32
    %scan3A_18 = scf.for %scan3A_20 = %scan3A to %scan3A_16 step %scan3A_17 iter_args(%scan3A_21 = %broadcast_in_dim3A_14) -> (vector<128x768xf32>)  : i32 {
      %get3A_22 = arith.index_cast %scan3A_20 : i32 to index
      %get3A_23 = arith.constant 0 : index
      %get3A_24 = arith.constant 0 : index
      %get3A_25 = vector.load %arg1[%get3A_22, %get3A_23, %get3A_24] : memref<128x16x768xf32, #tpu.memory_space<vmem>>, vector<1x16x768xf32>
      %get3A_26 = vector.shape_cast %get3A_25 : vector<1x16x768xf32> to vector<16x768xf32>
      %dot_general3A = arith.constant dense<0.000000e+00> : vector<512x768xf32>
      %dot_general3A_27 = tpu.matmul %get3A_13, %get3A_26, %dot_general3A {dimension_numbers = #tpu.dot_dimension_numbers<[1], [0], [0], [1], [0, 0, 1, 1], [], []>, transpose_lhs_hint = false} : vector<512x16xf32>, vector<16x768xf32>, vector<512x768xf32> -> vector<512x768xf32>
      %slice3A = vector.extract_strided_slice %dot_general3A_27 {offsets = [0, 0], sizes = [128, 768], strides = [1, 1]} : vector<512x768xf32> to vector<128x768xf32>
      %slice3A_28 = vector.extract_strided_slice %dot_general3A_27 {offsets = [128, 0], sizes = [128, 768], strides = [1, 1]} : vector<512x768xf32> to vector<128x768xf32>
      %slice3A_29 = vector.extract_strided_slice %dot_general3A_27 {offsets = [256, 0], sizes = [128, 768], strides = [1, 1]} : vector<512x768xf32> to vector<128x768xf32>
      %slice3A_30 = vector.extract_strided_slice %dot_general3A_27 {offsets = [384, 0], sizes = [128, 768], strides = [1, 1]} : vector<512x768xf32> to vector<128x768xf32>
      %mul3A = vector.broadcast %get3A_1 : vector<128x1xf32> to vector<128x768xf32>
      %mul3A_31 = arith.mulf %slice3A_30, %mul3A : vector<128x768xf32>
      %add3A = vector.broadcast %get3A_4 : vector<128x1xf32> to vector<128x768xf32>
      %add3A_32 = arith.addf %mul3A_31, %add3A : vector<128x768xf32>
      %custom_jvp_call3A = arith.constant 0.000000e+00 : f32
      %max3A = vector.broadcast %custom_jvp_call3A : f32 to vector<128x768xf32>
      %max3A_33 = arith.maximumf %add3A_32, %max3A : vector<128x768xf32>
      %sub3A = vector.broadcast %custom_jvp_call3A : f32 to vector<128x768xf32>
      %sub3A_34 = arith.subf %add3A_32, %sub3A : vector<128x768xf32>
      %ne3A = arith.cmpf one, %sub3A_34, %sub3A_34 : vector<128x768xf32>
      %add3A_35 = vector.broadcast %custom_jvp_call3A : f32 to vector<128x768xf32>
      %add3A_36 = arith.addf %add3A_32, %add3A_35 : vector<128x768xf32>
      %abs3A = math.absf %sub3A_34 : vector<128x768xf32>
      %neg3A = arith.constant 0.000000e+00 : f32
      %neg3A_37 = vector.broadcast %neg3A : f32 to vector<128x768xf32>
      %neg3A_38 = arith.subf %neg3A_37, %abs3A : vector<128x768xf32>
      %exp3A = math.exp %neg3A_38 : vector<128x768xf32>
      %log1p3A = math.log1p %exp3A : vector<128x768xf32>
      %add3A_39 = arith.addf %max3A_33, %log1p3A : vector<128x768xf32>
      %select_n3A = arith.select %ne3A, %add3A_36, %add3A_39 : vector<128x768xi1>, vector<128x768xf32>
      %mul3A_40 = vector.broadcast %get3A_7 : vector<128x1xf32> to vector<128x768xf32>
      %mul3A_41 = arith.mulf %select_n3A, %mul3A_40 : vector<128x768xf32>
      %exp3A_42 = math.exp %mul3A_41 : vector<128x768xf32>
      %mul3A_43 = arith.mulf %exp3A_42, %scan3A_21 : vector<128x768xf32>
      %mul3A_44 = arith.mulf %select_n3A, %slice3A : vector<128x768xf32>
      %mul3A_45 = arith.mulf %mul3A_44, %slice3A_29 : vector<128x768xf32>
      %add3A_46 = arith.addf %mul3A_43, %mul3A_45 : vector<128x768xf32>
      %mul3A_47 = arith.mulf %add3A_46, %slice3A_28 : vector<128x768xf32>
      %dot_general3A_48 = arith.constant dense<0.000000e+00> : vector<16x768xf32>
      %dot_general3A_49 = tpu.matmul %transpose3A, %mul3A_47, %dot_general3A_48 {dimension_numbers = #tpu.dot_dimension_numbers<[1], [0], [0], [1], [0, 0, 1, 1], [], []>, transpose_lhs_hint = false} : vector<16x128xf32>, vector<128x768xf32>, vector<16x768xf32> -> vector<16x768xf32>
      %swap3A = arith.index_cast %scan3A_20 : i32 to index
      %swap3A_50 = arith.constant 0 : index
      %swap3A_51 = arith.constant 0 : index
      %swap3A_52 = vector.load %arg4[%swap3A, %swap3A_50, %swap3A_51] : memref<128x16x768xf32, #tpu.memory_space<vmem>>, vector<1x16x768xf32>
      %swap3A_53 = vector.shape_cast %swap3A_52 : vector<1x16x768xf32> to vector<16x768xf32>
      %swap3A_54 = vector.shape_cast %dot_general3A_49 : vector<16x768xf32> to vector<1x16x768xf32>
      tpu.vector_store %arg4[%swap3A, %swap3A_50, %swap3A_51], %swap3A_54 {strides = array<i32>} : memref<128x16x768xf32, #tpu.memory_space<vmem>>, vector<1x16x768xf32>,
      scf.yield %add3A_46 : vector<128x768xf32>
    }
    %scan3A_19 = arith.constant 128 : i32
    return
  }
  func.func @transform_0(%arg0: i32) -> (i32, i32, i32) {
    %c0_i32 = arith.constant 0 : i32
    %c0_i32_0 = arith.constant 0 : i32
    %c0_i32_1 = arith.constant 0 : i32
    return %c0_i32, %c0_i32_0, %arg0 : i32, i32, i32
  }
  func.func @transform_1(%arg0: i32) -> (i32, i32) {
    %c0_i32 = arith.constant 0 : i32
    %c0_i32_0 = arith.constant 0 : i32
    %c0_i32_1 = arith.constant 0 : i32
    return %c0_i32, %c0_i32_0 : i32, i32
  }
  func.func @transform_2(%arg0: i32) -> (i32, i32) {
    %c0_i32 = arith.constant 0 : i32
    %c0_i32_0 = arith.constant 0 : i32
    %c0_i32_1 = arith.constant 0 : i32
    return %c0_i32, %c0_i32_0 : i32, i32
  }
  func.func @transform_3(%arg0: i32) -> (i32, i32, i32) {
    %c0_i32 = arith.constant 0 : i32
    %c0_i32_0 = arith.constant 0 : i32
    %c0_i32_1 = arith.constant 0 : i32
    return %c0_i32, %c0_i32_0, %arg0 : i32, i32, i32
  }
}

module attributes {stable_mosaic.version = 14 : i64} {
  func.func @_stage_c_body(%arg0: i32, %arg1: memref<680x2048xf32, #tpu.memory_space<vmem>>, %arg2: memref<2048x384xf32, #tpu.memory_space<vmem>>, %arg3: memref<1x384xf32, #tpu.memory_space<vmem>>, %arg4: memref<128x128xf32, #tpu.memory_space<vmem>>, %arg5: memref<680x128xf32, #tpu.memory_space<vmem>>, %arg6: memref<680x128xf32, #tpu.memory_space<vmem>>, %arg7: memref<680x128xi32, #tpu.memory_space<vmem>>, %arg8: memref<8x128xf32, #tpu.memory_space<vmem>>, %arg9: memref<2x680x128xi32, #tpu.memory_space<vmem>>, %arg10: memref<8x680x128xf32, #tpu.memory_space<vmem>>) attributes {dimension_semantics = [#tpu.dimension_semantics<arbitrary>], iteration_bounds = array<i64: 4>, scalar_prefetch = 0 : i64, scratch_operands = 0 : i64, tpu.core_type = #tpu.core_type<tc>, window_params = [{transform_indices = @transform_0, window_bounds = array<i64: 680, 2048>}, {pipeline_mode = #tpu.pipeline_mode<synchronous>, transform_indices = @transform_1, window_bounds = array<i64: 2048, 384>}, {pipeline_mode = #tpu.pipeline_mode<synchronous>, transform_indices = @transform_2, window_bounds = array<i64: 1, 384>}, {pipeline_mode = #tpu.pipeline_mode<synchronous>, transform_indices = @transform_3, window_bounds = array<i64: 128, 128>}, {transform_indices = @transform_4, window_bounds = array<i64: 680, 128>}, {transform_indices = @transform_5, window_bounds = array<i64: 680, 128>}, {transform_indices = @transform_6, window_bounds = array<i64: 680, 128>}, {pipeline_mode = #tpu.pipeline_mode<synchronous>, transform_indices = @transform_7, window_bounds = array<i64: 8, 128>}, {transform_indices = @transform_8, window_bounds = array<i64: 2, 680, 128>}, {transform_indices = @transform_9, window_bounds = array<i64: 8, 680, 128>}]} {
    %get3A = arith.constant 0 : index
    %get3A_0 = arith.constant 0 : index
    %get3A_1 = vector.load %arg1[%get3A, %get3A_0] : memref<680x2048xf32, #tpu.memory_space<vmem>>, vector<680x2048xf32>
    %get3A_2 = arith.constant 0 : index
    %get3A_3 = arith.constant 0 : index
    %get3A_4 = vector.load %arg2[%get3A_2, %get3A_3] : memref<2048x384xf32, #tpu.memory_space<vmem>>, vector<2048x384xf32>
    %dot_general3A = arith.constant dense<0.000000e+00> : vector<680x384xf32>
    %dot_general3A_5 = tpu.matmul %get3A_1, %get3A_4, %dot_general3A {dimension_numbers = #tpu.dot_dimension_numbers<[1], [0], [0], [1], [0, 0, 1, 1], [], []>, transpose_lhs_hint = false} : vector<680x2048xf32>, vector<2048x384xf32>, vector<680x384xf32> -> vector<680x384xf32>
    %get3A_6 = arith.constant 0 : index
    %get3A_7 = arith.constant 0 : index
    %get3A_8 = vector.load %arg3[%get3A_6, %get3A_7] : memref<1x384xf32, #tpu.memory_space<vmem>>, vector<1x384xf32>
    %add3A = vector.broadcast %get3A_8 : vector<1x384xf32> to vector<680x384xf32>
    %add3A_9 = arith.addf %dot_general3A_5, %add3A : vector<680x384xf32>
    %slice3A = vector.extract_strided_slice %add3A_9 {offsets = [0, 0], sizes = [680, 128], strides = [1, 1]} : vector<680x384xf32> to vector<680x128xf32>
    %slice3A_10 = vector.extract_strided_slice %add3A_9 {offsets = [0, 128], sizes = [680, 128], strides = [1, 1]} : vector<680x384xf32> to vector<680x128xf32>
    %slice3A_11 = vector.extract_strided_slice %add3A_9 {offsets = [0, 256], sizes = [680, 128], strides = [1, 1]} : vector<680x384xf32> to vector<680x128xf32>
    %reduce_max3A = arith.constant dense<0xFF800000> : vector<680xf32>
    %reduce_max3A_12 = vector.multi_reduction <maximumf>, %slice3A_11, %reduce_max3A [1] : vector<680x128xf32> to vector<680xf32>
    %broadcast_in_dim3A = vector.shape_cast %reduce_max3A_12 : vector<680xf32> to vector<680x1xf32>
    %sub3A = vector.broadcast %broadcast_in_dim3A : vector<680x1xf32> to vector<680x128xf32>
    %sub3A_13 = arith.subf %slice3A_11, %sub3A : vector<680x128xf32>
    %exp3A = math.exp %sub3A_13 : vector<680x128xf32>
    %get3A_14 = arith.constant 0 : index
    %get3A_15 = arith.constant 0 : index
    %get3A_16 = vector.load %arg4[%get3A_14, %get3A_15] : memref<128x128xf32, #tpu.memory_space<vmem>>, vector<128x128xf32>
    %dot_general3A_17 = arith.constant dense<0.000000e+00> : vector<680x128xf32>
    %dot_general3A_18 = tpu.matmul %exp3A, %get3A_16, %dot_general3A_17 {dimension_numbers = #tpu.dot_dimension_numbers<[1], [0], [0], [1], [0, 0, 1, 1], [], []>, transpose_lhs_hint = false} : vector<680x128xf32>, vector<128x128xf32>, vector<680x128xf32> -> vector<680x128xf32>
    %div3A = arith.divf %exp3A, %dot_general3A_18 : vector<680x128xf32>
    %get3A_19 = arith.constant 0 : index
    %get3A_20 = arith.constant 0 : index
    %get3A_21 = vector.load %arg8[%get3A_19, %get3A_20] : memref<8x128xf32, #tpu.memory_space<vmem>>, vector<1x128xf32>
    %get3A_22 = arith.constant 1 : index
    %get3A_23 = arith.constant 0 : index
    %get3A_24 = vector.load %arg8[%get3A_22, %get3A_23] : memref<8x128xf32, #tpu.memory_space<vmem>>, vector<1x128xf32>
    %get3A_25 = arith.constant 0 : index
    %get3A_26 = arith.constant 0 : index
    %get3A_27 = vector.load %arg5[%get3A_25, %get3A_26] : memref<680x128xf32, #tpu.memory_space<vmem>>, vector<680x128xf32>
    %div3A_28 = vector.broadcast %get3A_21 : vector<1x128xf32> to vector<680x128xf32>
    %div3A_29 = arith.divf %slice3A, %div3A_28 : vector<680x128xf32>
    %add3A_30 = arith.addf %get3A_27, %div3A_29 : vector<680x128xf32>
    %mul3A = vector.broadcast %get3A_21 : vector<1x128xf32> to vector<680x128xf32>
    %mul3A_31 = arith.mulf %add3A_30, %mul3A : vector<680x128xf32>
    %sub3A_32 = arith.constant 5.000000e-01 : f32
    %sub3A_33 = vector.broadcast %sub3A_32 : f32 to vector<680x128xf32>
    %sub3A_34 = arith.subf %mul3A_31, %sub3A_33 : vector<680x128xf32>
    %get3A_35 = arith.constant 0 : index
    %get3A_36 = arith.constant 0 : index
    %get3A_37 = vector.load %arg6[%get3A_35, %get3A_36] : memref<680x128xf32, #tpu.memory_space<vmem>>, vector<680x128xf32>
    %div3A_38 = vector.broadcast %get3A_24 : vector<1x128xf32> to vector<680x128xf32>
    %div3A_39 = arith.divf %slice3A_10, %div3A_38 : vector<680x128xf32>
    %add3A_40 = arith.addf %get3A_37, %div3A_39 : vector<680x128xf32>
    %mul3A_41 = vector.broadcast %get3A_24 : vector<1x128xf32> to vector<680x128xf32>
    %mul3A_42 = arith.mulf %add3A_40, %mul3A_41 : vector<680x128xf32>
    %sub3A_43 = arith.constant 5.000000e-01 : f32
    %sub3A_44 = vector.broadcast %sub3A_43 : f32 to vector<680x128xf32>
    %sub3A_45 = arith.subf %mul3A_42, %sub3A_44 : vector<680x128xf32>
    %floor3A = math.floor %sub3A_34 : vector<680x128xf32>
    %floor3A_46 = math.floor %sub3A_45 : vector<680x128xf32>
    %sub3A_47 = arith.subf %sub3A_34, %floor3A : vector<680x128xf32>
    %sub3A_48 = arith.subf %sub3A_45, %floor3A_46 : vector<680x128xf32>
    %get3A_49 = arith.constant 0 : index
    %get3A_50 = arith.constant 0 : index
    %get3A_51 = vector.load %arg7[%get3A_49, %get3A_50] : memref<680x128xi32, #tpu.memory_space<vmem>>, vector<680x128xi32>
    %mul3A_52 = arith.constant 5.000000e-01 : f32
    %mul3A_53 = vector.broadcast %mul3A_52 : f32 to vector<1x128xf32>
    %mul3A_54 = arith.mulf %get3A_21, %mul3A_53 : vector<1x128xf32>
    %ge3A = arith.constant 0.000000e+00 : f32
    %ge3A_55 = vector.broadcast %ge3A : f32 to vector<680x128xf32>
    %ge3A_56 = arith.cmpf oge, %floor3A, %ge3A_55 : vector<680x128xf32>
    %sub3A_57 = arith.constant 1.000000e+00 : f32
    %sub3A_58 = vector.broadcast %sub3A_57 : f32 to vector<1x128xf32>
    %sub3A_59 = arith.subf %get3A_21, %sub3A_58 : vector<1x128xf32>
    %le3A = vector.broadcast %sub3A_59 : vector<1x128xf32> to vector<680x128xf32>
    %le3A_60 = arith.cmpf ole, %floor3A, %le3A : vector<680x128xf32>
    %and3A = arith.andi %ge3A_56, %le3A_60 : vector<680x128xi1>
    %convert_element_type3A = arith.extui %and3A : vector<680x128xi1> to vector<680x128xi32>
    %convert_element_type3A_61 = arith.sitofp %convert_element_type3A : vector<680x128xi32> to vector<680x128xf32>
    %add3A_62 = arith.constant 1.000000e+00 : f32
    %add3A_63 = vector.broadcast %add3A_62 : f32 to vector<680x128xf32>
    %add3A_64 = arith.addf %floor3A, %add3A_63 : vector<680x128xf32>
    %ge3A_65 = arith.constant 0.000000e+00 : f32
    %ge3A_66 = vector.broadcast %ge3A_65 : f32 to vector<680x128xf32>
    %ge3A_67 = arith.cmpf oge, %add3A_64, %ge3A_66 : vector<680x128xf32>
    %add3A_68 = arith.constant 1.000000e+00 : f32
    %add3A_69 = vector.broadcast %add3A_68 : f32 to vector<680x128xf32>
    %add3A_70 = arith.addf %floor3A, %add3A_69 : vector<680x128xf32>
    %sub3A_71 = arith.constant 1.000000e+00 : f32
    %sub3A_72 = vector.broadcast %sub3A_71 : f32 to vector<1x128xf32>
    %sub3A_73 = arith.subf %get3A_21, %sub3A_72 : vector<1x128xf32>
    %le3A_74 = vector.broadcast %sub3A_73 : vector<1x128xf32> to vector<680x128xf32>
    %le3A_75 = arith.cmpf ole, %add3A_70, %le3A_74 : vector<680x128xf32>
    %and3A_76 = arith.andi %ge3A_67, %le3A_75 : vector<680x128xi1>
    %convert_element_type3A_77 = arith.extui %and3A_76 : vector<680x128xi1> to vector<680x128xi32>
    %convert_element_type3A_78 = arith.sitofp %convert_element_type3A_77 : vector<680x128xi32> to vector<680x128xf32>
    %sub3A_79 = arith.constant 1.000000e+00 : f32
    %sub3A_80 = vector.broadcast %sub3A_79 : f32 to vector<680x128xf32>
    %sub3A_81 = arith.subf %sub3A_80, %sub3A_47 : vector<680x128xf32>
    %mul3A_82 = arith.mulf %sub3A_81, %convert_element_type3A_61 : vector<680x128xf32>
    %mul3A_83 = arith.mulf %sub3A_47, %convert_element_type3A_78 : vector<680x128xf32>
    %mul3A_84 = arith.constant 5.000000e-01 : f32
    %mul3A_85 = vector.broadcast %mul3A_84 : f32 to vector<680x128xf32>
    %mul3A_86 = arith.mulf %floor3A, %mul3A_85 : vector<680x128xf32>
    %floor3A_87 = math.floor %mul3A_86 : vector<680x128xf32>
    %sub3A_88 = arith.constant 1.000000e+00 : f32
    %sub3A_89 = vector.broadcast %sub3A_88 : f32 to vector<1x128xf32>
    %sub3A_90 = arith.subf %mul3A_54, %sub3A_89 : vector<1x128xf32>
    %jit3A = arith.constant 0.000000e+00 : f32
    %max3A = vector.broadcast %jit3A : f32 to vector<680x128xf32>
    %max3A_91 = arith.maximumf %max3A, %floor3A_87 : vector<680x128xf32>
    %min3A = vector.broadcast %sub3A_90 : vector<1x128xf32> to vector<680x128xf32>
    %min3A_92 = arith.minimumf %min3A, %max3A_91 : vector<680x128xf32>
    %mul3A_93 = arith.constant 2.000000e+00 : f32
    %mul3A_94 = vector.broadcast %mul3A_93 : f32 to vector<680x128xf32>
    %mul3A_95 = arith.mulf %mul3A_94, %min3A_92 : vector<680x128xf32>
    %sub3A_96 = arith.subf %floor3A, %mul3A_95 : vector<680x128xf32>
    %jit3A_97 = arith.constant 0.000000e+00 : f32
    %jit3A_98 = arith.constant 3.000000e+00 : f32
    %max3A_99 = vector.broadcast %jit3A_97 : f32 to vector<680x128xf32>
    %max3A_100 = arith.maximumf %max3A_99, %sub3A_96 : vector<680x128xf32>
    %min3A_101 = vector.broadcast %jit3A_98 : f32 to vector<680x128xf32>
    %min3A_102 = arith.minimumf %min3A_101, %max3A_100 : vector<680x128xf32>
    %convert_element_type3A_103 = arith.fptosi %min3A_102 : vector<680x128xf32> to vector<680x128xi32>
    %add3A_104 = arith.constant 1.000000e+00 : f32
    %add3A_105 = vector.broadcast %add3A_104 : f32 to vector<680x128xf32>
    %add3A_106 = arith.addf %floor3A, %add3A_105 : vector<680x128xf32>
    %mul3A_107 = arith.constant 2.000000e+00 : f32
    %mul3A_108 = vector.broadcast %mul3A_107 : f32 to vector<680x128xf32>
    %mul3A_109 = arith.mulf %mul3A_108, %min3A_92 : vector<680x128xf32>
    %sub3A_110 = arith.subf %add3A_106, %mul3A_109 : vector<680x128xf32>
    %jit3A_111 = arith.constant 0.000000e+00 : f32
    %jit3A_112 = arith.constant 3.000000e+00 : f32
    %max3A_113 = vector.broadcast %jit3A_111 : f32 to vector<680x128xf32>
    %max3A_114 = arith.maximumf %max3A_113, %sub3A_110 : vector<680x128xf32>
    %min3A_115 = vector.broadcast %jit3A_112 : f32 to vector<680x128xf32>
    %min3A_116 = arith.minimumf %min3A_115, %max3A_114 : vector<680x128xf32>
    %convert_element_type3A_117 = arith.fptosi %min3A_116 : vector<680x128xf32> to vector<680x128xi32>
    %convert_element_type3A_118 = arith.fptosi %min3A_92 : vector<680x128xf32> to vector<680x128xi32>
    %convert_element_type3A_119 = arith.fptosi %mul3A_54 : vector<1x128xf32> to vector<1x128xi32>
    %add3A_120 = arith.constant 0.000000e+00 : f32
    %add3A_121 = vector.broadcast %add3A_120 : f32 to vector<680x128xf32>
    %add3A_122 = arith.addf %floor3A_46, %add3A_121 : vector<680x128xf32>
    %ge3A_123 = arith.constant 0.000000e+00 : f32
    %ge3A_124 = vector.broadcast %ge3A_123 : f32 to vector<680x128xf32>
    %ge3A_125 = arith.cmpf oge, %add3A_122, %ge3A_124 : vector<680x128xf32>
    %sub3A_126 = arith.constant 1.000000e+00 : f32
    %sub3A_127 = vector.broadcast %sub3A_126 : f32 to vector<1x128xf32>
    %sub3A_128 = arith.subf %get3A_24, %sub3A_127 : vector<1x128xf32>
    %le3A_129 = vector.broadcast %sub3A_128 : vector<1x128xf32> to vector<680x128xf32>
    %le3A_130 = arith.cmpf ole, %add3A_122, %le3A_129 : vector<680x128xf32>
    %and3A_131 = arith.andi %ge3A_125, %le3A_130 : vector<680x128xi1>
    %convert_element_type3A_132 = arith.extui %and3A_131 : vector<680x128xi1> to vector<680x128xi32>
    %convert_element_type3A_133 = arith.sitofp %convert_element_type3A_132 : vector<680x128xi32> to vector<680x128xf32>
    %sub3A_134 = arith.constant 1.000000e+00 : f32
    %sub3A_135 = vector.broadcast %sub3A_134 : f32 to vector<1x128xf32>
    %sub3A_136 = arith.subf %get3A_24, %sub3A_135 : vector<1x128xf32>
    %jit3A_137 = arith.constant 0.000000e+00 : f32
    %max3A_138 = vector.broadcast %jit3A_137 : f32 to vector<680x128xf32>
    %max3A_139 = arith.maximumf %max3A_138, %add3A_122 : vector<680x128xf32>
    %min3A_140 = vector.broadcast %sub3A_136 : vector<1x128xf32> to vector<680x128xf32>
    %min3A_141 = arith.minimumf %min3A_140, %max3A_139 : vector<680x128xf32>
    %convert_element_type3A_142 = arith.fptosi %min3A_141 : vector<680x128xf32> to vector<680x128xi32>
    %mul3A_143 = vector.broadcast %convert_element_type3A_119 : vector<1x128xi32> to vector<680x128xi32>
    %mul3A_144 = arith.muli %convert_element_type3A_142, %mul3A_143 : vector<680x128xi32>
    %add3A_145 = arith.addi %get3A_51, %mul3A_144 : vector<680x128xi32>
    %add3A_146 = arith.addi %add3A_145, %convert_element_type3A_118 : vector<680x128xi32>
    %swap3A = arith.constant 0 : index
    %swap3A_147 = arith.constant 0 : index
    %swap3A_148 = arith.constant 0 : index
    %swap3A_149 = vector.load %arg9[%swap3A, %swap3A_147, %swap3A_148] : memref<2x680x128xi32, #tpu.memory_space<vmem>>, vector<1x680x128xi32>
    %swap3A_150 = vector.shape_cast %swap3A_149 : vector<1x680x128xi32> to vector<680x128xi32>
    %swap3A_151 = vector.shape_cast %add3A_146 : vector<680x128xi32> to vector<1x680x128xi32>
    tpu.vector_store %arg9[%swap3A, %swap3A_147, %swap3A_148], %swap3A_151 {strides = array<i32>} : memref<2x680x128xi32, #tpu.memory_space<vmem>>, vector<1x680x128xi32>,
    %sub3A_152 = arith.constant 1.000000e+00 : f32
    %sub3A_153 = vector.broadcast %sub3A_152 : f32 to vector<680x128xf32>
    %sub3A_154 = arith.subf %sub3A_153, %sub3A_48 : vector<680x128xf32>
    %mul3A_155 = arith.mulf %sub3A_154, %convert_element_type3A_133 : vector<680x128xf32>
    %mul3A_156 = arith.mulf %mul3A_155, %div3A : vector<680x128xf32>
    %eq3A = arith.constant 0 : i32
    %eq3A_157 = vector.broadcast %eq3A : i32 to vector<680x128xi32>
    %eq3A_158 = arith.cmpi eq, %convert_element_type3A_103, %eq3A_157 : vector<680x128xi32>
    %convert_element_type3A_159 = arith.extui %eq3A_158 : vector<680x128xi1> to vector<680x128xi32>
    %convert_element_type3A_160 = arith.sitofp %convert_element_type3A_159 : vector<680x128xi32> to vector<680x128xf32>
    %mul3A_161 = arith.mulf %convert_element_type3A_160, %mul3A_82 : vector<680x128xf32>
    %eq3A_162 = arith.constant 0 : i32
    %eq3A_163 = vector.broadcast %eq3A_162 : i32 to vector<680x128xi32>
    %eq3A_164 = arith.cmpi eq, %convert_element_type3A_117, %eq3A_163 : vector<680x128xi32>
    %convert_element_type3A_165 = arith.extui %eq3A_164 : vector<680x128xi1> to vector<680x128xi32>
    %convert_element_type3A_166 = arith.sitofp %convert_element_type3A_165 : vector<680x128xi32> to vector<680x128xf32>
    %mul3A_167 = arith.mulf %convert_element_type3A_166, %mul3A_83 : vector<680x128xf32>
    %add3A_168 = arith.addf %mul3A_161, %mul3A_167 : vector<680x128xf32>
    %mul3A_169 = arith.mulf %mul3A_156, %add3A_168 : vector<680x128xf32>
    %swap3A_170 = arith.constant 0 : index
    %swap3A_171 = arith.constant 0 : index
    %swap3A_172 = arith.constant 0 : index
    %swap3A_173 = vector.load %arg10[%swap3A_170, %swap3A_171, %swap3A_172] : memref<8x680x128xf32, #tpu.memory_space<vmem>>, vector<1x680x128xf32>
    %swap3A_174 = vector.shape_cast %swap3A_173 : vector<1x680x128xf32> to vector<680x128xf32>
    %swap3A_175 = vector.shape_cast %mul3A_169 : vector<680x128xf32> to vector<1x680x128xf32>
    tpu.vector_store %arg10[%swap3A_170, %swap3A_171, %swap3A_172], %swap3A_175 {strides = array<i32>} : memref<8x680x128xf32, #tpu.memory_space<vmem>>, vector<1x680x128xf32>,
    %eq3A_176 = arith.constant 1 : i32
    %eq3A_177 = vector.broadcast %eq3A_176 : i32 to vector<680x128xi32>
    %eq3A_178 = arith.cmpi eq, %convert_element_type3A_103, %eq3A_177 : vector<680x128xi32>
    %convert_element_type3A_179 = arith.extui %eq3A_178 : vector<680x128xi1> to vector<680x128xi32>
    %convert_element_type3A_180 = arith.sitofp %convert_element_type3A_179 : vector<680x128xi32> to vector<680x128xf32>
    %mul3A_181 = arith.mulf %convert_element_type3A_180, %mul3A_82 : vector<680x128xf32>
    %eq3A_182 = arith.constant 1 : i32
    %eq3A_183 = vector.broadcast %eq3A_182 : i32 to vector<680x128xi32>
    %eq3A_184 = arith.cmpi eq, %convert_element_type3A_117, %eq3A_183 : vector<680x128xi32>
    %convert_element_type3A_185 = arith.extui %eq3A_184 : vector<680x128xi1> to vector<680x128xi32>
    %convert_element_type3A_186 = arith.sitofp %convert_element_type3A_185 : vector<680x128xi32> to vector<680x128xf32>
    %mul3A_187 = arith.mulf %convert_element_type3A_186, %mul3A_83 : vector<680x128xf32>
    %add3A_188 = arith.addf %mul3A_181, %mul3A_187 : vector<680x128xf32>
    %mul3A_189 = arith.mulf %mul3A_156, %add3A_188 : vector<680x128xf32>
    %swap3A_190 = arith.constant 1 : index
    %swap3A_191 = arith.constant 0 : index
    %swap3A_192 = arith.constant 0 : index
    %swap3A_193 = vector.load %arg10[%swap3A_190, %swap3A_191, %swap3A_192] : memref<8x680x128xf32, #tpu.memory_space<vmem>>, vector<1x680x128xf32>
    %swap3A_194 = vector.shape_cast %swap3A_193 : vector<1x680x128xf32> to vector<680x128xf32>
    %swap3A_195 = vector.shape_cast %mul3A_189 : vector<680x128xf32> to vector<1x680x128xf32>
    tpu.vector_store %arg10[%swap3A_190, %swap3A_191, %swap3A_192], %swap3A_195 {strides = array<i32>} : memref<8x680x128xf32, #tpu.memory_space<vmem>>, vector<1x680x128xf32>,
    %eq3A_196 = arith.constant 2 : i32
    %eq3A_197 = vector.broadcast %eq3A_196 : i32 to vector<680x128xi32>
    %eq3A_198 = arith.cmpi eq, %convert_element_type3A_103, %eq3A_197 : vector<680x128xi32>
    %convert_element_type3A_199 = arith.extui %eq3A_198 : vector<680x128xi1> to vector<680x128xi32>
    %convert_element_type3A_200 = arith.sitofp %convert_element_type3A_199 : vector<680x128xi32> to vector<680x128xf32>
    %mul3A_201 = arith.mulf %convert_element_type3A_200, %mul3A_82 : vector<680x128xf32>
    %eq3A_202 = arith.constant 2 : i32
    %eq3A_203 = vector.broadcast %eq3A_202 : i32 to vector<680x128xi32>
    %eq3A_204 = arith.cmpi eq, %convert_element_type3A_117, %eq3A_203 : vector<680x128xi32>
    %convert_element_type3A_205 = arith.extui %eq3A_204 : vector<680x128xi1> to vector<680x128xi32>
    %convert_element_type3A_206 = arith.sitofp %convert_element_type3A_205 : vector<680x128xi32> to vector<680x128xf32>
    %mul3A_207 = arith.mulf %convert_element_type3A_206, %mul3A_83 : vector<680x128xf32>
    %add3A_208 = arith.addf %mul3A_201, %mul3A_207 : vector<680x128xf32>
    %mul3A_209 = arith.mulf %mul3A_156, %add3A_208 : vector<680x128xf32>
    %swap3A_210 = arith.constant 2 : index
    %swap3A_211 = arith.constant 0 : index
    %swap3A_212 = arith.constant 0 : index
    %swap3A_213 = vector.load %arg10[%swap3A_210, %swap3A_211, %swap3A_212] : memref<8x680x128xf32, #tpu.memory_space<vmem>>, vector<1x680x128xf32>
    %swap3A_214 = vector.shape_cast %swap3A_213 : vector<1x680x128xf32> to vector<680x128xf32>
    %swap3A_215 = vector.shape_cast %mul3A_209 : vector<680x128xf32> to vector<1x680x128xf32>
    tpu.vector_store %arg10[%swap3A_210, %swap3A_211, %swap3A_212], %swap3A_215 {strides = array<i32>} : memref<8x680x128xf32, #tpu.memory_space<vmem>>, vector<1x680x128xf32>,
    %eq3A_216 = arith.constant 3 : i32
    %eq3A_217 = vector.broadcast %eq3A_216 : i32 to vector<680x128xi32>
    %eq3A_218 = arith.cmpi eq, %convert_element_type3A_103, %eq3A_217 : vector<680x128xi32>
    %convert_element_type3A_219 = arith.extui %eq3A_218 : vector<680x128xi1> to vector<680x128xi32>
    %convert_element_type3A_220 = arith.sitofp %convert_element_type3A_219 : vector<680x128xi32> to vector<680x128xf32>
    %mul3A_221 = arith.mulf %convert_element_type3A_220, %mul3A_82 : vector<680x128xf32>
    %eq3A_222 = arith.constant 3 : i32
    %eq3A_223 = vector.broadcast %eq3A_222 : i32 to vector<680x128xi32>
    %eq3A_224 = arith.cmpi eq, %convert_element_type3A_117, %eq3A_223 : vector<680x128xi32>
    %convert_element_type3A_225 = arith.extui %eq3A_224 : vector<680x128xi1> to vector<680x128xi32>
    %convert_element_type3A_226 = arith.sitofp %convert_element_type3A_225 : vector<680x128xi32> to vector<680x128xf32>
    %mul3A_227 = arith.mulf %convert_element_type3A_226, %mul3A_83 : vector<680x128xf32>
    %add3A_228 = arith.addf %mul3A_221, %mul3A_227 : vector<680x128xf32>
    %mul3A_229 = arith.mulf %mul3A_156, %add3A_228 : vector<680x128xf32>
    %swap3A_230 = arith.constant 3 : index
    %swap3A_231 = arith.constant 0 : index
    %swap3A_232 = arith.constant 0 : index
    %swap3A_233 = vector.load %arg10[%swap3A_230, %swap3A_231, %swap3A_232] : memref<8x680x128xf32, #tpu.memory_space<vmem>>, vector<1x680x128xf32>
    %swap3A_234 = vector.shape_cast %swap3A_233 : vector<1x680x128xf32> to vector<680x128xf32>
    %swap3A_235 = vector.shape_cast %mul3A_229 : vector<680x128xf32> to vector<1x680x128xf32>
    tpu.vector_store %arg10[%swap3A_230, %swap3A_231, %swap3A_232], %swap3A_235 {strides = array<i32>} : memref<8x680x128xf32, #tpu.memory_space<vmem>>, vector<1x680x128xf32>,
    %add3A_236 = arith.constant 1.000000e+00 : f32
    %add3A_237 = vector.broadcast %add3A_236 : f32 to vector<680x128xf32>
    %add3A_238 = arith.addf %floor3A_46, %add3A_237 : vector<680x128xf32>
    %ge3A_239 = arith.constant 0.000000e+00 : f32
    %ge3A_240 = vector.broadcast %ge3A_239 : f32 to vector<680x128xf32>
    %ge3A_241 = arith.cmpf oge, %add3A_238, %ge3A_240 : vector<680x128xf32>
    %sub3A_242 = arith.constant 1.000000e+00 : f32
    %sub3A_243 = vector.broadcast %sub3A_242 : f32 to vector<1x128xf32>
    %sub3A_244 = arith.subf %get3A_24, %sub3A_243 : vector<1x128xf32>
    %le3A_245 = vector.broadcast %sub3A_244 : vector<1x128xf32> to vector<680x128xf32>
    %le3A_246 = arith.cmpf ole, %add3A_238, %le3A_245 : vector<680x128xf32>
    %and3A_247 = arith.andi %ge3A_241, %le3A_246 : vector<680x128xi1>
    %convert_element_type3A_248 = arith.extui %and3A_247 : vector<680x128xi1> to vector<680x128xi32>
    %convert_element_type3A_249 = arith.sitofp %convert_element_type3A_248 : vector<680x128xi32> to vector<680x128xf32>
    %sub3A_250 = arith.constant 1.000000e+00 : f32
    %sub3A_251 = vector.broadcast %sub3A_250 : f32 to vector<1x128xf32>
    %sub3A_252 = arith.subf %get3A_24, %sub3A_251 : vector<1x128xf32>
    %jit3A_253 = arith.constant 0.000000e+00 : f32
    %max3A_254 = vector.broadcast %jit3A_253 : f32 to vector<680x128xf32>
    %max3A_255 = arith.maximumf %max3A_254, %add3A_238 : vector<680x128xf32>
    %min3A_256 = vector.broadcast %sub3A_252 : vector<1x128xf32> to vector<680x128xf32>
    %min3A_257 = arith.minimumf %min3A_256, %max3A_255 : vector<680x128xf32>
    %convert_element_type3A_258 = arith.fptosi %min3A_257 : vector<680x128xf32> to vector<680x128xi32>
    %mul3A_259 = vector.broadcast %convert_element_type3A_119 : vector<1x128xi32> to vector<680x128xi32>
    %mul3A_260 = arith.muli %convert_element_type3A_258, %mul3A_259 : vector<680x128xi32>
    %add3A_261 = arith.addi %get3A_51, %mul3A_260 : vector<680x128xi32>
    %add3A_262 = arith.addi %add3A_261, %convert_element_type3A_118 : vector<680x128xi32>
    %swap3A_263 = arith.constant 1 : index
    %swap3A_264 = arith.constant 0 : index
    %swap3A_265 = arith.constant 0 : index
    %swap3A_266 = vector.load %arg9[%swap3A_263, %swap3A_264, %swap3A_265] : memref<2x680x128xi32, #tpu.memory_space<vmem>>, vector<1x680x128xi32>
    %swap3A_267 = vector.shape_cast %swap3A_266 : vector<1x680x128xi32> to vector<680x128xi32>
    %swap3A_268 = vector.shape_cast %add3A_262 : vector<680x128xi32> to vector<1x680x128xi32>
    tpu.vector_store %arg9[%swap3A_263, %swap3A_264, %swap3A_265], %swap3A_268 {strides = array<i32>} : memref<2x680x128xi32, #tpu.memory_space<vmem>>, vector<1x680x128xi32>,
    %mul3A_269 = arith.mulf %sub3A_48, %convert_element_type3A_249 : vector<680x128xf32>
    %mul3A_270 = arith.mulf %mul3A_269, %div3A : vector<680x128xf32>
    %eq3A_271 = arith.constant 0 : i32
    %eq3A_272 = vector.broadcast %eq3A_271 : i32 to vector<680x128xi32>
    %eq3A_273 = arith.cmpi eq, %convert_element_type3A_103, %eq3A_272 : vector<680x128xi32>
    %convert_element_type3A_274 = arith.extui %eq3A_273 : vector<680x128xi1> to vector<680x128xi32>
    %convert_element_type3A_275 = arith.sitofp %convert_element_type3A_274 : vector<680x128xi32> to vector<680x128xf32>
    %mul3A_276 = arith.mulf %convert_element_type3A_275, %mul3A_82 : vector<680x128xf32>
    %eq3A_277 = arith.constant 0 : i32
    %eq3A_278 = vector.broadcast %eq3A_277 : i32 to vector<680x128xi32>
    %eq3A_279 = arith.cmpi eq, %convert_element_type3A_117, %eq3A_278 : vector<680x128xi32>
    %convert_element_type3A_280 = arith.extui %eq3A_279 : vector<680x128xi1> to vector<680x128xi32>
    %convert_element_type3A_281 = arith.sitofp %convert_element_type3A_280 : vector<680x128xi32> to vector<680x128xf32>
    %mul3A_282 = arith.mulf %convert_element_type3A_281, %mul3A_83 : vector<680x128xf32>
    %add3A_283 = arith.addf %mul3A_276, %mul3A_282 : vector<680x128xf32>
    %mul3A_284 = arith.mulf %mul3A_270, %add3A_283 : vector<680x128xf32>
    %swap3A_285 = arith.constant 4 : index
    %swap3A_286 = arith.constant 0 : index
    %swap3A_287 = arith.constant 0 : index
    %swap3A_288 = vector.load %arg10[%swap3A_285, %swap3A_286, %swap3A_287] : memref<8x680x128xf32, #tpu.memory_space<vmem>>, vector<1x680x128xf32>
    %swap3A_289 = vector.shape_cast %swap3A_288 : vector<1x680x128xf32> to vector<680x128xf32>
    %swap3A_290 = vector.shape_cast %mul3A_284 : vector<680x128xf32> to vector<1x680x128xf32>
    tpu.vector_store %arg10[%swap3A_285, %swap3A_286, %swap3A_287], %swap3A_290 {strides = array<i32>} : memref<8x680x128xf32, #tpu.memory_space<vmem>>, vector<1x680x128xf32>,
    %eq3A_291 = arith.constant 1 : i32
    %eq3A_292 = vector.broadcast %eq3A_291 : i32 to vector<680x128xi32>
    %eq3A_293 = arith.cmpi eq, %convert_element_type3A_103, %eq3A_292 : vector<680x128xi32>
    %convert_element_type3A_294 = arith.extui %eq3A_293 : vector<680x128xi1> to vector<680x128xi32>
    %convert_element_type3A_295 = arith.sitofp %convert_element_type3A_294 : vector<680x128xi32> to vector<680x128xf32>
    %mul3A_296 = arith.mulf %convert_element_type3A_295, %mul3A_82 : vector<680x128xf32>
    %eq3A_297 = arith.constant 1 : i32
    %eq3A_298 = vector.broadcast %eq3A_297 : i32 to vector<680x128xi32>
    %eq3A_299 = arith.cmpi eq, %convert_element_type3A_117, %eq3A_298 : vector<680x128xi32>
    %convert_element_type3A_300 = arith.extui %eq3A_299 : vector<680x128xi1> to vector<680x128xi32>
    %convert_element_type3A_301 = arith.sitofp %convert_element_type3A_300 : vector<680x128xi32> to vector<680x128xf32>
    %mul3A_302 = arith.mulf %convert_element_type3A_301, %mul3A_83 : vector<680x128xf32>
    %add3A_303 = arith.addf %mul3A_296, %mul3A_302 : vector<680x128xf32>
    %mul3A_304 = arith.mulf %mul3A_270, %add3A_303 : vector<680x128xf32>
    %swap3A_305 = arith.constant 5 : index
    %swap3A_306 = arith.constant 0 : index
    %swap3A_307 = arith.constant 0 : index
    %swap3A_308 = vector.load %arg10[%swap3A_305, %swap3A_306, %swap3A_307] : memref<8x680x128xf32, #tpu.memory_space<vmem>>, vector<1x680x128xf32>
    %swap3A_309 = vector.shape_cast %swap3A_308 : vector<1x680x128xf32> to vector<680x128xf32>
    %swap3A_310 = vector.shape_cast %mul3A_304 : vector<680x128xf32> to vector<1x680x128xf32>
    tpu.vector_store %arg10[%swap3A_305, %swap3A_306, %swap3A_307], %swap3A_310 {strides = array<i32>} : memref<8x680x128xf32, #tpu.memory_space<vmem>>, vector<1x680x128xf32>,
    %eq3A_311 = arith.constant 2 : i32
    %eq3A_312 = vector.broadcast %eq3A_311 : i32 to vector<680x128xi32>
    %eq3A_313 = arith.cmpi eq, %convert_element_type3A_103, %eq3A_312 : vector<680x128xi32>
    %convert_element_type3A_314 = arith.extui %eq3A_313 : vector<680x128xi1> to vector<680x128xi32>
    %convert_element_type3A_315 = arith.sitofp %convert_element_type3A_314 : vector<680x128xi32> to vector<680x128xf32>
    %mul3A_316 = arith.mulf %convert_element_type3A_315, %mul3A_82 : vector<680x128xf32>
    %eq3A_317 = arith.constant 2 : i32
    %eq3A_318 = vector.broadcast %eq3A_317 : i32 to vector<680x128xi32>
    %eq3A_319 = arith.cmpi eq, %convert_element_type3A_117, %eq3A_318 : vector<680x128xi32>
    %convert_element_type3A_320 = arith.extui %eq3A_319 : vector<680x128xi1> to vector<680x128xi32>
    %convert_element_type3A_321 = arith.sitofp %convert_element_type3A_320 : vector<680x128xi32> to vector<680x128xf32>
    %mul3A_322 = arith.mulf %convert_element_type3A_321, %mul3A_83 : vector<680x128xf32>
    %add3A_323 = arith.addf %mul3A_316, %mul3A_322 : vector<680x128xf32>
    %mul3A_324 = arith.mulf %mul3A_270, %add3A_323 : vector<680x128xf32>
    %swap3A_325 = arith.constant 6 : index
    %swap3A_326 = arith.constant 0 : index
    %swap3A_327 = arith.constant 0 : index
    %swap3A_328 = vector.load %arg10[%swap3A_325, %swap3A_326, %swap3A_327] : memref<8x680x128xf32, #tpu.memory_space<vmem>>, vector<1x680x128xf32>
    %swap3A_329 = vector.shape_cast %swap3A_328 : vector<1x680x128xf32> to vector<680x128xf32>
    %swap3A_330 = vector.shape_cast %mul3A_324 : vector<680x128xf32> to vector<1x680x128xf32>
    tpu.vector_store %arg10[%swap3A_325, %swap3A_326, %swap3A_327], %swap3A_330 {strides = array<i32>} : memref<8x680x128xf32, #tpu.memory_space<vmem>>, vector<1x680x128xf32>,
    %eq3A_331 = arith.constant 3 : i32
    %eq3A_332 = vector.broadcast %eq3A_331 : i32 to vector<680x128xi32>
    %eq3A_333 = arith.cmpi eq, %convert_element_type3A_103, %eq3A_332 : vector<680x128xi32>
    %convert_element_type3A_334 = arith.extui %eq3A_333 : vector<680x128xi1> to vector<680x128xi32>
    %convert_element_type3A_335 = arith.sitofp %convert_element_type3A_334 : vector<680x128xi32> to vector<680x128xf32>
    %mul3A_336 = arith.mulf %convert_element_type3A_335, %mul3A_82 : vector<680x128xf32>
    %eq3A_337 = arith.constant 3 : i32
    %eq3A_338 = vector.broadcast %eq3A_337 : i32 to vector<680x128xi32>
    %eq3A_339 = arith.cmpi eq, %convert_element_type3A_117, %eq3A_338 : vector<680x128xi32>
    %convert_element_type3A_340 = arith.extui %eq3A_339 : vector<680x128xi1> to vector<680x128xi32>
    %convert_element_type3A_341 = arith.sitofp %convert_element_type3A_340 : vector<680x128xi32> to vector<680x128xf32>
    %mul3A_342 = arith.mulf %convert_element_type3A_341, %mul3A_83 : vector<680x128xf32>
    %add3A_343 = arith.addf %mul3A_336, %mul3A_342 : vector<680x128xf32>
    %mul3A_344 = arith.mulf %mul3A_270, %add3A_343 : vector<680x128xf32>
    %swap3A_345 = arith.constant 7 : index
    %swap3A_346 = arith.constant 0 : index
    %swap3A_347 = arith.constant 0 : index
    %swap3A_348 = vector.load %arg10[%swap3A_345, %swap3A_346, %swap3A_347] : memref<8x680x128xf32, #tpu.memory_space<vmem>>, vector<1x680x128xf32>
    %swap3A_349 = vector.shape_cast %swap3A_348 : vector<1x680x128xf32> to vector<680x128xf32>
    %swap3A_350 = vector.shape_cast %mul3A_344 : vector<680x128xf32> to vector<1x680x128xf32>
    tpu.vector_store %arg10[%swap3A_345, %swap3A_346, %swap3A_347], %swap3A_350 {strides = array<i32>} : memref<8x680x128xf32, #tpu.memory_space<vmem>>, vector<1x680x128xf32>,
    return
  }
  func.func @transform_0(%arg0: i32) -> (i32, i32) {
    %c0_i32 = arith.constant 0 : i32
    %c0_i32_0 = arith.constant 0 : i32
    return %arg0, %c0_i32 : i32, i32
  }
  func.func @transform_1(%arg0: i32) -> (i32, i32) {
    %c0_i32 = arith.constant 0 : i32
    %c0_i32_0 = arith.constant 0 : i32
    %c0_i32_1 = arith.constant 0 : i32
    return %c0_i32, %c0_i32_0 : i32, i32
  }
  func.func @transform_2(%arg0: i32) -> (i32, i32) {
    %c0_i32 = arith.constant 0 : i32
    %c0_i32_0 = arith.constant 0 : i32
    %c0_i32_1 = arith.constant 0 : i32
    return %c0_i32, %c0_i32_0 : i32, i32
  }
  func.func @transform_3(%arg0: i32) -> (i32, i32) {
    %c0_i32 = arith.constant 0 : i32
    %c0_i32_0 = arith.constant 0 : i32
    %c0_i32_1 = arith.constant 0 : i32
    return %c0_i32, %c0_i32_0 : i32, i32
  }
  func.func @transform_4(%arg0: i32) -> (i32, i32) {
    %c0_i32 = arith.constant 0 : i32
    %c0_i32_0 = arith.constant 0 : i32
    return %arg0, %c0_i32 : i32, i32
  }
  func.func @transform_5(%arg0: i32) -> (i32, i32) {
    %c0_i32 = arith.constant 0 : i32
    %c0_i32_0 = arith.constant 0 : i32
    return %arg0, %c0_i32 : i32, i32
  }
  func.func @transform_6(%arg0: i32) -> (i32, i32) {
    %c0_i32 = arith.constant 0 : i32
    %c0_i32_0 = arith.constant 0 : i32
    return %arg0, %c0_i32 : i32, i32
  }
  func.func @transform_7(%arg0: i32) -> (i32, i32) {
    %c0_i32 = arith.constant 0 : i32
    %c0_i32_0 = arith.constant 0 : i32
    %c0_i32_1 = arith.constant 0 : i32
    return %c0_i32, %c0_i32_0 : i32, i32
  }
  func.func @transform_8(%arg0: i32) -> (i32, i32, i32) {
    %c0_i32 = arith.constant 0 : i32
    %c0_i32_0 = arith.constant 0 : i32
    %c0_i32_1 = arith.constant 0 : i32
    return %c0_i32, %arg0, %c0_i32_0 : i32, i32, i32
  }
  func.func @transform_9(%arg0: i32) -> (i32, i32, i32) {
    %c0_i32 = arith.constant 0 : i32
    %c0_i32_0 = arith.constant 0 : i32
    %c0_i32_1 = arith.constant 0 : i32
    return %c0_i32, %arg0, %c0_i32_0 : i32, i32, i32
  }
}

module attributes {stable_mosaic.version = 14 : i64} {
  func.func @_stage_d_body(%arg0: i32, %arg1: memref<2x8x128x128xf32, #tpu.memory_space<vmem>>, %arg2: memref<1024x4xf32, #tpu.memory_space<vmem>>, %arg3: memref<1024x4xf32, #tpu.memory_space<vmem>>, %arg4: memref<64x32xf32, #tpu.memory_space<vmem>>) attributes {dimension_semantics = [#tpu.dimension_semantics<arbitrary>], iteration_bounds = array<i64: 340>, scalar_prefetch = 0 : i64, scratch_operands = 0 : i64, tpu.core_type = #tpu.core_type<tc>, window_params = [{transform_indices = @transform_0, window_bounds = array<i64: 2, 8, 128, 128>}, {transform_indices = @transform_1, window_bounds = array<i64: 1024, 4>}, {transform_indices = @transform_2, window_bounds = array<i64: 1024, 4>}, {transform_indices = @transform_3, window_bounds = array<i64: 64, 32>}]} {
    %get3A = arith.constant 0 : index
    %get3A_0 = arith.constant 0 : index
    %get3A_1 = arith.constant 0 : index
    %get3A_2 = arith.constant 0 : index
    %get3A_3 = vector.load %arg1[%get3A, %get3A_0, %get3A_1, %get3A_2] : memref<2x8x128x128xf32, #tpu.memory_space<vmem>>, vector<1x8x128x128xf32>
    %get3A_4 = vector.shape_cast %get3A_3 : vector<1x8x128x128xf32> to vector<8x128x128xf32>
    %reshape3A = vector.shape_cast %get3A_4 : vector<8x128x128xf32> to vector<1024x128xf32>
    %get3A_5 = arith.constant 0 : index
    %get3A_6 = arith.constant 0 : index
    %get3A_7 = vector.load %arg2[%get3A_5, %get3A_6] : memref<1024x4xf32, #tpu.memory_space<vmem>>, vector<1024x4xf32>
    %slice3A = vector.extract_strided_slice %reshape3A {offsets = [0, 0], sizes = [1024, 32], strides = [1, 1]} : vector<1024x128xf32> to vector<1024x32xf32>
    %slice3A_8 = vector.extract_strided_slice %get3A_7 {offsets = [0, 0], sizes = [1024, 1], strides = [1, 1]} : vector<1024x4xf32> to vector<1024x1xf32>
    %mul3A = vector.broadcast %slice3A_8 : vector<1024x1xf32> to vector<1024x32xf32>
    %mul3A_9 = arith.mulf %slice3A, %mul3A : vector<1024x32xf32>
    %slice3A_10 = vector.extract_strided_slice %reshape3A {offsets = [0, 32], sizes = [1024, 32], strides = [1, 1]} : vector<1024x128xf32> to vector<1024x32xf32>
    %slice3A_11 = vector.extract_strided_slice %get3A_7 {offsets = [0, 1], sizes = [1024, 1], strides = [1, 1]} : vector<1024x4xf32> to vector<1024x1xf32>
    %mul3A_12 = vector.broadcast %slice3A_11 : vector<1024x1xf32> to vector<1024x32xf32>
    %mul3A_13 = arith.mulf %slice3A_10, %mul3A_12 : vector<1024x32xf32>
    %add3A = arith.addf %mul3A_9, %mul3A_13 : vector<1024x32xf32>
    %slice3A_14 = vector.extract_strided_slice %reshape3A {offsets = [0, 64], sizes = [1024, 32], strides = [1, 1]} : vector<1024x128xf32> to vector<1024x32xf32>
    %slice3A_15 = vector.extract_strided_slice %get3A_7 {offsets = [0, 2], sizes = [1024, 1], strides = [1, 1]} : vector<1024x4xf32> to vector<1024x1xf32>
    %mul3A_16 = vector.broadcast %slice3A_15 : vector<1024x1xf32> to vector<1024x32xf32>
    %mul3A_17 = arith.mulf %slice3A_14, %mul3A_16 : vector<1024x32xf32>
    %add3A_18 = arith.addf %add3A, %mul3A_17 : vector<1024x32xf32>
    %slice3A_19 = vector.extract_strided_slice %reshape3A {offsets = [0, 96], sizes = [1024, 32], strides = [1, 1]} : vector<1024x128xf32> to vector<1024x32xf32>
    %slice3A_20 = vector.extract_strided_slice %get3A_7 {offsets = [0, 3], sizes = [1024, 1], strides = [1, 1]} : vector<1024x4xf32> to vector<1024x1xf32>
    %mul3A_21 = vector.broadcast %slice3A_20 : vector<1024x1xf32> to vector<1024x32xf32>
    %mul3A_22 = arith.mulf %slice3A_19, %mul3A_21 : vector<1024x32xf32>
    %add3A_23 = arith.addf %add3A_18, %mul3A_22 : vector<1024x32xf32>
    %get3A_24 = arith.constant 1 : index
    %get3A_25 = arith.constant 0 : index
    %get3A_26 = arith.constant 0 : index
    %get3A_27 = arith.constant 0 : index
    %get3A_28 = vector.load %arg1[%get3A_24, %get3A_25, %get3A_26, %get3A_27] : memref<2x8x128x128xf32, #tpu.memory_space<vmem>>, vector<1x8x128x128xf32>
    %get3A_29 = vector.shape_cast %get3A_28 : vector<1x8x128x128xf32> to vector<8x128x128xf32>
    %reshape3A_30 = vector.shape_cast %get3A_29 : vector<8x128x128xf32> to vector<1024x128xf32>
    %get3A_31 = arith.constant 0 : index
    %get3A_32 = arith.constant 0 : index
    %get3A_33 = vector.load %arg3[%get3A_31, %get3A_32] : memref<1024x4xf32, #tpu.memory_space<vmem>>, vector<1024x4xf32>
    %slice3A_34 = vector.extract_strided_slice %reshape3A_30 {offsets = [0, 0], sizes = [1024, 32], strides = [1, 1]} : vector<1024x128xf32> to vector<1024x32xf32>
    %slice3A_35 = vector.extract_strided_slice %get3A_33 {offsets = [0, 0], sizes = [1024, 1], strides = [1, 1]} : vector<1024x4xf32> to vector<1024x1xf32>
    %mul3A_36 = vector.broadcast %slice3A_35 : vector<1024x1xf32> to vector<1024x32xf32>
    %mul3A_37 = arith.mulf %slice3A_34, %mul3A_36 : vector<1024x32xf32>
    %add3A_38 = arith.addf %add3A_23, %mul3A_37 : vector<1024x32xf32>
    %slice3A_39 = vector.extract_strided_slice %reshape3A_30 {offsets = [0, 32], sizes = [1024, 32], strides = [1, 1]} : vector<1024x128xf32> to vector<1024x32xf32>
    %slice3A_40 = vector.extract_strided_slice %get3A_33 {offsets = [0, 1], sizes = [1024, 1], strides = [1, 1]} : vector<1024x4xf32> to vector<1024x1xf32>
    %mul3A_41 = vector.broadcast %slice3A_40 : vector<1024x1xf32> to vector<1024x32xf32>
    %mul3A_42 = arith.mulf %slice3A_39, %mul3A_41 : vector<1024x32xf32>
    %add3A_43 = arith.addf %add3A_38, %mul3A_42 : vector<1024x32xf32>
    %slice3A_44 = vector.extract_strided_slice %reshape3A_30 {offsets = [0, 64], sizes = [1024, 32], strides = [1, 1]} : vector<1024x128xf32> to vector<1024x32xf32>
    %slice3A_45 = vector.extract_strided_slice %get3A_33 {offsets = [0, 2], sizes = [1024, 1], strides = [1, 1]} : vector<1024x4xf32> to vector<1024x1xf32>
    %mul3A_46 = vector.broadcast %slice3A_45 : vector<1024x1xf32> to vector<1024x32xf32>
    %mul3A_47 = arith.mulf %slice3A_44, %mul3A_46 : vector<1024x32xf32>
    %add3A_48 = arith.addf %add3A_43, %mul3A_47 : vector<1024x32xf32>
    %slice3A_49 = vector.extract_strided_slice %reshape3A_30 {offsets = [0, 96], sizes = [1024, 32], strides = [1, 1]} : vector<1024x128xf32> to vector<1024x32xf32>
    %slice3A_50 = vector.extract_strided_slice %get3A_33 {offsets = [0, 3], sizes = [1024, 1], strides = [1, 1]} : vector<1024x4xf32> to vector<1024x1xf32>
    %mul3A_51 = vector.broadcast %slice3A_50 : vector<1024x1xf32> to vector<1024x32xf32>
    %mul3A_52 = arith.mulf %slice3A_49, %mul3A_51 : vector<1024x32xf32>
    %add3A_53 = arith.addf %add3A_48, %mul3A_52 : vector<1024x32xf32>
    %reshape3A_54 = vector.shape_cast %add3A_53 : vector<1024x32xf32> to vector<64x16x32xf32>
    %reduce_sum3A = arith.constant dense<0.000000e+00> : vector<64x32xf32>
    %reduce_sum3A_55 = vector.multi_reduction <add>, %reshape3A_54, %reduce_sum3A [1] : vector<64x16x32xf32> to vector<64x32xf32>
    %swap3A = arith.constant 0 : index
    %swap3A_56 = arith.constant 0 : index
    %swap3A_57 = vector.load %arg4[%swap3A, %swap3A_56] : memref<64x32xf32, #tpu.memory_space<vmem>>, vector<64x32xf32>
    tpu.vector_store %arg4[%swap3A, %swap3A_56], %reduce_sum3A_55 {strides = array<i32>} : memref<64x32xf32, #tpu.memory_space<vmem>>, vector<64x32xf32>,
    return
  }
  func.func @transform_0(%arg0: i32) -> (i32, i32, i32, i32) {
    %c0_i32 = arith.constant 0 : i32
    %c0_i32_0 = arith.constant 0 : i32
    %c0_i32_1 = arith.constant 0 : i32
    %c0_i32_2 = arith.constant 0 : i32
    return %c0_i32, %arg0, %c0_i32_0, %c0_i32_1 : i32, i32, i32, i32
  }
  func.func @transform_1(%arg0: i32) -> (i32, i32) {
    %c0_i32 = arith.constant 0 : i32
    %c0_i32_0 = arith.constant 0 : i32
    return %arg0, %c0_i32 : i32, i32
  }
  func.func @transform_2(%arg0: i32) -> (i32, i32) {
    %c0_i32 = arith.constant 0 : i32
    %c0_i32_0 = arith.constant 0 : i32
    return %arg0, %c0_i32 : i32, i32
  }
  func.func @transform_3(%arg0: i32) -> (i32, i32) {
    %c0_i32 = arith.constant 0 : i32
    %c0_i32_0 = arith.constant 0 : i32
    return %arg0, %c0_i32 : i32, i32
  }
}

module attributes {stable_mosaic.version = 14 : i64} {
  func.func @_stage_e_body(%arg0: i32, %arg1: memref<680x256xf32, #tpu.memory_space<vmem>>, %arg2: memref<256x256xf32, #tpu.memory_space<vmem>>, %arg3: memref<1x256xf32, #tpu.memory_space<vmem>>, %arg4: memref<680x256xf32, #tpu.memory_space<vmem>>) attributes {dimension_semantics = [#tpu.dimension_semantics<arbitrary>], iteration_bounds = array<i64: 4>, scalar_prefetch = 0 : i64, scratch_operands = 0 : i64, tpu.core_type = #tpu.core_type<tc>, window_params = [{transform_indices = @transform_0, window_bounds = array<i64: 680, 256>}, {pipeline_mode = #tpu.pipeline_mode<synchronous>, transform_indices = @transform_1, window_bounds = array<i64: 256, 256>}, {pipeline_mode = #tpu.pipeline_mode<synchronous>, transform_indices = @transform_2, window_bounds = array<i64: 1, 256>}, {transform_indices = @transform_3, window_bounds = array<i64: 680, 256>}]} {
    %get3A = arith.constant 0 : index
    %get3A_0 = arith.constant 0 : index
    %get3A_1 = vector.load %arg1[%get3A, %get3A_0] : memref<680x256xf32, #tpu.memory_space<vmem>>, vector<680x256xf32>
    %get3A_2 = arith.constant 0 : index
    %get3A_3 = arith.constant 0 : index
    %get3A_4 = vector.load %arg2[%get3A_2, %get3A_3] : memref<256x256xf32, #tpu.memory_space<vmem>>, vector<256x256xf32>
    %dot_general3A = arith.constant dense<0.000000e+00> : vector<680x256xf32>
    %dot_general3A_5 = tpu.matmul %get3A_1, %get3A_4, %dot_general3A {dimension_numbers = #tpu.dot_dimension_numbers<[1], [0], [0], [1], [0, 0, 1, 1], [], []>, transpose_lhs_hint = false} : vector<680x256xf32>, vector<256x256xf32>, vector<680x256xf32> -> vector<680x256xf32>
    %get3A_6 = arith.constant 0 : index
    %get3A_7 = arith.constant 0 : index
    %get3A_8 = vector.load %arg3[%get3A_6, %get3A_7] : memref<1x256xf32, #tpu.memory_space<vmem>>, vector<1x256xf32>
    %add3A = vector.broadcast %get3A_8 : vector<1x256xf32> to vector<680x256xf32>
    %add3A_9 = arith.addf %dot_general3A_5, %add3A : vector<680x256xf32>
    %swap3A = arith.constant 0 : index
    %swap3A_10 = arith.constant 0 : index
    %swap3A_11 = vector.load %arg4[%swap3A, %swap3A_10] : memref<680x256xf32, #tpu.memory_space<vmem>>, vector<680x256xf32>
    tpu.vector_store %arg4[%swap3A, %swap3A_10], %add3A_9 {strides = array<i32>} : memref<680x256xf32, #tpu.memory_space<vmem>>, vector<680x256xf32>,
    return
  }
  func.func @transform_0(%arg0: i32) -> (i32, i32) {
    %c0_i32 = arith.constant 0 : i32
    %c0_i32_0 = arith.constant 0 : i32
    return %arg0, %c0_i32 : i32, i32
  }
  func.func @transform_1(%arg0: i32) -> (i32, i32) {
    %c0_i32 = arith.constant 0 : i32
    %c0_i32_0 = arith.constant 0 : i32
    %c0_i32_1 = arith.constant 0 : i32
    return %c0_i32, %c0_i32_0 : i32, i32
  }
  func.func @transform_2(%arg0: i32) -> (i32, i32) {
    %c0_i32 = arith.constant 0 : i32
    %c0_i32_0 = arith.constant 0 : i32
    %c0_i32_1 = arith.constant 0 : i32
    return %c0_i32, %c0_i32_0 : i32, i32
  }
  func.func @transform_3(%arg0: i32) -> (i32, i32) {
    %c0_i32 = arith.constant 0 : i32
    %c0_i32_0 = arith.constant 0 : i32
    return %arg0, %c0_i32 : i32, i32
  }
}

</mosaic_0001>

<sc_bundles>
// kernel: kernel.8.cloned.1.call-start
scs
__scs_entry_jumppad:
0x0: {  	(pc) =	sbr.rel $0x88, $3  }
0x1: {  	(tag) =	ssettag $0x0;
	lr =	simm.s32 $0x1  }
0x2: {  	[smem:$0x3F91] =	sst lr;
	_ =	strace $0xD0000000  }
0x3: {  	_ = 	snop  }
0x4: {  	_ = 	snop  }
0x5: {  	_ = 	snop  }
0x6: {  	_ = 	snop  }
0x7: {  	_ = 	snop  }
__scs_overlays_trampoline_lowered:
0x8: {  	[smem:$0x3FA0] =	sst s0  }
0x9: {  	[smem:$0x3FA1] =	sst s1  }
0xa: {  	[smem:$0x3FA2] =	sst s2  }
0xb: {  	[smem:$0x3FA3] =	sst s3  }
0xc: {  	[smem:$0x3FA4] =	sst s4  }
0xd: {  	[smem:$0x3FA5] =	sst s5  }
0xe: {  	[smem:$0x3FA6] =	sst s6  }
0xf: {  	[smem:$0x3FA7] =	sst s7  }
0x10: {  	[smem:$0x3FA8] =	sst s8  }
0x11: {  	[smem:$0x3FA9] =	sst s9;
	s0 =	simm.s32 @!p0 $0x0  }
0x12: {  	s1 =	sld [smem:$0x3F8F];
	s0 =	simm.s32 @p0 $0x1  }
0x13: {  	[smem:$0x3FAA] =	sst s0;
	s0 =	simm.s32 @!p1 $0x0  }
0x14: {  	s2 =	sld [smem:$0x3F8E];
	s0 =	simm.s32 @p1 $0x1  }
0x15: {  	[smem:$0x3FAB] =	sst s0;
	s0 =	simm.s32 @!p2 $0x0  }
0x16: {  	s3 =	sld [smem:$0x3FDB];
	s0 =	simm.s32 @p2 $0x1  }
0x17: {  	s4 =	simm.s32 $0x1BF5;
	[smem:$0x3FAD] =	sst s0  }
0x18: {  	s0 =	sld [smem:$0x3F90];
	_ =	swait.ge [sflag:s4], $0x0  }
0x19: {  	s7 =	sld [smem:$0x3F91]  }
0x1a: {  	s8 =	sadd.s32 $0xFFFFE003, lr  }
0x1b: {  	s9 =	sadd.s32 $0xFFFFFEF7, lr;
	s5 =	simm.s32 $0xFFFFFFFF;
	p2 =	slt.u32 s8, $0xFFFFF086  }
0x1c: {  	p1 =	slt.u32 s9, $0xF7A;
	s5 =	simm.s32 @!p2 $0x0  }
0x1d: {  	s5 =	simm.s32 @p1 $0x1;
	p0 =	seq.s32 s7, s2  }
0x1e: {  	s7 =	smul.u32 @!p0 $0xF7A, s2;
	p2 =	seq.s32 @!p0 s5, $0x0  }
0x1f: {  	s9 =	smul.u32 $0xF7A, s1;
	s8 =	simm.s32 @!p0 $0x1BF5;
	p2 =	por !p2, p0  }
0x20: {  	[sflag:s8] =	ssyncset.s32 @!p0 $0xFFFFF086;
	s6 =	sadd.s32 @!p0 s3, s7;
	s7 =	simm.s32 @!p0 $0x108  }
0x21: {  	s3 =	sadd.s32 s3, s9;
	s6 =	sadd.s32 @!p0 $0x88, s6;
	s7 =	simm.s32 @p2 $0x1082  }
0x22: {  	[simem:s7], [sflag:s8] =	dma.local @!p0 [hbm:s6], $0xF7A  }
0x23: {  	s9 =	sor.u32 $0xD0000000, s2;
	s6 =	simm.s32 $0x108;
	_ =	swait.ge @!p0 [sflag:s8], $0x0  }
0x24: {  	s3 =	sadd.s32 $0x88, s3;
	s6 =	simm.s32 @!p1 $0x1082;
	[sflag:s4] =	ssyncset.s32 $0xFFFFF086  }
0x25: {  	[simem:s6], [sflag:s4] =	dma.local [hbm:s3], $0xF7A  }
0x26: {  	[smem:$0x3F91] =	sst s1;
	(tag) =	ssettag s2;
	_ =	strace s9  }
0x27: {  	s1 =	sld [smem:$0x3FA1]  }
0x28: {  	s2 =	sld [smem:$0x3FA2]  }
0x29: {  	s4 =	sld [smem:$0x3FA4]  }
0x2a: {  	p0 =	seq.s32 s5, $0x0;
	s5 =	sld [smem:$0x3FA5]  }
0x2b: {  	s6 =	sld [smem:$0x3FA6]  }
0x2c: {  	s7 =	sld [smem:$0x3FA7]  }
0x2d: {  	s3 =	simm.s32 $0x108;
	s8 =	sld [smem:$0x3FA8]  }
0x2e: {  	s3 =	simm.s32 @!p0 $0x1082;
	s9 =	sld [smem:$0x3FA9]  }
0x2f: {  	lr =	sadd.s32 s0, s3;
	s0 =	sld [smem:$0x3FA0]  }
0x30: {  	s3 =	sld [smem:$0x3FA3]  }
0x31: {  	[smem:$0x3FAC] =	sst s10  }
0x32: {  	s10 =	sld [smem:$0x3FAA];
	_ =	sdelay $0x3  }
0x33: {  	p0 =	seq.s32 s10, $0x1;
	s10 =	sld [smem:$0x3FAC];
	_ =	sdelay $0x3  }
0x34: {  	[smem:$0x3FAC] =	sst s10  }
0x35: {  	s10 =	sld [smem:$0x3FAB];
	_ =	sdelay $0x3  }
0x36: {  	p1 =	seq.s32 s10, $0x1;
	s10 =	sld [smem:$0x3FAC];
	_ =	sdelay $0x3  }
0x37: {  	[smem:$0x3FAC] =	sst s10  }
0x38: {  	s10 =	sld [smem:$0x3FAD]  }
0x39: {  	_ = 	snop;
	(pc) =	sbr.ind lr, $3  }
0x3a: {  	_ = 	snop  }
0x3b: {  	_ = 	snop  }
0x3c: {  	p2 =	seq.s32 s10, $0x1;
	s10 =	sld [smem:$0x3FAC]  }
0x3d: {  	_ =	shalt  }
0x3e: {  	_ =	shalt  }
0x3f: {  	_ =	shalt  }
0x40: {  	_ =	shalt  }
0x41: {  	_ =	shalt  }
0x42: {  	_ =	shalt  }
0x43: {  	_ =	shalt  }
0x44: {  	_ =	shalt  }
0x45: {  	_ =	shalt  }
0x46: {  	_ =	shalt  }
0x47: {  	_ =	shalt  }
0x48: {  	_ =	shalt  }
0x49: {  	_ =	shalt  }
0x4a: {  	_ =	shalt  }
0x4b: {  	_ =	shalt  }
0x4c: {  	_ =	shalt  }
0x4d: {  	_ =	shalt  }
0x4e: {  	_ =	shalt  }
0x4f: {  	_ =	shalt  }
0x50: {  	_ =	shalt  }
0x51: {  	_ =	shalt  }
0x52: {  	_ =	shalt  }
0x53: {  	_ =	shalt  }
0x54: {  	_ =	shalt  }
0x55: {  	_ =	shalt  }
0x56: {  	_ =	shalt  }
0x57: {  	_ =	shalt  }
0x58: {  	_ =	shalt  }
0x59: {  	_ =	shalt  }
0x5a: {  	_ =	shalt  }
0x5b: {  	_ =	shalt  }
0x5c: {  	_ =	shalt  }
0x5d: {  	_ =	shalt  }
0x5e: {  	_ =	shalt  }
0x5f: {  	_ =	shalt  }
0x60: {  	_ =	shalt  }
0x61: {  	_ =	shalt  }
0x62: {  	_ =	shalt  }
0x63: {  	_ =	shalt  }
0x64: {  	_ =	shalt  }
0x65: {  	_ =	shalt  }
0x66: {  	_ =	shalt  }
0x67: {  	_ =	shalt  }
0x68: {  	_ =	shalt  }
0x69: {  	_ =	shalt  }
0x6a: {  	_ =	shalt  }
0x6b: {  	_ =	shalt  }
0x6c: {  	_ =	shalt  }
0x6d: {  	_ =	shalt  }
0x6e: {  	_ =	shalt  }
0x6f: {  	_ =	shalt  }
0x70: {  	_ =	shalt  }
0x71: {  	_ =	shalt  }
0x72: {  	_ =	shalt  }
0x73: {  	_ =	shalt  }
0x74: {  	_ =	shalt  }
0x75: {  	_ =	shalt  }
0x76: {  	_ =	shalt  }
0x77: {  	_ =	shalt  }
0x78: {  	_ =	shalt  }
0x79: {  	_ =	shalt  }
0x7a: {  	_ =	shalt  }
0x7b: {  	_ =	shalt  }
0x7c: {  	_ =	shalt  }
0x7d: {  	_ =	shalt  }
0x7e: {  	_ =	shalt  }
0x7f: {  	_ =	shalt  }
0x80: {  	_ =	shalt  }
0x81: {  	_ =	shalt  }
0x82: {  	_ =	shalt  }
0x83: {  	_ =	shalt  }
0x84: {  	_ =	shalt  }
0x85: {  	_ =	shalt  }
0x86: {  	_ =	shalt  }
0x87: {  	_ =	shalt  }
.Lfunc_end0:
.L_simem_size_0:
called_computation_lowered:
.L_overlay_start_0:
0x88: {  	s2 =	sld [smem:$0x3FD9]  }
0x89: {  	s3 =	sld [smem:$0x3FFE];
	_ =	sdelay $0x1  }
0x8a: {  	s1 =	srdreg.scid  }
0x8b: {  	s0 =	sand.u32 $0x1, s1  }
0x8c: {  	s17 =	sshll.u32 s0, $0xA;
	s2 =	sadd.s32 s3, s2  }
0x8d: {  	s2 =	sadd.s32 s2, s17  }
0x8e: {  	[smem:$0x3FB8] =	sst s2  }
0x8f: {  	_ = 	snop  }
0x90: {  	s2 =	sld [smem:$0x3FD0];
	(tm) =	ssettm $0x1  }
0x91: {  	s18 =	sld [smem:$0x3FFB];
	_ =	sdelay $0x3  }
0x92: {  	_ =	strace s18  }
0x93: {  	s3 =	sld [smem:$0x3FFC];
	_ =	sdelay $0x3  }
0x94: {  	_ =	strace s3  }
0x95: {  	s3 =	sld [smem:$0x3FFD];
	_ =	sdelay $0x3  }
0x96: {  	_ =	strace s3  }
0x97: {  	_ =	strace $0x8FFFFFFF  }
0x98: {  	s19 =	sld [smem:$0x3FDB];
	_ =	sdelay $0x1  }
0x99: {  	s4 =	simm.s32 $_scs_section_size  }
0x9a: {  	s5 =	simm.s32 $_size__tile_overlayer_lowered;
	s6 =	simm.s32 $_tile_overlayer_lowered  }
0x9b: {  	s22 =	simm.s32 $0x1BFF;
	s21 =	sshll.u32 s6, $0x1;
	s3 =	sadd.s32 s4, s19  }
0x9c: {  	s7 =	simm.s32 $0x0;
	s20 =	sshll.u32 s5, $0x1;
	s5 =	sadd.s32 s21, s3  }
0x9d: {  	[timem:s7], [sflag:s22] =	dma.local [hbm:s5], s20  }
0x9e: {  	_ =	swait.ge [sflag:s22], s20  }
0x9f: {  	s4 =	ssub.s32 $0x0, s20;
	[sflag:s22] =	ssyncset.done $0x0  }
0xa0: {  	[sflag:s22] =	ssyncadd.s32 s4;
	_ =	sdelay $0x1  }
0xa1: {  	s23 =	simm.s32 $0x1B8B  }
0xa2: {  	_ =	swait.ge [sflag:s23], $0x1  }
0xa3: {  	[sflag:s23] =	ssyncset.done $0x0  }
0xa4: {  	s25 =	simm.s32 $0x1B8E;
	s24 =	sld [smem:$0x3FFE];
	[sflag:s23] =	ssyncadd.s32 $0xFFFFFFFF  }
0xa5: {  	s26 =	simm.s32 $execute0_lowered;
	[smem:$0x3FD2] =	sst s25  }
0xa6: {  	s5 =	sshll.u32 s26, $0x1;
	_ =	strace $0x80000046;
	[dreg:$0x1] =	wrdreg $0xFFFFFFFF  }
0xa7: {  	s28 =	simm.s32 $_size_execute0_lowered;
	s3 =	sadd.s32 s3, s5;
	[dreg:$0x0] =	wrdreg $0x0  }
0xa8: {  	s5 =	sshll.u32 s28, $0x1;
	[dreg:$0x2] =	wrdreg s3  }
0xa9: {  	[dreg:$0x3] =	wrdreg s5  }
0xaa: {  	[dreg:$0x4] =	wrdreg $0xC0  }
0xab: {  	_ =	task [dreg:s7], $0x5FFFF  }
0xac: {  	[dreg:$0x1] =	wrdreg $0xFFFFFFFF  }
0xad: {  	[dreg:$0x0] =	wrdreg $0x60  }
0xae: {  	[dreg:$0x2] =	wrdreg s24  }
0xaf: {  	[dreg:$0x3] =	wrdreg s2  }
0xb0: {  	[dreg:$0x4] =	wrdreg $0x9  }
0xb1: {  	_ =	task.clear_ibuf [dreg:s7], $0x5FFFF;
	_ =	strace $0x90000046  }
0xb2: {  	s29 =	simm.s32 $0x9;
	_ =	strace $0x80000048  }
0xb3: {  	_ =	swait.ge [sflag:s29], $0x1  }
0xb4: {  	[sflag:s29] =	ssyncadd.s32 $0xFFFFFFFF  }
0xb5: {  	_ =	strace $0x90000048  }
0xb6: {  	_ =	sfence  }
0xb7: {  	s30 =	sld [smem:$0x0];
	_ =	sdelay $0x2  }
0xb8: {  	s31 =	sshll.u32 s1, $0xD;
	s1 =	sshrl.u32 s1, $0x2  }
0xb9: {  	s3 =	sand.u32 $0x4000, s31;
	s1 =	sadd.s32 s1, s30  }
0xba: {  	s0 =	sor.u32 s3, s0;
	s1 =	sshll.u32 s1, $0x11  }
0xbb: {  	s0 =	sor.u32 s1, s0  }
0xbc: {  	s0 =	sadd.s32 $0x8F2B, s0  }
0xbd: {  	[sflag:s0] =	ssyncadd.remote.s32 $0x1  }
0xbe: {  	_ =	sfence.sel $0xFFFF  }
0xbf: {  	[dreg:$0x0] =	wrdreg $0xFFFFFFFF;
	(pc) =	sbr.abs _section_cstart, $3  }
0xc0: {  	[dreg:$0x1] =	wrdreg $0xFFFFFFFF  }
0xc1: {  	_ =	task.clear_ibuf [dreg:s7], $0x2FFFF;
	_ =	strace $0x9FFFFFFF  }
0xc2: {  	(tm) =	ssettm $0x7FFFFFFF  }
0xc3: {  	_ =	shalt  }
tec
execute0_lowered:
.L_overlay_start_1:
0x0: {  	(tag) =	ssettag $0x1  }
0x1: {  	s0 =	srdreg.scid;
	s1 =	stileid.u32  }
0x2: {  	s31 =	sand.u32 $0x1, s0;
	s7 =	sshll.u32 s1, $0x1  }
0x3: {  	s4 =	rddreg [dreg:$0x0];
	s3 =	sor.u32 s31, s7  }
0x4: {  	s30 =	rddreg [dreg:$0x1];
	s2 =	simm.s32 $0x0;
	s0 =	smul.u32 $0x5500, s3  }
0x5: {  	[smem:$0x7FF] =	sst s2;
	s1 =	sadd.s32 $0xDC400, s4;
	s3 =	smul.u32 $0x55000, s3  }
0x6: {  	_ =	strace $0x80000047;
	s5 =	sshrl.u32 s0, $0x3;
	s6 =	sadd.s32 $0x2A8, s0  }
0x7: {  	s3 =	sadd.s32 s1, s3;
	s12 =	sadd.s32 $0x550, s0;
	s14 =	sadd.s32 $0x7F8, s0  }
0x8: {  	s20 =	sadd.s32 $0xAA0, s0;
	s22 =	sadd.s32 $0xD48, s0;
	s5 =	sadd.s32 s30, s5  }
0x9: {  	s8 =	sshrl.u32 s6, $0x3;
	[dreg:$0x4] =	wrdreg s3;
	s10 =	sshll.u32 s6, $0x4  }
0xa: {  	s13 =	sshrl.u32 s12, $0x3;
	s16 =	sshrl.u32 s14, $0x3;
	s18 =	sshll.u32 s14, $0x4  }
0xb: {  	s21 =	sshrl.u32 s20, $0x3;
	s24 =	sshrl.u32 s22, $0x3;
	s26 =	sshll.u32 s22, $0x4  }
0xc: {  	s6 =	sadd.s32 $0xFF0, s0;
	s14 =	sadd.s32 $0x1540, s0;
	s22 =	sadd.s32 $0x1A90, s0  }
0xd: {  	[dreg:$0x3] =	wrdreg s5;
	s9 =	sadd.s32 s30, s8;
	s11 =	sadd.s32 s1, s10  }
0xe: {  	s3 =	sadd.s32 s30, s13;
	s5 =	sshll.u32 s12, $0x4;
	[dreg:$0x5] =	wrdreg s9  }
0xf: {  	s17 =	sadd.s32 s30, s16;
	s19 =	sadd.s32 s1, s18;
	[dreg:$0x6] =	wrdreg s11  }
0x10: {  	s25 =	sadd.s32 s30, s24;
	s7 =	sshrl.u32 s6, $0x3;
	[dreg:$0x7] =	wrdreg s3  }
0x11: {  	s8 =	sadd.s32 $0x1298, s0;
	s16 =	sadd.s32 $0x17E8, s0;
	[dreg:$0x9] =	wrdreg s17  }
0x12: {  	s24 =	sadd.s32 $0x1D38, s0;
	s15 =	sadd.s32 s1, s5;
	[dreg:$0xa] =	wrdreg s19  }
0x13: {  	s3 =	sadd.s32 s30, s21;
	s5 =	sshll.u32 s20, $0x4;
	[dreg:$0xd] =	wrdreg s25  }
0x14: {  	s10 =	sshrl.u32 s8, $0x3;
	s12 =	sshll.u32 s8, $0x4;
	s18 =	sshrl.u32 s16, $0x3  }
0x15: {  	s20 =	sshll.u32 s16, $0x4;
	s8 =	sadd.s32 $0x1FE0, s0;
	[dreg:$0x8] =	wrdreg s15  }
0x16: {  	s16 =	sadd.s32 $0x2530, s0;
	[dreg:$0xb] =	wrdreg s3;
	s23 =	sadd.s32 s1, s5  }
0x17: {  	s5 =	sadd.s32 s1, s26;
	s3 =	sadd.s32 s30, s7;
	[dreg:$0xc] =	wrdreg s23  }
0x18: {  	s11 =	sadd.s32 s30, s10;
	s13 =	sadd.s32 s1, s12;
	[dreg:$0xe] =	wrdreg s5  }
0x19: {  	s15 =	sshrl.u32 s14, $0x3;
	s19 =	sadd.s32 s30, s18;
	[dreg:$0xf] =	wrdreg s3  }
0x1a: {  	s21 =	sadd.s32 s1, s20;
	s26 =	sshrl.u32 s24, $0x3;
	[dreg:$0x11] =	wrdreg s11  }
0x1b: {  	s10 =	sadd.s32 $0x2288, s0;
	s18 =	sadd.s32 $0x27D8, s0;
	[dreg:$0x12] =	wrdreg s13  }
0x1c: {  	s5 =	sshll.u32 s6, $0x4;
	s3 =	sadd.s32 s30, s15;
	[dreg:$0x15] =	wrdreg s19  }
0x1d: {  	[dreg:$0x16] =	wrdreg s21;
	s23 =	sshrl.u32 s22, $0x3;
	s6 =	sshll.u32 s24, $0x4  }
0x1e: {  	s12 =	sshrl.u32 s10, $0x3;
	s9 =	sadd.s32 s1, s5;
	[dreg:$0x13] =	wrdreg s3  }
0x1f: {  	s20 =	sshrl.u32 s18, $0x3;
	s3 =	sadd.s32 s30, s23;
	[dreg:$0x10] =	wrdreg s9  }
0x20: {  	s24 =	sadd.s32 $0x2A80, s0;
	s7 =	sadd.s32 s1, s6;
	[dreg:$0x17] =	wrdreg s3  }
0x21: {  	s5 =	sshll.u32 s14, $0x4;
	s13 =	sadd.s32 s30, s12;
	[dreg:$0x1a] =	wrdreg s7  }
0x22: {  	s14 =	sshll.u32 s10, $0x4;
	s21 =	sadd.s32 s30, s20;
	[dreg:$0x1d] =	wrdreg s13  }
0x23: {  	s17 =	sadd.s32 s1, s5;
	s5 =	sshll.u32 s22, $0x4;
	[smem:$0x7F2] =	sst s21  }
0x24: {  	s9 =	sshrl.u32 s8, $0x3;
	s15 =	sadd.s32 s1, s14;
	[dreg:$0x14] =	wrdreg s17  }
0x25: {  	s22 =	sshll.u32 s18, $0x4;
	s25 =	sadd.s32 s1, s5;
	[dreg:$0x1e] =	wrdreg s15  }
0x26: {  	s13 =	sadd.s32 $0x3278, s0;
	s5 =	sadd.s32 s30, s26;
	[dreg:$0x18] =	wrdreg s25  }
0x27: {  	s3 =	sadd.s32 s30, s9;
	s17 =	sshrl.u32 s16, $0x3;
	[dreg:$0x19] =	wrdreg s5  }
0x28: {  	s23 =	sadd.s32 s1, s22;
	s26 =	sadd.s32 $0x2D28, s0;
	[dreg:$0x1b] =	wrdreg s3  }
0x29: {  	s5 =	sshll.u32 s8, $0x4;
	s3 =	sadd.s32 s30, s17;
	[smem:$0x7F3] =	sst s23  }
0x2a: {  	s25 =	sshrl.u32 s24, $0x3;
	s11 =	sadd.s32 s1, s5;
	[dreg:$0x1f] =	wrdreg s3  }
0x2b: {  	s7 =	sshrl.u32 s26, $0x3;
	s3 =	sadd.s32 s30, s25;
	[dreg:$0x1c] =	wrdreg s11  }
0x2c: {  	s9 =	sshll.u32 s26, $0x4;
	s8 =	sadd.s32 s30, s7;
	[smem:$0x7F4] =	sst s3  }
0x2d: {  	s15 =	sshrl.u32 s13, $0x3;
	s10 =	sadd.s32 s1, s9;
	[smem:$0x7F6] =	sst s8  }
0x2e: {  	s5 =	sshll.u32 s16, $0x4;
	s16 =	sadd.s32 s30, s15;
	[smem:$0x7F7] =	sst s10  }
0x2f: {  	s19 =	sadd.s32 s1, s5;
	s5 =	sshll.u32 s24, $0x4;
	[smem:$0x7FA] =	sst s16  }
0x30: {  	s11 =	sadd.s32 $0x2FD0, s0;
	s8 =	sadd.s32 $0x3520, s0;
	[smem:$0x7F1] =	sst s19  }
0x31: {  	s5 =	sadd.s32 s1, s5;
	s12 =	sshrl.u32 s11, $0x3;
	s19 =	rddreg [dreg:$0x3]  }
0x32: {  	s18 =	sshrl.u32 s8, $0x3;
	[smem:$0x7F5] =	sst s5;
	s3 =	sadd.s32 s30, s12  }
0x33: {  	[tilespmem:s2], [sflag:$0x2] =	stream.linear.gather [hbm4b:s19+s2], $0x2A8, $0x38;
	[tilespmem:$0x15700] =	vst v63  }
0x34: {  	s5 =	sshll.u32 s11, $0x4;
	s20 =	sadd.s32 s30, s18;
	[smem:$0x7F8] =	sst s3  }
0x35: {  	s17 =	sshll.u32 s13, $0x4;
	s14 =	sadd.s32 s1, s5;
	[smem:$0x7FC] =	sst s20  }
0x36: {  	s3 =	sadd.s32 s1, s17;
	[smem:$0x7F9] =	sst s14  }
0x37: {  	[smem:$0x7FB] =	sst s3;
	s3 =	simm.s32 $0x2  }
0x38: {  	_ =	swait.ge [sflag:s3], $0x2A8  }
0x39: {  	s4 =	sadd.s32 $0xB1C00, s4;
	s6 =	simm.s32 $0x300;
	[sflag:s3] =	ssyncset.done $0x0  }
0x3a: {  	s7 =	simm.s32 $0x1;
	s5 =	simm.s32 $0x2A8;
	[sflag:s3] =	ssyncadd.s32 $0xFFFFFD58  }
0x3b: {  	[tilespmem:s6], [sflag:$0x1] =	stream.indirect.gather [hbm4b:s4+s5], $0x80, s2, s5, $0xb8;
	[tilespmem:$0x15700] =	vst v63  }
0x3c: {  	_ =	swait.ge [sflag:s7], $0x15400  }
0x3d: {  	[sflag:s7] =	ssyncset.done $0x0  }
0x3e: {  	s9 =	rddreg [dreg:$0x4];
	[sflag:s7] =	ssyncadd.s32 $0xFFFEAC00  }
0x3f: {  	[hbm4b:s9+s2] =	stream.linear.scatter [tilespmem:s6], [sflag:$0x2], $0x15400, $0x38;
	[tilespmem:$0x15700] =	vst v63  }
0x40: {  	_ =	swait.ge [sflag:s3], $0x15400  }
0x41: {  	[sflag:s3] =	ssyncset.done $0x0  }
0x42: {  	s21 =	rddreg [dreg:$0x5];
	[sflag:s3] =	ssyncadd.s32 $0xFFFEAC00  }
0x43: {  	[tilespmem:s2], [sflag:$0x2] =	stream.linear.gather [hbm4b:s21+s2], $0x2A8, $0x38;
	[tilespmem:$0x15700] =	vst v63  }
0x44: {  	_ =	swait.ge [sflag:s3], $0x2A8  }
0x45: {  	[sflag:s3] =	ssyncset.done $0x0  }
0x46: {  	[sflag:s3] =	ssyncadd.s32 $0xFFFFFD58  }
0x47: {  	[tilespmem:s6], [sflag:$0x1] =	stream.indirect.gather [hbm4b:s4+s5], $0x80, s2, s5, $0xb8;
	[tilespmem:$0x15700] =	vst v63  }
0x48: {  	_ =	swait.ge [sflag:s7], $0x15400  }
0x49: {  	[sflag:s7] =	ssyncset.done $0x0  }
0x4a: {  	s22 =	rddreg [dreg:$0x6];
	[sflag:s7] =	ssyncadd.s32 $0xFFFEAC00  }
0x4b: {  	[hbm4b:s22+s2] =	stream.linear.scatter [tilespmem:s6], [sflag:$0x2], $0x15400, $0x38;
	[tilespmem:$0x15700] =	vst v63  }
0x4c: {  	_ =	swait.ge [sflag:s3], $0x15400  }
0x4d: {  	[sflag:s3] =	ssyncset.done $0x0  }
0x4e: {  	s23 =	rddreg [dreg:$0x7];
	[sflag:s3] =	ssyncadd.s32 $0xFFFEAC00  }
0x4f: {  	[tilespmem:s2], [sflag:$0x2] =	stream.linear.gather [hbm4b:s23+s2], $0x2A8, $0x38;
	[tilespmem:$0x15700] =	vst v63  }
0x50: {  	_ =	swait.ge [sflag:s3], $0x2A8  }
0x51: {  	[sflag:s3] =	ssyncset.done $0x0  }
0x52: {  	[sflag:s3] =	ssyncadd.s32 $0xFFFFFD58  }
0x53: {  	[tilespmem:s6], [sflag:$0x1] =	stream.indirect.gather [hbm4b:s4+s5], $0x80, s2, s5, $0xb8;
	[tilespmem:$0x15700] =	vst v63  }
0x54: {  	_ =	swait.ge [sflag:s7], $0x15400  }
0x55: {  	[sflag:s7] =	ssyncset.done $0x0  }
0x56: {  	s24 =	rddreg [dreg:$0x8];
	[sflag:s7] =	ssyncadd.s32 $0xFFFEAC00  }
0x57: {  	[hbm4b:s24+s2] =	stream.linear.scatter [tilespmem:s6], [sflag:$0x2], $0x15400, $0x38;
	[tilespmem:$0x15700] =	vst v63  }
0x58: {  	_ =	swait.ge [sflag:s3], $0x15400  }
0x59: {  	[sflag:s3] =	ssyncset.done $0x0  }
0x5a: {  	s25 =	rddreg [dreg:$0x9];
	[sflag:s3] =	ssyncadd.s32 $0xFFFEAC00  }
0x5b: {  	[tilespmem:s2], [sflag:$0x2] =	stream.linear.gather [hbm4b:s25+s2], $0x2A8, $0x38;
	[tilespmem:$0x15700] =	vst v63  }
0x5c: {  	_ =	swait.ge [sflag:s3], $0x2A8  }
0x5d: {  	[sflag:s3] =	ssyncset.done $0x0  }
0x5e: {  	[sflag:s3] =	ssyncadd.s32 $0xFFFFFD58  }
0x5f: {  	[tilespmem:s6], [sflag:$0x1] =	stream.indirect.gather [hbm4b:s4+s5], $0x80, s2, s5, $0xb8;
	[tilespmem:$0x15700] =	vst v63  }
0x60: {  	_ =	swait.ge [sflag:s7], $0x15400  }
0x61: {  	[sflag:s7] =	ssyncset.done $0x0  }
0x62: {  	s26 =	rddreg [dreg:$0xa];
	[sflag:s7] =	ssyncadd.s32 $0xFFFEAC00  }
0x63: {  	[hbm4b:s26+s2] =	stream.linear.scatter [tilespmem:s6], [sflag:$0x2], $0x15400, $0x38;
	[tilespmem:$0x15700] =	vst v63  }
0x64: {  	_ =	swait.ge [sflag:s3], $0x15400  }
0x65: {  	[sflag:s3] =	ssyncset.done $0x0  }
0x66: {  	s10 =	rddreg [dreg:$0xb];
	[sflag:s3] =	ssyncadd.s32 $0xFFFEAC00  }
0x67: {  	[tilespmem:s2], [sflag:$0x2] =	stream.linear.gather [hbm4b:s10+s2], $0x2A8, $0x38;
	[tilespmem:$0x15700] =	vst v63  }
0x68: {  	_ =	swait.ge [sflag:s3], $0x2A8  }
0x69: {  	[sflag:s3] =	ssyncset.done $0x0  }
0x6a: {  	[sflag:s3] =	ssyncadd.s32 $0xFFFFFD58  }
0x6b: {  	[tilespmem:s6], [sflag:$0x1] =	stream.indirect.gather [hbm4b:s4+s5], $0x80, s2, s5, $0xb8;
	[tilespmem:$0x15700] =	vst v63  }
0x6c: {  	_ =	swait.ge [sflag:s7], $0x15400  }
0x6d: {  	[sflag:s7] =	ssyncset.done $0x0  }
0x6e: {  	s11 =	rddreg [dreg:$0xc];
	[sflag:s7] =	ssyncadd.s32 $0xFFFEAC00  }
0x6f: {  	[hbm4b:s11+s2] =	stream.linear.scatter [tilespmem:s6], [sflag:$0x2], $0x15400, $0x38;
	[tilespmem:$0x15700] =	vst v63  }
0x70: {  	_ =	swait.ge [sflag:s3], $0x15400  }
0x71: {  	[sflag:s3] =	ssyncset.done $0x0  }
0x72: {  	s12 =	rddreg [dreg:$0xd];
	[sflag:s3] =	ssyncadd.s32 $0xFFFEAC00  }
0x73: {  	[tilespmem:s2], [sflag:$0x2] =	stream.linear.gather [hbm4b:s12+s2], $0x2A8, $0x38;
	[tilespmem:$0x15700] =	vst v63  }
0x74: {  	_ =	swait.ge [sflag:s3], $0x2A8  }
0x75: {  	[sflag:s3] =	ssyncset.done $0x0  }
0x76: {  	[sflag:s3] =	ssyncadd.s32 $0xFFFFFD58  }
0x77: {  	[tilespmem:s6], [sflag:$0x1] =	stream.indirect.gather [hbm4b:s4+s5], $0x80, s2, s5, $0xb8;
	[tilespmem:$0x15700] =	vst v63  }
0x78: {  	_ =	swait.ge [sflag:s7], $0x15400  }
0x79: {  	[sflag:s7] =	ssyncset.done $0x0  }
0x7a: {  	s13 =	rddreg [dreg:$0xe];
	[sflag:s7] =	ssyncadd.s32 $0xFFFEAC00  }
0x7b: {  	[hbm4b:s13+s2] =	stream.linear.scatter [tilespmem:s6], [sflag:$0x2], $0x15400, $0x38;
	[tilespmem:$0x15700] =	vst v63  }
0x7c: {  	_ =	swait.ge [sflag:s3], $0x15400  }
0x7d: {  	[sflag:s3] =	ssyncset.done $0x0  }
0x7e: {  	s14 =	rddreg [dreg:$0xf];
	[sflag:s3] =	ssyncadd.s32 $0xFFFEAC00  }
0x7f: {  	[tilespmem:s2], [sflag:$0x2] =	stream.linear.gather [hbm4b:s14+s2], $0x2A8, $0x38;
	[tilespmem:$0x15700] =	vst v63  }
0x80: {  	_ =	swait.ge [sflag:s3], $0x2A8  }
0x81: {  	[sflag:s3] =	ssyncset.done $0x0  }
0x82: {  	[sflag:s3] =	ssyncadd.s32 $0xFFFFFD58  }
0x83: {  	[tilespmem:s6], [sflag:$0x1] =	stream.indirect.gather [hbm4b:s4+s5], $0x80, s2, s5, $0xb8;
	[tilespmem:$0x15700] =	vst v63  }
0x84: {  	_ =	swait.ge [sflag:s7], $0x15400  }
0x85: {  	[sflag:s7] =	ssyncset.done $0x0  }
0x86: {  	s15 =	rddreg [dreg:$0x10];
	[sflag:s7] =	ssyncadd.s32 $0xFFFEAC00  }
0x87: {  	[hbm4b:s15+s2] =	stream.linear.scatter [tilespmem:s6], [sflag:$0x2], $0x15400, $0x38;
	[tilespmem:$0x15700] =	vst v63  }
0x88: {  	_ =	swait.ge [sflag:s3], $0x15400  }
0x89: {  	[sflag:s3] =	ssyncset.done $0x0  }
0x8a: {  	s16 =	rddreg [dreg:$0x11];
	[sflag:s3] =	ssyncadd.s32 $0xFFFEAC00  }
0x8b: {  	[tilespmem:s2], [sflag:$0x2] =	stream.linear.gather [hbm4b:s16+s2], $0x2A8, $0x38;
	[tilespmem:$0x15700] =	vst v63  }
0x8c: {  	_ =	swait.ge [sflag:s3], $0x2A8  }
0x8d: {  	[sflag:s3] =	ssyncset.done $0x0  }
0x8e: {  	[sflag:s3] =	ssyncadd.s32 $0xFFFFFD58  }
0x8f: {  	[tilespmem:s6], [sflag:$0x1] =	stream.indirect.gather [hbm4b:s4+s5], $0x80, s2, s5, $0xb8;
	[tilespmem:$0x15700] =	vst v63  }
0x90: {  	_ =	swait.ge [sflag:s7], $0x15400  }
0x91: {  	[sflag:s7] =	ssyncset.done $0x0  }
0x92: {  	s17 =	rddreg [dreg:$0x12];
	[sflag:s7] =	ssyncadd.s32 $0xFFFEAC00  }
0x93: {  	[hbm4b:s17+s2] =	stream.linear.scatter [tilespmem:s6], [sflag:$0x2], $0x15400, $0x38;
	[tilespmem:$0x15700] =	vst v63  }
0x94: {  	_ =	swait.ge [sflag:s3], $0x15400  }
0x95: {  	[sflag:s3] =	ssyncset.done $0x0  }
0x96: {  	s18 =	rddreg [dreg:$0x13];
	[sflag:s3] =	ssyncadd.s32 $0xFFFEAC00  }
0x97: {  	[tilespmem:s2], [sflag:$0x2] =	stream.linear.gather [hbm4b:s18+s2], $0x2A8, $0x38;
	[tilespmem:$0x15700] =	vst v63  }
0x98: {  	_ =	swait.ge [sflag:s3], $0x2A8  }
0x99: {  	[sflag:s3] =	ssyncset.done $0x0  }
0x9a: {  	[sflag:s3] =	ssyncadd.s32 $0xFFFFFD58  }
0x9b: {  	[tilespmem:s6], [sflag:$0x1] =	stream.indirect.gather [hbm4b:s4+s5], $0x80, s2, s5, $0xb8;
	[tilespmem:$0x15700] =	vst v63  }
0x9c: {  	_ =	swait.ge [sflag:s7], $0x15400  }
0x9d: {  	[sflag:s7] =	ssyncset.done $0x0  }
0x9e: {  	s19 =	rddreg [dreg:$0x14];
	[sflag:s7] =	ssyncadd.s32 $0xFFFEAC00  }
0x9f: {  	[hbm4b:s19+s2] =	stream.linear.scatter [tilespmem:s6], [sflag:$0x2], $0x15400, $0x38;
	[tilespmem:$0x15700] =	vst v63  }
0xa0: {  	_ =	swait.ge [sflag:s3], $0x15400  }
0xa1: {  	[sflag:s3] =	ssyncset.done $0x0  }
0xa2: {  	s20 =	rddreg [dreg:$0x15];
	[sflag:s3] =	ssyncadd.s32 $0xFFFEAC00  }
0xa3: {  	[tilespmem:s2], [sflag:$0x2] =	stream.linear.gather [hbm4b:s20+s2], $0x2A8, $0x38;
	[tilespmem:$0x15700] =	vst v63  }
0xa4: {  	_ =	swait.ge [sflag:s3], $0x2A8  }
0xa5: {  	[sflag:s3] =	ssyncset.done $0x0  }
0xa6: {  	[sflag:s3] =	ssyncadd.s32 $0xFFFFFD58  }
0xa7: {  	[tilespmem:s6], [sflag:$0x1] =	stream.indirect.gather [hbm4b:s4+s5], $0x80, s2, s5, $0xb8;
	[tilespmem:$0x15700] =	vst v63  }
0xa8: {  	_ =	swait.ge [sflag:s7], $0x15400  }
0xa9: {  	[sflag:s7] =	ssyncset.done $0x0  }
0xaa: {  	s21 =	rddreg [dreg:$0x16];
	[sflag:s7] =	ssyncadd.s32 $0xFFFEAC00  }
0xab: {  	[hbm4b:s21+s2] =	stream.linear.scatter [tilespmem:s6], [sflag:$0x2], $0x15400, $0x38;
	[tilespmem:$0x15700] =	vst v63  }
0xac: {  	_ =	swait.ge [sflag:s3], $0x15400  }
0xad: {  	[sflag:s3] =	ssyncset.done $0x0  }
0xae: {  	s22 =	rddreg [dreg:$0x17];
	[sflag:s3] =	ssyncadd.s32 $0xFFFEAC00  }
0xaf: {  	[tilespmem:s2], [sflag:$0x2] =	stream.linear.gather [hbm4b:s22+s2], $0x2A8, $0x38;
	[tilespmem:$0x15700] =	vst v63  }
0xb0: {  	_ =	swait.ge [sflag:s3], $0x2A8  }
0xb1: {  	[sflag:s3] =	ssyncset.done $0x0  }
0xb2: {  	[sflag:s3] =	ssyncadd.s32 $0xFFFFFD58  }
0xb3: {  	[tilespmem:s6], [sflag:$0x1] =	stream.indirect.gather [hbm4b:s4+s5], $0x80, s2, s5, $0xb8;
	[tilespmem:$0x15700] =	vst v63  }
0xb4: {  	_ =	swait.ge [sflag:s7], $0x15400  }
0xb5: {  	[sflag:s7] =	ssyncset.done $0x0  }
0xb6: {  	s23 =	rddreg [dreg:$0x18];
	[sflag:s7] =	ssyncadd.s32 $0xFFFEAC00  }
0xb7: {  	[hbm4b:s23+s2] =	stream.linear.scatter [tilespmem:s6], [sflag:$0x2], $0x15400, $0x38;
	[tilespmem:$0x15700] =	vst v63  }
0xb8: {  	_ =	swait.ge [sflag:s3], $0x15400  }
0xb9: {  	[sflag:s3] =	ssyncset.done $0x0  }
0xba: {  	s24 =	rddreg [dreg:$0x19];
	[sflag:s3] =	ssyncadd.s32 $0xFFFEAC00  }
0xbb: {  	[tilespmem:s2], [sflag:$0x2] =	stream.linear.gather [hbm4b:s24+s2], $0x2A8, $0x38;
	[tilespmem:$0x15700] =	vst v63  }
0xbc: {  	_ =	swait.ge [sflag:s3], $0x2A8  }
0xbd: {  	[sflag:s3] =	ssyncset.done $0x0  }
0xbe: {  	[sflag:s3] =	ssyncadd.s32 $0xFFFFFD58  }
0xbf: {  	[tilespmem:s6], [sflag:$0x1] =	stream.indirect.gather [hbm4b:s4+s5], $0x80, s2, s5, $0xb8;
	[tilespmem:$0x15700] =	vst v63  }
0xc0: {  	_ =	swait.ge [sflag:s7], $0x15400  }
0xc1: {  	[sflag:s7] =	ssyncset.done $0x0  }
0xc2: {  	s25 =	rddreg [dreg:$0x1a];
	[sflag:s7] =	ssyncadd.s32 $0xFFFEAC00  }
0xc3: {  	[hbm4b:s25+s2] =	stream.linear.scatter [tilespmem:s6], [sflag:$0x2], $0x15400, $0x38;
	[tilespmem:$0x15700] =	vst v63  }
0xc4: {  	_ =	swait.ge [sflag:s3], $0x15400  }
0xc5: {  	[sflag:s3] =	ssyncset.done $0x0  }
0xc6: {  	s26 =	rddreg [dreg:$0x1b];
	[sflag:s3] =	ssyncadd.s32 $0xFFFEAC00  }
0xc7: {  	[tilespmem:s2], [sflag:$0x2] =	stream.linear.gather [hbm4b:s26+s2], $0x2A8, $0x38;
	[tilespmem:$0x15700] =	vst v63  }
0xc8: {  	_ =	swait.ge [sflag:s3], $0x2A8  }
0xc9: {  	[sflag:s3] =	ssyncset.done $0x0  }
0xca: {  	[sflag:s3] =	ssyncadd.s32 $0xFFFFFD58  }
0xcb: {  	[tilespmem:s6], [sflag:$0x1] =	stream.indirect.gather [hbm4b:s4+s5], $0x80, s2, s5, $0xb8;
	[tilespmem:$0x15700] =	vst v63  }
0xcc: {  	_ =	swait.ge [sflag:s7], $0x15400  }
0xcd: {  	[sflag:s7] =	ssyncset.done $0x0  }
0xce: {  	s10 =	rddreg [dreg:$0x1c];
	[sflag:s7] =	ssyncadd.s32 $0xFFFEAC00  }
0xcf: {  	[hbm4b:s10+s2] =	stream.linear.scatter [tilespmem:s6], [sflag:$0x2], $0x15400, $0x38;
	[tilespmem:$0x15700] =	vst v63  }
0xd0: {  	_ =	swait.ge [sflag:s3], $0x15400  }
0xd1: {  	[sflag:s3] =	ssyncset.done $0x0  }
0xd2: {  	s11 =	rddreg [dreg:$0x1d];
	[sflag:s3] =	ssyncadd.s32 $0xFFFEAC00  }
0xd3: {  	[tilespmem:s2], [sflag:$0x2] =	stream.linear.gather [hbm4b:s11+s2], $0x2A8, $0x38;
	[tilespmem:$0x15700] =	vst v63  }
0xd4: {  	_ =	swait.ge [sflag:s3], $0x2A8  }
0xd5: {  	[sflag:s3] =	ssyncset.done $0x0  }
0xd6: {  	[sflag:s3] =	ssyncadd.s32 $0xFFFFFD58  }
0xd7: {  	[tilespmem:s6], [sflag:$0x1] =	stream.indirect.gather [hbm4b:s4+s5], $0x80, s2, s5, $0xb8;
	[tilespmem:$0x15700] =	vst v63  }
0xd8: {  	_ =	swait.ge [sflag:s7], $0x15400  }
0xd9: {  	[sflag:s7] =	ssyncset.done $0x0  }
0xda: {  	s12 =	rddreg [dreg:$0x1e];
	[sflag:s7] =	ssyncadd.s32 $0xFFFEAC00  }
0xdb: {  	[hbm4b:s12+s2] =	stream.linear.scatter [tilespmem:s6], [sflag:$0x2], $0x15400, $0x38;
	[tilespmem:$0x15700] =	vst v63  }
0xdc: {  	_ =	swait.ge [sflag:s3], $0x15400  }
0xdd: {  	[sflag:s3] =	ssyncset.done $0x0  }
0xde: {  	s13 =	rddreg [dreg:$0x1f];
	[sflag:s3] =	ssyncadd.s32 $0xFFFEAC00  }
0xdf: {  	[tilespmem:s2], [sflag:$0x2] =	stream.linear.gather [hbm4b:s13+s2], $0x2A8, $0x38;
	[tilespmem:$0x15700] =	vst v63  }
0xe0: {  	_ =	swait.ge [sflag:s3], $0x2A8  }
0xe1: {  	[sflag:s3] =	ssyncset.done $0x0  }
0xe2: {  	[sflag:s3] =	ssyncadd.s32 $0xFFFFFD58  }
0xe3: {  	[tilespmem:s6], [sflag:$0x1] =	stream.indirect.gather [hbm4b:s4+s5], $0x80, s2, s5, $0xb8;
	[tilespmem:$0x15700] =	vst v63  }
0xe4: {  	_ =	swait.ge [sflag:s7], $0x15400  }
0xe5: {  	s14 =	sld [smem:$0x7F1]  }
0xe6: {  	[sflag:s7] =	ssyncset.done $0x0  }
0xe7: {  	[sflag:s7] =	ssyncadd.s32 $0xFFFEAC00  }
0xe8: {  	[hbm4b:s14+s2] =	stream.linear.scatter [tilespmem:s6], [sflag:$0x2], $0x15400, $0x38;
	[tilespmem:$0x15700] =	vst v63  }
0xe9: {  	_ =	swait.ge [sflag:s3], $0x15400  }
0xea: {  	s15 =	sld [smem:$0x7F2]  }
0xeb: {  	[sflag:s3] =	ssyncset.done $0x0  }
0xec: {  	[sflag:s3] =	ssyncadd.s32 $0xFFFEAC00  }
0xed: {  	[tilespmem:s2], [sflag:$0x2] =	stream.linear.gather [hbm4b:s15+s2], $0x2A8, $0x38;
	[tilespmem:$0x15700] =	vst v63  }
0xee: {  	_ =	swait.ge [sflag:s3], $0x2A8  }
0xef: {  	[sflag:s3] =	ssyncset.done $0x0  }
0xf0: {  	[sflag:s3] =	ssyncadd.s32 $0xFFFFFD58  }
0xf1: {  	[tilespmem:s6], [sflag:$0x1] =	stream.indirect.gather [hbm4b:s4+s5], $0x80, s2, s5, $0xb8;
	[tilespmem:$0x15700] =	vst v63  }
0xf2: {  	_ =	swait.ge [sflag:s7], $0x15400  }
0xf3: {  	s16 =	sld [smem:$0x7F3]  }
0xf4: {  	[sflag:s7] =	ssyncset.done $0x0  }
0xf5: {  	[sflag:s7] =	ssyncadd.s32 $0xFFFEAC00  }
0xf6: {  	[hbm4b:s16+s2] =	stream.linear.scatter [tilespmem:s6], [sflag:$0x2], $0x15400, $0x38;
	[tilespmem:$0x15700] =	vst v63  }
0xf7: {  	_ =	swait.ge [sflag:s3], $0x15400  }
0xf8: {  	s17 =	sld [smem:$0x7F4]  }
0xf9: {  	[sflag:s3] =	ssyncset.done $0x0  }
0xfa: {  	[sflag:s3] =	ssyncadd.s32 $0xFFFEAC00  }
0xfb: {  	[tilespmem:s2], [sflag:$0x2] =	stream.linear.gather [hbm4b:s17+s2], $0x2A8, $0x38;
	[tilespmem:$0x15700] =	vst v63  }
0xfc: {  	_ =	swait.ge [sflag:s3], $0x2A8  }
0xfd: {  	[sflag:s3] =	ssyncset.done $0x0  }
0xfe: {  	[sflag:s3] =	ssyncadd.s32 $0xFFFFFD58  }
0xff: {  	[tilespmem:s6], [sflag:$0x1] =	stream.indirect.gather [hbm4b:s4+s5], $0x80, s2, s5, $0xb8;
	[tilespmem:$0x15700] =	vst v63  }
0x100: {  	_ =	swait.ge [sflag:s7], $0x15400  }
0x101: {  	s18 =	sld [smem:$0x7F5]  }
0x102: {  	[sflag:s7] =	ssyncset.done $0x0  }
0x103: {  	[sflag:s7] =	ssyncadd.s32 $0xFFFEAC00  }
0x104: {  	[hbm4b:s18+s2] =	stream.linear.scatter [tilespmem:s6], [sflag:$0x2], $0x15400, $0x38;
	[tilespmem:$0x15700] =	vst v63  }
0x105: {  	_ =	swait.ge [sflag:s3], $0x15400  }
0x106: {  	s19 =	sld [smem:$0x7F6]  }
0x107: {  	[sflag:s3] =	ssyncset.done $0x0  }
0x108: {  	[sflag:s3] =	ssyncadd.s32 $0xFFFEAC00  }
0x109: {  	[tilespmem:s2], [sflag:$0x2] =	stream.linear.gather [hbm4b:s19+s2], $0x2A8, $0x38;
	[tilespmem:$0x15700] =	vst v63  }
0x10a: {  	_ =	swait.ge [sflag:s3], $0x2A8  }
0x10b: {  	[sflag:s3] =	ssyncset.done $0x0  }
0x10c: {  	[sflag:s3] =	ssyncadd.s32 $0xFFFFFD58  }
0x10d: {  	[tilespmem:s6], [sflag:$0x1] =	stream.indirect.gather [hbm4b:s4+s5], $0x80, s2, s5, $0xb8;
	[tilespmem:$0x15700] =	vst v63  }
0x10e: {  	_ =	swait.ge [sflag:s7], $0x15400  }
0x10f: {  	s20 =	sld [smem:$0x7F7]  }
0x110: {  	[sflag:s7] =	ssyncset.done $0x0  }
0x111: {  	[sflag:s7] =	ssyncadd.s32 $0xFFFEAC00  }
0x112: {  	[hbm4b:s20+s2] =	stream.linear.scatter [tilespmem:s6], [sflag:$0x2], $0x15400, $0x38;
	[tilespmem:$0x15700] =	vst v63  }
0x113: {  	_ =	swait.ge [sflag:s3], $0x15400  }
0x114: {  	s21 =	sld [smem:$0x7F8]  }
0x115: {  	[sflag:s3] =	ssyncset.done $0x0  }
0x116: {  	[sflag:s3] =	ssyncadd.s32 $0xFFFEAC00  }
0x117: {  	[tilespmem:s2], [sflag:$0x2] =	stream.linear.gather [hbm4b:s21+s2], $0x2A8, $0x38;
	[tilespmem:$0x15700] =	vst v63  }
0x118: {  	_ =	swait.ge [sflag:s3], $0x2A8  }
0x119: {  	[sflag:s3] =	ssyncset.done $0x0  }
0x11a: {  	[sflag:s3] =	ssyncadd.s32 $0xFFFFFD58  }
0x11b: {  	[tilespmem:s6], [sflag:$0x1] =	stream.indirect.gather [hbm4b:s4+s5], $0x80, s2, s5, $0xb8;
	[tilespmem:$0x15700] =	vst v63  }
0x11c: {  	_ =	swait.ge [sflag:s7], $0x15400  }
0x11d: {  	s22 =	sld [smem:$0x7F9]  }
0x11e: {  	[sflag:s7] =	ssyncset.done $0x0  }
0x11f: {  	[sflag:s7] =	ssyncadd.s32 $0xFFFEAC00  }
0x120: {  	[hbm4b:s22+s2] =	stream.linear.scatter [tilespmem:s6], [sflag:$0x2], $0x15400, $0x38;
	[tilespmem:$0x15700] =	vst v63  }
0x121: {  	_ =	swait.ge [sflag:s3], $0x15400  }
0x122: {  	s23 =	sld [smem:$0x7FA]  }
0x123: {  	[sflag:s3] =	ssyncset.done $0x0  }
0x124: {  	[sflag:s3] =	ssyncadd.s32 $0xFFFEAC00  }
0x125: {  	[tilespmem:s2], [sflag:$0x2] =	stream.linear.gather [hbm4b:s23+s2], $0x2A8, $0x38;
	[tilespmem:$0x15700] =	vst v63  }
0x126: {  	_ =	swait.ge [sflag:s3], $0x2A8  }
0x127: {  	[sflag:s3] =	ssyncset.done $0x0  }
0x128: {  	[sflag:s3] =	ssyncadd.s32 $0xFFFFFD58  }
0x129: {  	[tilespmem:s6], [sflag:$0x1] =	stream.indirect.gather [hbm4b:s4+s5], $0x80, s2, s5, $0xb8;
	[tilespmem:$0x15700] =	vst v63  }
0x12a: {  	_ =	swait.ge [sflag:s7], $0x15400  }
0x12b: {  	s24 =	sld [smem:$0x7FB]  }
0x12c: {  	[sflag:s7] =	ssyncset.done $0x0  }
0x12d: {  	[sflag:s7] =	ssyncadd.s32 $0xFFFEAC00  }
0x12e: {  	[hbm4b:s24+s2] =	stream.linear.scatter [tilespmem:s6], [sflag:$0x2], $0x15400, $0x38;
	[tilespmem:$0x15700] =	vst v63  }
0x12f: {  	_ =	swait.ge [sflag:s3], $0x15400  }
0x130: {  	s25 =	sld [smem:$0x7FC]  }
0x131: {  	[sflag:s3] =	ssyncset.done $0x0  }
0x132: {  	[sflag:s3] =	ssyncadd.s32 $0xFFFEAC00  }
0x133: {  	[tilespmem:s2], [sflag:$0x2] =	stream.linear.gather [hbm4b:s25+s2], $0x2A8, $0x38;
	[tilespmem:$0x15700] =	vst v63  }
0x134: {  	_ =	swait.ge [sflag:s3], $0x2A8  }
0x135: {  	[sflag:s3] =	ssyncset.done $0x0  }
0x136: {  	[sflag:s3] =	ssyncadd.s32 $0xFFFFFD58  }
0x137: {  	[tilespmem:s6], [sflag:$0x1] =	stream.indirect.gather [hbm4b:s4+s5], $0x80, s2, s5, $0xb8;
	[tilespmem:$0x15700] =	vst v63  }
0x138: {  	_ =	swait.ge [sflag:s7], $0x15400  }
0x139: {  	s8 =	sshll.u32 s8, $0x4;
	[sflag:s7] =	ssyncset.done $0x0  }
0x13a: {  	s8 =	sadd.s32 s1, s8;
	[sflag:s7] =	ssyncadd.s32 $0xFFFEAC00  }
0x13b: {  	[hbm4b:s8+s2] =	stream.linear.scatter [tilespmem:s6], [sflag:$0x2], $0x15400, $0x38;
	[tilespmem:$0x15700] =	vst v63  }
0x13c: {  	s10 =	sadd.s32 $0x37C8, s0;
	_ =	swait.ge [sflag:s3], $0x15400  }
0x13d: {  	s26 =	sshrl.u32 s10, $0x3;
	[sflag:s3] =	ssyncset.done $0x0  }
0x13e: {  	s9 =	sadd.s32 s30, s26;
	[sflag:s3] =	ssyncadd.s32 $0xFFFEAC00  }
0x13f: {  	[tilespmem:s2], [sflag:$0x2] =	stream.linear.gather [hbm4b:s9+s2], $0x2A8, $0x38;
	[tilespmem:$0x15700] =	vst v63  }
0x140: {  	_ =	swait.ge [sflag:s3], $0x2A8  }
0x141: {  	[sflag:s3] =	ssyncset.done $0x0  }
0x142: {  	[sflag:s3] =	ssyncadd.s32 $0xFFFFFD58  }
0x143: {  	[tilespmem:s6], [sflag:$0x1] =	stream.indirect.gather [hbm4b:s4+s5], $0x80, s2, s5, $0xb8;
	[tilespmem:$0x15700] =	vst v63  }
0x144: {  	_ =	swait.ge [sflag:s7], $0x15400  }
0x145: {  	s10 =	sshll.u32 s10, $0x4;
	[sflag:s7] =	ssyncset.done $0x0  }
0x146: {  	s10 =	sadd.s32 s1, s10;
	[sflag:s7] =	ssyncadd.s32 $0xFFFEAC00  }
0x147: {  	[hbm4b:s10+s2] =	stream.linear.scatter [tilespmem:s6], [sflag:$0x2], $0x15400, $0x38;
	[tilespmem:$0x15700] =	vst v63  }
0x148: {  	s12 =	sadd.s32 $0x3A70, s0;
	_ =	swait.ge [sflag:s3], $0x15400  }
0x149: {  	s11 =	sshrl.u32 s12, $0x3;
	[sflag:s3] =	ssyncset.done $0x0  }
0x14a: {  	s11 =	sadd.s32 s30, s11;
	[sflag:s3] =	ssyncadd.s32 $0xFFFEAC00  }
0x14b: {  	[tilespmem:s2], [sflag:$0x2] =	stream.linear.gather [hbm4b:s11+s2], $0x2A8, $0x38;
	[tilespmem:$0x15700] =	vst v63  }
0x14c: {  	_ =	swait.ge [sflag:s3], $0x2A8  }
0x14d: {  	[sflag:s3] =	ssyncset.done $0x0  }
0x14e: {  	[sflag:s3] =	ssyncadd.s32 $0xFFFFFD58  }
0x14f: {  	[tilespmem:s6], [sflag:$0x1] =	stream.indirect.gather [hbm4b:s4+s5], $0x80, s2, s5, $0xb8;
	[tilespmem:$0x15700] =	vst v63  }
0x150: {  	_ =	swait.ge [sflag:s7], $0x15400  }
0x151: {  	s12 =	sshll.u32 s12, $0x4;
	[sflag:s7] =	ssyncset.done $0x0  }
0x152: {  	s12 =	sadd.s32 s1, s12;
	[sflag:s7] =	ssyncadd.s32 $0xFFFEAC00  }
0x153: {  	[hbm4b:s12+s2] =	stream.linear.scatter [tilespmem:s6], [sflag:$0x2], $0x15400, $0x38;
	[tilespmem:$0x15700] =	vst v63  }
0x154: {  	s14 =	sadd.s32 $0x3D18, s0;
	_ =	swait.ge [sflag:s3], $0x15400  }
0x155: {  	s13 =	sshrl.u32 s14, $0x3;
	[sflag:s3] =	ssyncset.done $0x0  }
0x156: {  	s13 =	sadd.s32 s30, s13;
	[sflag:s3] =	ssyncadd.s32 $0xFFFEAC00  }
0x157: {  	[tilespmem:s2], [sflag:$0x2] =	stream.linear.gather [hbm4b:s13+s2], $0x2A8, $0x38;
	[tilespmem:$0x15700] =	vst v63  }
0x158: {  	_ =	swait.ge [sflag:s3], $0x2A8  }
0x159: {  	[sflag:s3] =	ssyncset.done $0x0  }
0x15a: {  	[sflag:s3] =	ssyncadd.s32 $0xFFFFFD58  }
0x15b: {  	[tilespmem:s6], [sflag:$0x1] =	stream.indirect.gather [hbm4b:s4+s5], $0x80, s2, s5, $0xb8;
	[tilespmem:$0x15700] =	vst v63  }
0x15c: {  	_ =	swait.ge [sflag:s7], $0x15400  }
0x15d: {  	s14 =	sshll.u32 s14, $0x4;
	[sflag:s7] =	ssyncset.done $0x0  }
0x15e: {  	s14 =	sadd.s32 s1, s14;
	[sflag:s7] =	ssyncadd.s32 $0xFFFEAC00  }
0x15f: {  	[hbm4b:s14+s2] =	stream.linear.scatter [tilespmem:s6], [sflag:$0x2], $0x15400, $0x38;
	[tilespmem:$0x15700] =	vst v63  }
0x160: {  	s16 =	sadd.s32 $0x3FC0, s0;
	_ =	swait.ge [sflag:s3], $0x15400  }
0x161: {  	s15 =	sshrl.u32 s16, $0x3;
	[sflag:s3] =	ssyncset.done $0x0  }
0x162: {  	s15 =	sadd.s32 s30, s15;
	[sflag:s3] =	ssyncadd.s32 $0xFFFEAC00  }
0x163: {  	[tilespmem:s2], [sflag:$0x2] =	stream.linear.gather [hbm4b:s15+s2], $0x2A8, $0x38;
	[tilespmem:$0x15700] =	vst v63  }
0x164: {  	_ =	swait.ge [sflag:s3], $0x2A8  }
0x165: {  	[sflag:s3] =	ssyncset.done $0x0  }
0x166: {  	[sflag:s3] =	ssyncadd.s32 $0xFFFFFD58  }
0x167: {  	[tilespmem:s6], [sflag:$0x1] =	stream.indirect.gather [hbm4b:s4+s5], $0x80, s2, s5, $0xb8;
	[tilespmem:$0x15700] =	vst v63  }
0x168: {  	_ =	swait.ge [sflag:s7], $0x15400  }
0x169: {  	s16 =	sshll.u32 s16, $0x4;
	[sflag:s7] =	ssyncset.done $0x0  }
0x16a: {  	s16 =	sadd.s32 s1, s16;
	[sflag:s7] =	ssyncadd.s32 $0xFFFEAC00  }
0x16b: {  	[hbm4b:s16+s2] =	stream.linear.scatter [tilespmem:s6], [sflag:$0x2], $0x15400, $0x38;
	[tilespmem:$0x15700] =	vst v63  }
0x16c: {  	s18 =	sadd.s32 $0x4268, s0;
	_ =	swait.ge [sflag:s3], $0x15400  }
0x16d: {  	s17 =	sshrl.u32 s18, $0x3;
	[sflag:s3] =	ssyncset.done $0x0  }
0x16e: {  	s17 =	sadd.s32 s30, s17;
	[sflag:s3] =	ssyncadd.s32 $0xFFFEAC00  }
0x16f: {  	[tilespmem:s2], [sflag:$0x2] =	stream.linear.gather [hbm4b:s17+s2], $0x2A8, $0x38;
	[tilespmem:$0x15700] =	vst v63  }
0x170: {  	_ =	swait.ge [sflag:s3], $0x2A8  }
0x171: {  	[sflag:s3] =	ssyncset.done $0x0  }
0x172: {  	[sflag:s3] =	ssyncadd.s32 $0xFFFFFD58  }
0x173: {  	[tilespmem:s6], [sflag:$0x1] =	stream.indirect.gather [hbm4b:s4+s5], $0x80, s2, s5, $0xb8;
	[tilespmem:$0x15700] =	vst v63  }
0x174: {  	_ =	swait.ge [sflag:s7], $0x15400  }
0x175: {  	s18 =	sshll.u32 s18, $0x4;
	[sflag:s7] =	ssyncset.done $0x0  }
0x176: {  	s18 =	sadd.s32 s1, s18;
	[sflag:s7] =	ssyncadd.s32 $0xFFFEAC00  }
0x177: {  	[hbm4b:s18+s2] =	stream.linear.scatter [tilespmem:s6], [sflag:$0x2], $0x15400, $0x38;
	[tilespmem:$0x15700] =	vst v63  }
0x178: {  	s20 =	sadd.s32 $0x4510, s0;
	_ =	swait.ge [sflag:s3], $0x15400  }
0x179: {  	s19 =	sshrl.u32 s20, $0x3;
	[sflag:s3] =	ssyncset.done $0x0  }
0x17a: {  	s19 =	sadd.s32 s30, s19;
	[sflag:s3] =	ssyncadd.s32 $0xFFFEAC00  }
0x17b: {  	[tilespmem:s2], [sflag:$0x2] =	stream.linear.gather [hbm4b:s19+s2], $0x2A8, $0x38;
	[tilespmem:$0x15700] =	vst v63  }
0x17c: {  	_ =	swait.ge [sflag:s3], $0x2A8  }
0x17d: {  	[sflag:s3] =	ssyncset.done $0x0  }
0x17e: {  	[sflag:s3] =	ssyncadd.s32 $0xFFFFFD58  }
0x17f: {  	[tilespmem:s6], [sflag:$0x1] =	stream.indirect.gather [hbm4b:s4+s5], $0x80, s2, s5, $0xb8;
	[tilespmem:$0x15700] =	vst v63  }
0x180: {  	_ =	swait.ge [sflag:s7], $0x15400  }
0x181: {  	s20 =	sshll.u32 s20, $0x4;
	[sflag:s7] =	ssyncset.done $0x0  }
0x182: {  	s20 =	sadd.s32 s1, s20;
	[sflag:s7] =	ssyncadd.s32 $0xFFFEAC00  }
0x183: {  	[hbm4b:s20+s2] =	stream.linear.scatter [tilespmem:s6], [sflag:$0x2], $0x15400, $0x38;
	[tilespmem:$0x15700] =	vst v63  }
0x184: {  	s22 =	sadd.s32 $0x47B8, s0;
	_ =	swait.ge [sflag:s3], $0x15400  }
0x185: {  	s21 =	sshrl.u32 s22, $0x3;
	[sflag:s3] =	ssyncset.done $0x0  }
0x186: {  	s21 =	sadd.s32 s30, s21;
	[sflag:s3] =	ssyncadd.s32 $0xFFFEAC00  }
0x187: {  	[tilespmem:s2], [sflag:$0x2] =	stream.linear.gather [hbm4b:s21+s2], $0x2A8, $0x38;
	[tilespmem:$0x15700] =	vst v63  }
0x188: {  	_ =	swait.ge [sflag:s3], $0x2A8  }
0x189: {  	[sflag:s3] =	ssyncset.done $0x0  }
0x18a: {  	[sflag:s3] =	ssyncadd.s32 $0xFFFFFD58  }
0x18b: {  	[tilespmem:s6], [sflag:$0x1] =	stream.indirect.gather [hbm4b:s4+s5], $0x80, s2, s5, $0xb8;
	[tilespmem:$0x15700] =	vst v63  }
0x18c: {  	_ =	swait.ge [sflag:s7], $0x15400  }
0x18d: {  	s22 =	sshll.u32 s22, $0x4;
	[sflag:s7] =	ssyncset.done $0x0  }
0x18e: {  	s22 =	sadd.s32 s1, s22;
	[sflag:s7] =	ssyncadd.s32 $0xFFFEAC00  }
0x18f: {  	[hbm4b:s22+s2] =	stream.linear.scatter [tilespmem:s6], [sflag:$0x2], $0x15400, $0x38;
	[tilespmem:$0x15700] =	vst v63  }
0x190: {  	s24 =	sadd.s32 $0x4A60, s0;
	_ =	swait.ge [sflag:s3], $0x15400  }
0x191: {  	s23 =	sshrl.u32 s24, $0x3;
	[sflag:s3] =	ssyncset.done $0x0  }
0x192: {  	s23 =	sadd.s32 s30, s23;
	[sflag:s3] =	ssyncadd.s32 $0xFFFEAC00  }
0x193: {  	[tilespmem:s2], [sflag:$0x2] =	stream.linear.gather [hbm4b:s23+s2], $0x2A8, $0x38;
	[tilespmem:$0x15700] =	vst v63  }
0x194: {  	_ =	swait.ge [sflag:s3], $0x2A8  }
0x195: {  	[sflag:s3] =	ssyncset.done $0x0  }
0x196: {  	[sflag:s3] =	ssyncadd.s32 $0xFFFFFD58  }
0x197: {  	[tilespmem:s6], [sflag:$0x1] =	stream.indirect.gather [hbm4b:s4+s5], $0x80, s2, s5, $0xb8;
	[tilespmem:$0x15700] =	vst v63  }
0x198: {  	_ =	swait.ge [sflag:s7], $0x15400  }
0x199: {  	s24 =	sshll.u32 s24, $0x4;
	[sflag:s7] =	ssyncset.done $0x0  }
0x19a: {  	s24 =	sadd.s32 s1, s24;
	[sflag:s7] =	ssyncadd.s32 $0xFFFEAC00  }
0x19b: {  	[hbm4b:s24+s2] =	stream.linear.scatter [tilespmem:s6], [sflag:$0x2], $0x15400, $0x38;
	[tilespmem:$0x15700] =	vst v63  }
0x19c: {  	s26 =	sadd.s32 $0x4D08, s0;
	_ =	swait.ge [sflag:s3], $0x15400  }
0x19d: {  	s25 =	sshrl.u32 s26, $0x3;
	[sflag:s3] =	ssyncset.done $0x0  }
0x19e: {  	s25 =	sadd.s32 s30, s25;
	[sflag:s3] =	ssyncadd.s32 $0xFFFEAC00  }
0x19f: {  	[tilespmem:s2], [sflag:$0x2] =	stream.linear.gather [hbm4b:s25+s2], $0x2A8, $0x38;
	[tilespmem:$0x15700] =	vst v63  }
0x1a0: {  	_ =	swait.ge [sflag:s3], $0x2A8  }
0x1a1: {  	[sflag:s3] =	ssyncset.done $0x0  }
0x1a2: {  	[sflag:s3] =	ssyncadd.s32 $0xFFFFFD58  }
0x1a3: {  	[tilespmem:s6], [sflag:$0x1] =	stream.indirect.gather [hbm4b:s4+s5], $0x80, s2, s5, $0xb8;
	[tilespmem:$0x15700] =	vst v63  }
0x1a4: {  	_ =	swait.ge [sflag:s7], $0x15400  }
0x1a5: {  	s26 =	sshll.u32 s26, $0x4;
	[sflag:s7] =	ssyncset.done $0x0  }
0x1a6: {  	s26 =	sadd.s32 s1, s26;
	[smem:$0x7FD] =	sst s1;
	[sflag:s7] =	ssyncadd.s32 $0xFFFEAC00  }
0x1a7: {  	[hbm4b:s26+s2] =	stream.linear.scatter [tilespmem:s6], [sflag:$0x2], $0x15400, $0x38;
	[tilespmem:$0x15700] =	vst v63  }
0x1a8: {  	s29 =	sadd.s32 $0x4FB0, s0;
	_ =	swait.ge [sflag:s3], $0x15400  }
0x1a9: {  	s28 =	sshrl.u32 s29, $0x3;
	[sflag:s3] =	ssyncset.done $0x0  }
0x1aa: {  	s28 =	sadd.s32 s30, s28;
	[sflag:s3] =	ssyncadd.s32 $0xFFFEAC00  }
0x1ab: {  	[tilespmem:s2], [sflag:$0x2] =	stream.linear.gather [hbm4b:s28+s2], $0x2A8, $0x38;
	[tilespmem:$0x15700] =	vst v63  }
0x1ac: {  	_ =	swait.ge [sflag:s3], $0x2A8  }
0x1ad: {  	[sflag:s3] =	ssyncset.done $0x0  }
0x1ae: {  	[sflag:s3] =	ssyncadd.s32 $0xFFFFFD58  }
0x1af: {  	[tilespmem:s6], [sflag:$0x1] =	stream.indirect.gather [hbm4b:s4+s5], $0x80, s2, s5, $0xb8;
	[tilespmem:$0x15700] =	vst v63  }
0x1b0: {  	_ =	swait.ge [sflag:s7], $0x15400  }
0x1b1: {  	s29 =	sshll.u32 s29, $0x4;
	[sflag:s7] =	ssyncset.done $0x0  }
0x1b2: {  	s29 =	sadd.s32 s1, s29;
	[sflag:s7] =	ssyncadd.s32 $0xFFFEAC00  }
0x1b3: {  	[hbm4b:s29+s2] =	stream.linear.scatter [tilespmem:s6], [sflag:$0x2], $0x15400, $0x38;
	[tilespmem:$0x15700] =	vst v63  }
0x1b4: {  	s0 =	sadd.s32 $0x5258, s0;
	_ =	swait.ge [sflag:s3], $0x15400  }
0x1b5: {  	s1 =	sshrl.u32 s0, $0x3;
	[sflag:s3] =	ssyncset.done $0x0  }
0x1b6: {  	s30 =	sadd.s32 s30, s1;
	[sflag:s3] =	ssyncadd.s32 $0xFFFEAC00  }
0x1b7: {  	[tilespmem:s2], [sflag:$0x2] =	stream.linear.gather [hbm4b:s30+s2], $0x2A8, $0x38;
	[tilespmem:$0x15700] =	vst v63  }
0x1b8: {  	s1 =	ssub.s32 $0x2, s31;
	_ =	swait.ge [sflag:s3], $0x2A8  }
0x1b9: {  	s31 =	sshrl.u32 s1, $0x1;
	[sflag:s3] =	ssyncset.done $0x0  }
0x1ba: {  	s1 =	ssub.s32 s1, s31;
	[sflag:s3] =	ssyncadd.s32 $0xFFFFFD58  }
0x1bb: {  	[tilespmem:s6], [sflag:$0x1] =	stream.indirect.gather [hbm4b:s4+s5], $0x80, s2, s5, $0xb8;
	[tilespmem:$0x15700] =	vst v63  }
0x1bc: {  	s1 =	smax.u32 s1, $0x1;
	_ =	swait.ge [sflag:s7], $0x15400  }
0x1bd: {  	p0 =	sne.s32 s1, $0x1;
	s31 =	sld [smem:$0x7FD]  }
.Ltmp0:
0x1be: {  	_ = 	snop;
	(pc) =	sbr.rel @!p0 .LBB2_2-.Ltmp0, $4  }
0x1bf: {  	s0 =	sshll.u32 s0, $0x4;
	[sflag:s7] =	ssyncset.done $0x0  }
0x1c0: {  	[sflag:s7] =	ssyncadd.s32 $0xFFFEAC00;
	s31 =	sadd.s32 s31, s0  }
0x1c1: {  	[hbm4b:s31+s2] =	stream.linear.scatter [tilespmem:s6], [sflag:$0x2], $0x15400, $0x38;
	[tilespmem:$0x15700] =	vst v63  }
0x1c2: {  	s1 =	sadd.s32 $0xFFFFFFFF, s1;
	_ =	swait.ge [sflag:s3], $0x15400  }
.LBB2_1:
0x1c3: {  	[sflag:s3] =	ssyncset.done $0x0  }
0x1c4: {  	s0 =	rddreg [dreg:$0x3];
	[sflag:s3] =	ssyncadd.s32 $0xFFFEAC00  }
0x1c5: {  	[tilespmem:s2], [sflag:$0x2] =	stream.linear.gather [hbm4b:s0+s2], $0x2A8, $0x38;
	[tilespmem:$0x15700] =	vst v63  }
0x1c6: {  	_ =	swait.ge [sflag:s3], $0x2A8  }
0x1c7: {  	[sflag:s3] =	ssyncset.done $0x0  }
0x1c8: {  	[sflag:s3] =	ssyncadd.s32 $0xFFFFFD58  }
0x1c9: {  	[tilespmem:s6], [sflag:$0x1] =	stream.indirect.gather [hbm4b:s4+s5], $0x80, s2, s5, $0xb8;
	[tilespmem:$0x15700] =	vst v63  }
0x1ca: {  	_ =	swait.ge [sflag:s7], $0x15400  }
0x1cb: {  	[sflag:s7] =	ssyncset.done $0x0  }
0x1cc: {  	s0 =	rddreg [dreg:$0x4];
	[sflag:s7] =	ssyncadd.s32 $0xFFFEAC00  }
0x1cd: {  	[hbm4b:s0+s2] =	stream.linear.scatter [tilespmem:s6], [sflag:$0x2], $0x15400, $0x38;
	[tilespmem:$0x15700] =	vst v63  }
0x1ce: {  	_ =	swait.ge [sflag:s3], $0x15400  }
0x1cf: {  	[sflag:s3] =	ssyncset.done $0x0  }
0x1d0: {  	s0 =	rddreg [dreg:$0x5];
	[sflag:s3] =	ssyncadd.s32 $0xFFFEAC00  }
0x1d1: {  	[tilespmem:s2], [sflag:$0x2] =	stream.linear.gather [hbm4b:s0+s2], $0x2A8, $0x38;
	[tilespmem:$0x15700] =	vst v63  }
0x1d2: {  	_ =	swait.ge [sflag:s3], $0x2A8  }
0x1d3: {  	[sflag:s3] =	ssyncset.done $0x0  }
0x1d4: {  	[sflag:s3] =	ssyncadd.s32 $0xFFFFFD58  }
0x1d5: {  	[tilespmem:s6], [sflag:$0x1] =	stream.indirect.gather [hbm4b:s4+s5], $0x80, s2, s5, $0xb8;
	[tilespmem:$0x15700] =	vst v63  }
0x1d6: {  	_ =	swait.ge [sflag:s7], $0x15400  }
0x1d7: {  	[sflag:s7] =	ssyncset.done $0x0  }
0x1d8: {  	s0 =	rddreg [dreg:$0x6];
	[sflag:s7] =	ssyncadd.s32 $0xFFFEAC00  }
0x1d9: {  	[hbm4b:s0+s2] =	stream.linear.scatter [tilespmem:s6], [sflag:$0x2], $0x15400, $0x38;
	[tilespmem:$0x15700] =	vst v63  }
0x1da: {  	_ =	swait.ge [sflag:s3], $0x15400  }
0x1db: {  	[sflag:s3] =	ssyncset.done $0x0  }
0x1dc: {  	s0 =	rddreg [dreg:$0x7];
	[sflag:s3] =	ssyncadd.s32 $0xFFFEAC00  }
0x1dd: {  	[tilespmem:s2], [sflag:$0x2] =	stream.linear.gather [hbm4b:s0+s2], $0x2A8, $0x38;
	[tilespmem:$0x15700] =	vst v63  }
0x1de: {  	_ =	swait.ge [sflag:s3], $0x2A8  }
0x1df: {  	[sflag:s3] =	ssyncset.done $0x0  }
0x1e0: {  	[sflag:s3] =	ssyncadd.s32 $0xFFFFFD58  }
0x1e1: {  	[tilespmem:s6], [sflag:$0x1] =	stream.indirect.gather [hbm4b:s4+s5], $0x80, s2, s5, $0xb8;
	[tilespmem:$0x15700] =	vst v63  }
0x1e2: {  	_ =	swait.ge [sflag:s7], $0x15400  }
0x1e3: {  	[sflag:s7] =	ssyncset.done $0x0  }
0x1e4: {  	s0 =	rddreg [dreg:$0x8];
	[sflag:s7] =	ssyncadd.s32 $0xFFFEAC00  }
0x1e5: {  	[hbm4b:s0+s2] =	stream.linear.scatter [tilespmem:s6], [sflag:$0x2], $0x15400, $0x38;
	[tilespmem:$0x15700] =	vst v63  }
0x1e6: {  	_ =	swait.ge [sflag:s3], $0x15400  }
0x1e7: {  	[sflag:s3] =	ssyncset.done $0x0  }
0x1e8: {  	s0 =	rddreg [dreg:$0x9];
	[sflag:s3] =	ssyncadd.s32 $0xFFFEAC00  }
0x1e9: {  	[tilespmem:s2], [sflag:$0x2] =	stream.linear.gather [hbm4b:s0+s2], $0x2A8, $0x38;
	[tilespmem:$0x15700] =	vst v63  }
0x1ea: {  	_ =	swait.ge [sflag:s3], $0x2A8  }
0x1eb: {  	[sflag:s3] =	ssyncset.done $0x0  }
0x1ec: {  	[sflag:s3] =	ssyncadd.s32 $0xFFFFFD58  }
0x1ed: {  	[tilespmem:s6], [sflag:$0x1] =	stream.indirect.gather [hbm4b:s4+s5], $0x80, s2, s5, $0xb8;
	[tilespmem:$0x15700] =	vst v63  }
0x1ee: {  	_ =	swait.ge [sflag:s7], $0x15400  }
0x1ef: {  	[sflag:s7] =	ssyncset.done $0x0  }
0x1f0: {  	s0 =	rddreg [dreg:$0xa];
	[sflag:s7] =	ssyncadd.s32 $0xFFFEAC00  }
0x1f1: {  	[hbm4b:s0+s2] =	stream.linear.scatter [tilespmem:s6], [sflag:$0x2], $0x15400, $0x38;
	[tilespmem:$0x15700] =	vst v63  }
0x1f2: {  	_ =	swait.ge [sflag:s3], $0x15400  }
0x1f3: {  	[sflag:s3] =	ssyncset.done $0x0  }
0x1f4: {  	s0 =	rddreg [dreg:$0xb];
	[sflag:s3] =	ssyncadd.s32 $0xFFFEAC00  }
0x1f5: {  	[tilespmem:s2], [sflag:$0x2] =	stream.linear.gather [hbm4b:s0+s2], $0x2A8, $0x38;
	[tilespmem:$0x15700] =	vst v63  }
0x1f6: {  	_ =	swait.ge [sflag:s3], $0x2A8  }
0x1f7: {  	[sflag:s3] =	ssyncset.done $0x0  }
0x1f8: {  	[sflag:s3] =	ssyncadd.s32 $0xFFFFFD58  }
0x1f9: {  	[tilespmem:s6], [sflag:$0x1] =	stream.indirect.gather [hbm4b:s4+s5], $0x80, s2, s5, $0xb8;
	[tilespmem:$0x15700] =	vst v63  }
0x1fa: {  	_ =	swait.ge [sflag:s7], $0x15400  }
0x1fb: {  	[sflag:s7] =	ssyncset.done $0x0  }
0x1fc: {  	s0 =	rddreg [dreg:$0xc];
	[sflag:s7] =	ssyncadd.s32 $0xFFFEAC00  }
0x1fd: {  	[hbm4b:s0+s2] =	stream.linear.scatter [tilespmem:s6], [sflag:$0x2], $0x15400, $0x38;
	[tilespmem:$0x15700] =	vst v63  }
0x1fe: {  	_ =	swait.ge [sflag:s3], $0x15400  }
0x1ff: {  	[sflag:s3] =	ssyncset.done $0x0  }
0x200: {  	s0 =	rddreg [dreg:$0xd];
	[sflag:s3] =	ssyncadd.s32 $0xFFFEAC00  }
0x201: {  	[tilespmem:s2], [sflag:$0x2] =	stream.linear.gather [hbm4b:s0+s2], $0x2A8, $0x38;
	[tilespmem:$0x15700] =	vst v63  }
0x202: {  	_ =	swait.ge [sflag:s3], $0x2A8  }
0x203: {  	[sflag:s3] =	ssyncset.done $0x0  }
0x204: {  	[sflag:s3] =	ssyncadd.s32 $0xFFFFFD58  }
0x205: {  	[tilespmem:s6], [sflag:$0x1] =	stream.indirect.gather [hbm4b:s4+s5], $0x80, s2, s5, $0xb8;
	[tilespmem:$0x15700] =	vst v63  }
0x206: {  	_ =	swait.ge [sflag:s7], $0x15400  }
0x207: {  	[sflag:s7] =	ssyncset.done $0x0  }
0x208: {  	s0 =	rddreg [dreg:$0xe];
	[sflag:s7] =	ssyncadd.s32 $0xFFFEAC00  }
0x209: {  	[hbm4b:s0+s2] =	stream.linear.scatter [tilespmem:s6], [sflag:$0x2], $0x15400, $0x38;
	[tilespmem:$0x15700] =	vst v63  }
0x20a: {  	_ =	swait.ge [sflag:s3], $0x15400  }
0x20b: {  	[sflag:s3] =	ssyncset.done $0x0  }
0x20c: {  	s0 =	rddreg [dreg:$0xf];
	[sflag:s3] =	ssyncadd.s32 $0xFFFEAC00  }
0x20d: {  	[tilespmem:s2], [sflag:$0x2] =	stream.linear.gather [hbm4b:s0+s2], $0x2A8, $0x38;
	[tilespmem:$0x15700] =	vst v63  }
0x20e: {  	_ =	swait.ge [sflag:s3], $0x2A8  }
0x20f: {  	[sflag:s3] =	ssyncset.done $0x0  }
0x210: {  	[sflag:s3] =	ssyncadd.s32 $0xFFFFFD58  }
0x211: {  	[tilespmem:s6], [sflag:$0x1] =	stream.indirect.gather [hbm4b:s4+s5], $0x80, s2, s5, $0xb8;
	[tilespmem:$0x15700] =	vst v63  }
0x212: {  	_ =	swait.ge [sflag:s7], $0x15400  }
0x213: {  	[sflag:s7] =	ssyncset.done $0x0  }
0x214: {  	s0 =	rddreg [dreg:$0x10];
	[sflag:s7] =	ssyncadd.s32 $0xFFFEAC00  }
0x215: {  	[hbm4b:s0+s2] =	stream.linear.scatter [tilespmem:s6], [sflag:$0x2], $0x15400, $0x38;
	[tilespmem:$0x15700] =	vst v63  }
0x216: {  	_ =	swait.ge [sflag:s3], $0x15400  }
0x217: {  	[sflag:s3] =	ssyncset.done $0x0  }
0x218: {  	s0 =	rddreg [dreg:$0x11];
	[sflag:s3] =	ssyncadd.s32 $0xFFFEAC00  }
0x219: {  	[tilespmem:s2], [sflag:$0x2] =	stream.linear.gather [hbm4b:s0+s2], $0x2A8, $0x38;
	[tilespmem:$0x15700] =	vst v63  }
0x21a: {  	_ =	swait.ge [sflag:s3], $0x2A8  }
0x21b: {  	[sflag:s3] =	ssyncset.done $0x0  }
0x21c: {  	[sflag:s3] =	ssyncadd.s32 $0xFFFFFD58  }
0x21d: {  	[tilespmem:s6], [sflag:$0x1] =	stream.indirect.gather [hbm4b:s4+s5], $0x80, s2, s5, $0xb8;
	[tilespmem:$0x15700] =	vst v63  }
0x21e: {  	_ =	swait.ge [sflag:s7], $0x15400  }
0x21f: {  	[sflag:s7] =	ssyncset.done $0x0  }
0x220: {  	s0 =	rddreg [dreg:$0x12];
	[sflag:s7] =	ssyncadd.s32 $0xFFFEAC00  }
0x221: {  	[hbm4b:s0+s2] =	stream.linear.scatter [tilespmem:s6], [sflag:$0x2], $0x15400, $0x38;
	[tilespmem:$0x15700] =	vst v63  }
0x222: {  	_ =	swait.ge [sflag:s3], $0x15400  }
0x223: {  	[sflag:s3] =	ssyncset.done $0x0  }
0x224: {  	s0 =	rddreg [dreg:$0x13];
	[sflag:s3] =	ssyncadd.s32 $0xFFFEAC00  }
0x225: {  	[tilespmem:s2], [sflag:$0x2] =	stream.linear.gather [hbm4b:s0+s2], $0x2A8, $0x38;
	[tilespmem:$0x15700] =	vst v63  }
0x226: {  	_ =	swait.ge [sflag:s3], $0x2A8  }
0x227: {  	[sflag:s3] =	ssyncset.done $0x0  }
0x228: {  	[sflag:s3] =	ssyncadd.s32 $0xFFFFFD58  }
0x229: {  	[tilespmem:s6], [sflag:$0x1] =	stream.indirect.gather [hbm4b:s4+s5], $0x80, s2, s5, $0xb8;
	[tilespmem:$0x15700] =	vst v63  }
0x22a: {  	_ =	swait.ge [sflag:s7], $0x15400  }
0x22b: {  	[sflag:s7] =	ssyncset.done $0x0  }
0x22c: {  	s0 =	rddreg [dreg:$0x14];
	[sflag:s7] =	ssyncadd.s32 $0xFFFEAC00  }
0x22d: {  	[hbm4b:s0+s2] =	stream.linear.scatter [tilespmem:s6], [sflag:$0x2], $0x15400, $0x38;
	[tilespmem:$0x15700] =	vst v63  }
0x22e: {  	_ =	swait.ge [sflag:s3], $0x15400  }
0x22f: {  	[sflag:s3] =	ssyncset.done $0x0  }
0x230: {  	s0 =	rddreg [dreg:$0x15];
	[sflag:s3] =	ssyncadd.s32 $0xFFFEAC00  }
0x231: {  	[tilespmem:s2], [sflag:$0x2] =	stream.linear.gather [hbm4b:s0+s2], $0x2A8, $0x38;
	[tilespmem:$0x15700] =	vst v63  }
0x232: {  	_ =	swait.ge [sflag:s3], $0x2A8  }
0x233: {  	[sflag:s3] =	ssyncset.done $0x0  }
0x234: {  	[sflag:s3] =	ssyncadd.s32 $0xFFFFFD58  }
0x235: {  	[tilespmem:s6], [sflag:$0x1] =	stream.indirect.gather [hbm4b:s4+s5], $0x80, s2, s5, $0xb8;
	[tilespmem:$0x15700] =	vst v63  }
0x236: {  	_ =	swait.ge [sflag:s7], $0x15400  }
0x237: {  	[sflag:s7] =	ssyncset.done $0x0  }
0x238: {  	s0 =	rddreg [dreg:$0x16];
	[sflag:s7] =	ssyncadd.s32 $0xFFFEAC00  }
0x239: {  	[hbm4b:s0+s2] =	stream.linear.scatter [tilespmem:s6], [sflag:$0x2], $0x15400, $0x38;
	[tilespmem:$0x15700] =	vst v63  }
0x23a: {  	_ =	swait.ge [sflag:s3], $0x15400  }
0x23b: {  	[sflag:s3] =	ssyncset.done $0x0  }
0x23c: {  	s0 =	rddreg [dreg:$0x17];
	[sflag:s3] =	ssyncadd.s32 $0xFFFEAC00  }
0x23d: {  	[tilespmem:s2], [sflag:$0x2] =	stream.linear.gather [hbm4b:s0+s2], $0x2A8, $0x38;
	[tilespmem:$0x15700] =	vst v63  }
0x23e: {  	_ =	swait.ge [sflag:s3], $0x2A8  }
0x23f: {  	[sflag:s3] =	ssyncset.done $0x0  }
0x240: {  	[sflag:s3] =	ssyncadd.s32 $0xFFFFFD58  }
0x241: {  	[tilespmem:s6], [sflag:$0x1] =	stream.indirect.gather [hbm4b:s4+s5], $0x80, s2, s5, $0xb8;
	[tilespmem:$0x15700] =	vst v63  }
0x242: {  	_ =	swait.ge [sflag:s7], $0x15400  }
0x243: {  	[sflag:s7] =	ssyncset.done $0x0  }
0x244: {  	s0 =	rddreg [dreg:$0x18];
	[sflag:s7] =	ssyncadd.s32 $0xFFFEAC00  }
0x245: {  	[hbm4b:s0+s2] =	stream.linear.scatter [tilespmem:s6], [sflag:$0x2], $0x15400, $0x38;
	[tilespmem:$0x15700] =	vst v63  }
0x246: {  	_ =	swait.ge [sflag:s3], $0x15400  }
0x247: {  	[sflag:s3] =	ssyncset.done $0x0  }
0x248: {  	s0 =	rddreg [dreg:$0x19];
	[sflag:s3] =	ssyncadd.s32 $0xFFFEAC00  }
0x249: {  	[tilespmem:s2], [sflag:$0x2] =	stream.linear.gather [hbm4b:s0+s2], $0x2A8, $0x38;
	[tilespmem:$0x15700] =	vst v63  }
0x24a: {  	_ =	swait.ge [sflag:s3], $0x2A8  }
0x24b: {  	[sflag:s3] =	ssyncset.done $0x0  }
0x24c: {  	[sflag:s3] =	ssyncadd.s32 $0xFFFFFD58  }
0x24d: {  	[tilespmem:s6], [sflag:$0x1] =	stream.indirect.gather [hbm4b:s4+s5], $0x80, s2, s5, $0xb8;
	[tilespmem:$0x15700] =	vst v63  }
0x24e: {  	_ =	swait.ge [sflag:s7], $0x15400  }
0x24f: {  	[sflag:s7] =	ssyncset.done $0x0  }
0x250: {  	s0 =	rddreg [dreg:$0x1a];
	[sflag:s7] =	ssyncadd.s32 $0xFFFEAC00  }
0x251: {  	[hbm4b:s0+s2] =	stream.linear.scatter [tilespmem:s6], [sflag:$0x2], $0x15400, $0x38;
	[tilespmem:$0x15700] =	vst v63  }
0x252: {  	_ =	swait.ge [sflag:s3], $0x15400  }
0x253: {  	[sflag:s3] =	ssyncset.done $0x0  }
0x254: {  	s0 =	rddreg [dreg:$0x1b];
	[sflag:s3] =	ssyncadd.s32 $0xFFFEAC00  }
0x255: {  	[tilespmem:s2], [sflag:$0x2] =	stream.linear.gather [hbm4b:s0+s2], $0x2A8, $0x38;
	[tilespmem:$0x15700] =	vst v63  }
0x256: {  	_ =	swait.ge [sflag:s3], $0x2A8  }
0x257: {  	[sflag:s3] =	ssyncset.done $0x0  }
0x258: {  	[sflag:s3] =	ssyncadd.s32 $0xFFFFFD58  }
0x259: {  	[tilespmem:s6], [sflag:$0x1] =	stream.indirect.gather [hbm4b:s4+s5], $0x80, s2, s5, $0xb8;
	[tilespmem:$0x15700] =	vst v63  }
0x25a: {  	_ =	swait.ge [sflag:s7], $0x15400  }
0x25b: {  	[sflag:s7] =	ssyncset.done $0x0  }
0x25c: {  	s0 =	rddreg [dreg:$0x1c];
	[sflag:s7] =	ssyncadd.s32 $0xFFFEAC00  }
0x25d: {  	[hbm4b:s0+s2] =	stream.linear.scatter [tilespmem:s6], [sflag:$0x2], $0x15400, $0x38;
	[tilespmem:$0x15700] =	vst v63  }
0x25e: {  	_ =	swait.ge [sflag:s3], $0x15400  }
0x25f: {  	[sflag:s3] =	ssyncset.done $0x0  }
0x260: {  	s0 =	rddreg [dreg:$0x1d];
	[sflag:s3] =	ssyncadd.s32 $0xFFFEAC00  }
0x261: {  	[tilespmem:s2], [sflag:$0x2] =	stream.linear.gather [hbm4b:s0+s2], $0x2A8, $0x38;
	[tilespmem:$0x15700] =	vst v63  }
0x262: {  	_ =	swait.ge [sflag:s3], $0x2A8  }
0x263: {  	[sflag:s3] =	ssyncset.done $0x0  }
0x264: {  	[sflag:s3] =	ssyncadd.s32 $0xFFFFFD58  }
0x265: {  	[tilespmem:s6], [sflag:$0x1] =	stream.indirect.gather [hbm4b:s4+s5], $0x80, s2, s5, $0xb8;
	[tilespmem:$0x15700] =	vst v63  }
0x266: {  	_ =	swait.ge [sflag:s7], $0x15400  }
0x267: {  	[sflag:s7] =	ssyncset.done $0x0  }
0x268: {  	s0 =	rddreg [dreg:$0x1e];
	[sflag:s7] =	ssyncadd.s32 $0xFFFEAC00  }
0x269: {  	[hbm4b:s0+s2] =	stream.linear.scatter [tilespmem:s6], [sflag:$0x2], $0x15400, $0x38;
	[tilespmem:$0x15700] =	vst v63  }
0x26a: {  	_ =	swait.ge [sflag:s3], $0x15400  }
0x26b: {  	[sflag:s3] =	ssyncset.done $0x0  }
0x26c: {  	s0 =	rddreg [dreg:$0x1f];
	[sflag:s3] =	ssyncadd.s32 $0xFFFEAC00  }
0x26d: {  	[tilespmem:s2], [sflag:$0x2] =	stream.linear.gather [hbm4b:s0+s2], $0x2A8, $0x38;
	[tilespmem:$0x15700] =	vst v63  }
0x26e: {  	_ =	swait.ge [sflag:s3], $0x2A8  }
0x26f: {  	[sflag:s3] =	ssyncset.done $0x0  }
0x270: {  	[sflag:s3] =	ssyncadd.s32 $0xFFFFFD58  }
0x271: {  	[tilespmem:s6], [sflag:$0x1] =	stream.indirect.gather [hbm4b:s4+s5], $0x80, s2, s5, $0xb8;
	[tilespmem:$0x15700] =	vst v63  }
0x272: {  	_ =	swait.ge [sflag:s7], $0x15400  }
0x273: {  	s0 =	sld [smem:$0x7F1]  }
0x274: {  	[sflag:s7] =	ssyncset.done $0x0  }
0x275: {  	[sflag:s7] =	ssyncadd.s32 $0xFFFEAC00  }
0x276: {  	[hbm4b:s0+s2] =	stream.linear.scatter [tilespmem:s6], [sflag:$0x2], $0x15400, $0x38;
	[tilespmem:$0x15700] =	vst v63  }
0x277: {  	_ =	swait.ge [sflag:s3], $0x15400  }
0x278: {  	s0 =	sld [smem:$0x7F2]  }
0x279: {  	[sflag:s3] =	ssyncset.done $0x0  }
0x27a: {  	[sflag:s3] =	ssyncadd.s32 $0xFFFEAC00  }
0x27b: {  	[tilespmem:s2], [sflag:$0x2] =	stream.linear.gather [hbm4b:s0+s2], $0x2A8, $0x38;
	[tilespmem:$0x15700] =	vst v63  }
0x27c: {  	_ =	swait.ge [sflag:s3], $0x2A8  }
0x27d: {  	[sflag:s3] =	ssyncset.done $0x0  }
0x27e: {  	[sflag:s3] =	ssyncadd.s32 $0xFFFFFD58  }
0x27f: {  	[tilespmem:s6], [sflag:$0x1] =	stream.indirect.gather [hbm4b:s4+s5], $0x80, s2, s5, $0xb8;
	[tilespmem:$0x15700] =	vst v63  }
0x280: {  	_ =	swait.ge [sflag:s7], $0x15400  }
0x281: {  	s0 =	sld [smem:$0x7F3]  }
0x282: {  	[sflag:s7] =	ssyncset.done $0x0  }
0x283: {  	[sflag:s7] =	ssyncadd.s32 $0xFFFEAC00  }
0x284: {  	[hbm4b:s0+s2] =	stream.linear.scatter [tilespmem:s6], [sflag:$0x2], $0x15400, $0x38;
	[tilespmem:$0x15700] =	vst v63  }
0x285: {  	_ =	swait.ge [sflag:s3], $0x15400  }
0x286: {  	s0 =	sld [smem:$0x7F4]  }
0x287: {  	[sflag:s3] =	ssyncset.done $0x0  }
0x288: {  	[sflag:s3] =	ssyncadd.s32 $0xFFFEAC00  }
0x289: {  	[tilespmem:s2], [sflag:$0x2] =	stream.linear.gather [hbm4b:s0+s2], $0x2A8, $0x38;
	[tilespmem:$0x15700] =	vst v63  }
0x28a: {  	_ =	swait.ge [sflag:s3], $0x2A8  }
0x28b: {  	[sflag:s3] =	ssyncset.done $0x0  }
0x28c: {  	[sflag:s3] =	ssyncadd.s32 $0xFFFFFD58  }
0x28d: {  	[tilespmem:s6], [sflag:$0x1] =	stream.indirect.gather [hbm4b:s4+s5], $0x80, s2, s5, $0xb8;
	[tilespmem:$0x15700] =	vst v63  }
0x28e: {  	_ =	swait.ge [sflag:s7], $0x15400  }
0x28f: {  	s0 =	sld [smem:$0x7F5]  }
0x290: {  	[sflag:s7] =	ssyncset.done $0x0  }
0x291: {  	[sflag:s7] =	ssyncadd.s32 $0xFFFEAC00  }
0x292: {  	[hbm4b:s0+s2] =	stream.linear.scatter [tilespmem:s6], [sflag:$0x2], $0x15400, $0x38;
	[tilespmem:$0x15700] =	vst v63  }
0x293: {  	_ =	swait.ge [sflag:s3], $0x15400  }
0x294: {  	s0 =	sld [smem:$0x7F6]  }
0x295: {  	[sflag:s3] =	ssyncset.done $0x0  }
0x296: {  	[sflag:s3] =	ssyncadd.s32 $0xFFFEAC00  }
0x297: {  	[tilespmem:s2], [sflag:$0x2] =	stream.linear.gather [hbm4b:s0+s2], $0x2A8, $0x38;
	[tilespmem:$0x15700] =	vst v63  }
0x298: {  	_ =	swait.ge [sflag:s3], $0x2A8  }
0x299: {  	[sflag:s3] =	ssyncset.done $0x0  }
0x29a: {  	[sflag:s3] =	ssyncadd.s32 $0xFFFFFD58  }
0x29b: {  	[tilespmem:s6], [sflag:$0x1] =	stream.indirect.gather [hbm4b:s4+s5], $0x80, s2, s5, $0xb8;
	[tilespmem:$0x15700] =	vst v63  }
0x29c: {  	_ =	swait.ge [sflag:s7], $0x15400  }
0x29d: {  	s0 =	sld [smem:$0x7F7]  }
0x29e: {  	[sflag:s7] =	ssyncset.done $0x0  }
0x29f: {  	[sflag:s7] =	ssyncadd.s32 $0xFFFEAC00  }
0x2a0: {  	[hbm4b:s0+s2] =	stream.linear.scatter [tilespmem:s6], [sflag:$0x2], $0x15400, $0x38;
	[tilespmem:$0x15700] =	vst v63  }
0x2a1: {  	_ =	swait.ge [sflag:s3], $0x15400  }
0x2a2: {  	s0 =	sld [smem:$0x7F8]  }
0x2a3: {  	[sflag:s3] =	ssyncset.done $0x0  }
0x2a4: {  	[sflag:s3] =	ssyncadd.s32 $0xFFFEAC00  }
0x2a5: {  	[tilespmem:s2], [sflag:$0x2] =	stream.linear.gather [hbm4b:s0+s2], $0x2A8, $0x38;
	[tilespmem:$0x15700] =	vst v63  }
0x2a6: {  	_ =	swait.ge [sflag:s3], $0x2A8  }
0x2a7: {  	[sflag:s3] =	ssyncset.done $0x0  }
0x2a8: {  	[sflag:s3] =	ssyncadd.s32 $0xFFFFFD58  }
0x2a9: {  	[tilespmem:s6], [sflag:$0x1] =	stream.indirect.gather [hbm4b:s4+s5], $0x80, s2, s5, $0xb8;
	[tilespmem:$0x15700] =	vst v63  }
0x2aa: {  	_ =	swait.ge [sflag:s7], $0x15400  }
0x2ab: {  	s0 =	sld [smem:$0x7F9]  }
0x2ac: {  	[sflag:s7] =	ssyncset.done $0x0  }
0x2ad: {  	[sflag:s7] =	ssyncadd.s32 $0xFFFEAC00  }
0x2ae: {  	[hbm4b:s0+s2] =	stream.linear.scatter [tilespmem:s6], [sflag:$0x2], $0x15400, $0x38;
	[tilespmem:$0x15700] =	vst v63  }
0x2af: {  	_ =	swait.ge [sflag:s3], $0x15400  }
0x2b0: {  	s0 =	sld [smem:$0x7FA]  }
0x2b1: {  	[sflag:s3] =	ssyncset.done $0x0  }
0x2b2: {  	[sflag:s3] =	ssyncadd.s32 $0xFFFEAC00  }
0x2b3: {  	[tilespmem:s2], [sflag:$0x2] =	stream.linear.gather [hbm4b:s0+s2], $0x2A8, $0x38;
	[tilespmem:$0x15700] =	vst v63  }
0x2b4: {  	_ =	swait.ge [sflag:s3], $0x2A8  }
0x2b5: {  	[sflag:s3] =	ssyncset.done $0x0  }
0x2b6: {  	[sflag:s3] =	ssyncadd.s32 $0xFFFFFD58  }
0x2b7: {  	[tilespmem:s6], [sflag:$0x1] =	stream.indirect.gather [hbm4b:s4+s5], $0x80, s2, s5, $0xb8;
	[tilespmem:$0x15700] =	vst v63  }
0x2b8: {  	_ =	swait.ge [sflag:s7], $0x15400  }
0x2b9: {  	s0 =	sld [smem:$0x7FB]  }
0x2ba: {  	[sflag:s7] =	ssyncset.done $0x0  }
0x2bb: {  	[sflag:s7] =	ssyncadd.s32 $0xFFFEAC00  }
0x2bc: {  	[hbm4b:s0+s2] =	stream.linear.scatter [tilespmem:s6], [sflag:$0x2], $0x15400, $0x38;
	[tilespmem:$0x15700] =	vst v63  }
0x2bd: {  	_ =	swait.ge [sflag:s3], $0x15400  }
0x2be: {  	s0 =	sld [smem:$0x7FC]  }
0x2bf: {  	[sflag:s3] =	ssyncset.done $0x0  }
0x2c0: {  	[sflag:s3] =	ssyncadd.s32 $0xFFFEAC00  }
0x2c1: {  	[tilespmem:s2], [sflag:$0x2] =	stream.linear.gather [hbm4b:s0+s2], $0x2A8, $0x38;
	[tilespmem:$0x15700] =	vst v63  }
0x2c2: {  	_ =	swait.ge [sflag:s3], $0x2A8  }
0x2c3: {  	[sflag:s3] =	ssyncset.done $0x0  }
0x2c4: {  	[sflag:s3] =	ssyncadd.s32 $0xFFFFFD58  }
0x2c5: {  	[tilespmem:s6], [sflag:$0x1] =	stream.indirect.gather [hbm4b:s4+s5], $0x80, s2, s5, $0xb8;
	[tilespmem:$0x15700] =	vst v63  }
0x2c6: {  	_ =	swait.ge [sflag:s7], $0x15400  }
0x2c7: {  	[sflag:s7] =	ssyncset.done $0x0  }
0x2c8: {  	[sflag:s7] =	ssyncadd.s32 $0xFFFEAC00  }
0x2c9: {  	[hbm4b:s8+s2] =	stream.linear.scatter [tilespmem:s6], [sflag:$0x2], $0x15400, $0x38;
	[tilespmem:$0x15700] =	vst v63  }
0x2ca: {  	_ =	swait.ge [sflag:s3], $0x15400  }
0x2cb: {  	[sflag:s3] =	ssyncset.done $0x0  }
0x2cc: {  	[sflag:s3] =	ssyncadd.s32 $0xFFFEAC00  }
0x2cd: {  	[tilespmem:s2], [sflag:$0x2] =	stream.linear.gather [hbm4b:s9+s2], $0x2A8, $0x38;
	[tilespmem:$0x15700] =	vst v63  }
0x2ce: {  	_ =	swait.ge [sflag:s3], $0x2A8  }
0x2cf: {  	[sflag:s3] =	ssyncset.done $0x0  }
0x2d0: {  	[sflag:s3] =	ssyncadd.s32 $0xFFFFFD58  }
0x2d1: {  	[tilespmem:s6], [sflag:$0x1] =	stream.indirect.gather [hbm4b:s4+s5], $0x80, s2, s5, $0xb8;
	[tilespmem:$0x15700] =	vst v63  }
0x2d2: {  	_ =	swait.ge [sflag:s7], $0x15400  }
0x2d3: {  	[sflag:s7] =	ssyncset.done $0x0  }
0x2d4: {  	[sflag:s7] =	ssyncadd.s32 $0xFFFEAC00  }
0x2d5: {  	[hbm4b:s10+s2] =	stream.linear.scatter [tilespmem:s6], [sflag:$0x2], $0x15400, $0x38;
	[tilespmem:$0x15700] =	vst v63  }
0x2d6: {  	_ =	swait.ge [sflag:s3], $0x15400  }
0x2d7: {  	[sflag:s3] =	ssyncset.done $0x0  }
0x2d8: {  	[sflag:s3] =	ssyncadd.s32 $0xFFFEAC00  }
0x2d9: {  	[tilespmem:s2], [sflag:$0x2] =	stream.linear.gather [hbm4b:s11+s2], $0x2A8, $0x38;
	[tilespmem:$0x15700] =	vst v63  }
0x2da: {  	_ =	swait.ge [sflag:s3], $0x2A8  }
0x2db: {  	[sflag:s3] =	ssyncset.done $0x0  }
0x2dc: {  	[sflag:s3] =	ssyncadd.s32 $0xFFFFFD58  }
0x2dd: {  	[tilespmem:s6], [sflag:$0x1] =	stream.indirect.gather [hbm4b:s4+s5], $0x80, s2, s5, $0xb8;
	[tilespmem:$0x15700] =	vst v63  }
0x2de: {  	_ =	swait.ge [sflag:s7], $0x15400  }
0x2df: {  	[sflag:s7] =	ssyncset.done $0x0  }
0x2e0: {  	[sflag:s7] =	ssyncadd.s32 $0xFFFEAC00  }
0x2e1: {  	[hbm4b:s12+s2] =	stream.linear.scatter [tilespmem:s6], [sflag:$0x2], $0x15400, $0x38;
	[tilespmem:$0x15700] =	vst v63  }
0x2e2: {  	_ =	swait.ge [sflag:s3], $0x15400  }
0x2e3: {  	[sflag:s3] =	ssyncset.done $0x0  }
0x2e4: {  	[sflag:s3] =	ssyncadd.s32 $0xFFFEAC00  }
0x2e5: {  	[tilespmem:s2], [sflag:$0x2] =	stream.linear.gather [hbm4b:s13+s2], $0x2A8, $0x38;
	[tilespmem:$0x15700] =	vst v63  }
0x2e6: {  	_ =	swait.ge [sflag:s3], $0x2A8  }
0x2e7: {  	[sflag:s3] =	ssyncset.done $0x0  }
0x2e8: {  	[sflag:s3] =	ssyncadd.s32 $0xFFFFFD58  }
0x2e9: {  	[tilespmem:s6], [sflag:$0x1] =	stream.indirect.gather [hbm4b:s4+s5], $0x80, s2, s5, $0xb8;
	[tilespmem:$0x15700] =	vst v63  }
0x2ea: {  	_ =	swait.ge [sflag:s7], $0x15400  }
0x2eb: {  	[sflag:s7] =	ssyncset.done $0x0  }
0x2ec: {  	[sflag:s7] =	ssyncadd.s32 $0xFFFEAC00  }
0x2ed: {  	[hbm4b:s14+s2] =	stream.linear.scatter [tilespmem:s6], [sflag:$0x2], $0x15400, $0x38;
	[tilespmem:$0x15700] =	vst v63  }
0x2ee: {  	_ =	swait.ge [sflag:s3], $0x15400  }
0x2ef: {  	[sflag:s3] =	ssyncset.done $0x0  }
0x2f0: {  	[sflag:s3] =	ssyncadd.s32 $0xFFFEAC00  }
0x2f1: {  	[tilespmem:s2], [sflag:$0x2] =	stream.linear.gather [hbm4b:s15+s2], $0x2A8, $0x38;
	[tilespmem:$0x15700] =	vst v63  }
0x2f2: {  	_ =	swait.ge [sflag:s3], $0x2A8  }
0x2f3: {  	[sflag:s3] =	ssyncset.done $0x0  }
0x2f4: {  	[sflag:s3] =	ssyncadd.s32 $0xFFFFFD58  }
0x2f5: {  	[tilespmem:s6], [sflag:$0x1] =	stream.indirect.gather [hbm4b:s4+s5], $0x80, s2, s5, $0xb8;
	[tilespmem:$0x15700] =	vst v63  }
0x2f6: {  	_ =	swait.ge [sflag:s7], $0x15400  }
0x2f7: {  	[sflag:s7] =	ssyncset.done $0x0  }
0x2f8: {  	[sflag:s7] =	ssyncadd.s32 $0xFFFEAC00  }
0x2f9: {  	[hbm4b:s16+s2] =	stream.linear.scatter [tilespmem:s6], [sflag:$0x2], $0x15400, $0x38;
	[tilespmem:$0x15700] =	vst v63  }
0x2fa: {  	_ =	swait.ge [sflag:s3], $0x15400  }
0x2fb: {  	[sflag:s3] =	ssyncset.done $0x0  }
0x2fc: {  	[sflag:s3] =	ssyncadd.s32 $0xFFFEAC00  }
0x2fd: {  	[tilespmem:s2], [sflag:$0x2] =	stream.linear.gather [hbm4b:s17+s2], $0x2A8, $0x38;
	[tilespmem:$0x15700] =	vst v63  }
0x2fe: {  	_ =	swait.ge [sflag:s3], $0x2A8  }
0x2ff: {  	[sflag:s3] =	ssyncset.done $0x0  }
0x300: {  	[sflag:s3] =	ssyncadd.s32 $0xFFFFFD58  }
0x301: {  	[tilespmem:s6], [sflag:$0x1] =	stream.indirect.gather [hbm4b:s4+s5], $0x80, s2, s5, $0xb8;
	[tilespmem:$0x15700] =	vst v63  }
0x302: {  	_ =	swait.ge [sflag:s7], $0x15400  }
0x303: {  	[sflag:s7] =	ssyncset.done $0x0  }
0x304: {  	[sflag:s7] =	ssyncadd.s32 $0xFFFEAC00  }
0x305: {  	[hbm4b:s18+s2] =	stream.linear.scatter [tilespmem:s6], [sflag:$0x2], $0x15400, $0x38;
	[tilespmem:$0x15700] =	vst v63  }
0x306: {  	_ =	swait.ge [sflag:s3], $0x15400  }
0x307: {  	[sflag:s3] =	ssyncset.done $0x0  }
0x308: {  	[sflag:s3] =	ssyncadd.s32 $0xFFFEAC00  }
0x309: {  	[tilespmem:s2], [sflag:$0x2] =	stream.linear.gather [hbm4b:s19+s2], $0x2A8, $0x38;
	[tilespmem:$0x15700] =	vst v63  }
0x30a: {  	_ =	swait.ge [sflag:s3], $0x2A8  }
0x30b: {  	[sflag:s3] =	ssyncset.done $0x0  }
0x30c: {  	[sflag:s3] =	ssyncadd.s32 $0xFFFFFD58  }
0x30d: {  	[tilespmem:s6], [sflag:$0x1] =	stream.indirect.gather [hbm4b:s4+s5], $0x80, s2, s5, $0xb8;
	[tilespmem:$0x15700] =	vst v63  }
0x30e: {  	_ =	swait.ge [sflag:s7], $0x15400  }
0x30f: {  	[sflag:s7] =	ssyncset.done $0x0  }
0x310: {  	[sflag:s7] =	ssyncadd.s32 $0xFFFEAC00  }
0x311: {  	[hbm4b:s20+s2] =	stream.linear.scatter [tilespmem:s6], [sflag:$0x2], $0x15400, $0x38;
	[tilespmem:$0x15700] =	vst v63  }
0x312: {  	_ =	swait.ge [sflag:s3], $0x15400  }
0x313: {  	[sflag:s3] =	ssyncset.done $0x0  }
0x314: {  	[sflag:s3] =	ssyncadd.s32 $0xFFFEAC00  }
0x315: {  	[tilespmem:s2], [sflag:$0x2] =	stream.linear.gather [hbm4b:s21+s2], $0x2A8, $0x38;
	[tilespmem:$0x15700] =	vst v63  }
0x316: {  	_ =	swait.ge [sflag:s3], $0x2A8  }
0x317: {  	[sflag:s3] =	ssyncset.done $0x0  }
0x318: {  	[sflag:s3] =	ssyncadd.s32 $0xFFFFFD58  }
0x319: {  	[tilespmem:s6], [sflag:$0x1] =	stream.indirect.gather [hbm4b:s4+s5], $0x80, s2, s5, $0xb8;
	[tilespmem:$0x15700] =	vst v63  }
0x31a: {  	_ =	swait.ge [sflag:s7], $0x15400  }
0x31b: {  	[sflag:s7] =	ssyncset.done $0x0  }
0x31c: {  	[sflag:s7] =	ssyncadd.s32 $0xFFFEAC00  }
0x31d: {  	[hbm4b:s22+s2] =	stream.linear.scatter [tilespmem:s6], [sflag:$0x2], $0x15400, $0x38;
	[tilespmem:$0x15700] =	vst v63  }
0x31e: {  	_ =	swait.ge [sflag:s3], $0x15400  }
0x31f: {  	[sflag:s3] =	ssyncset.done $0x0  }
0x320: {  	[sflag:s3] =	ssyncadd.s32 $0xFFFEAC00  }
0x321: {  	[tilespmem:s2], [sflag:$0x2] =	stream.linear.gather [hbm4b:s23+s2], $0x2A8, $0x38;
	[tilespmem:$0x15700] =	vst v63  }
0x322: {  	_ =	swait.ge [sflag:s3], $0x2A8  }
0x323: {  	[sflag:s3] =	ssyncset.done $0x0  }
0x324: {  	[sflag:s3] =	ssyncadd.s32 $0xFFFFFD58  }
0x325: {  	[tilespmem:s6], [sflag:$0x1] =	stream.indirect.gather [hbm4b:s4+s5], $0x80, s2, s5, $0xb8;
	[tilespmem:$0x15700] =	vst v63  }
0x326: {  	_ =	swait.ge [sflag:s7], $0x15400  }
0x327: {  	[sflag:s7] =	ssyncset.done $0x0  }
0x328: {  	[sflag:s7] =	ssyncadd.s32 $0xFFFEAC00  }
0x329: {  	[hbm4b:s24+s2] =	stream.linear.scatter [tilespmem:s6], [sflag:$0x2], $0x15400, $0x38;
	[tilespmem:$0x15700] =	vst v63  }
0x32a: {  	_ =	swait.ge [sflag:s3], $0x15400  }
0x32b: {  	[sflag:s3] =	ssyncset.done $0x0  }
0x32c: {  	[sflag:s3] =	ssyncadd.s32 $0xFFFEAC00  }
0x32d: {  	[tilespmem:s2], [sflag:$0x2] =	stream.linear.gather [hbm4b:s25+s2], $0x2A8, $0x38;
	[tilespmem:$0x15700] =	vst v63  }
0x32e: {  	_ =	swait.ge [sflag:s3], $0x2A8  }
0x32f: {  	[sflag:s3] =	ssyncset.done $0x0  }
0x330: {  	[sflag:s3] =	ssyncadd.s32 $0xFFFFFD58  }
0x331: {  	[tilespmem:s6], [sflag:$0x1] =	stream.indirect.gather [hbm4b:s4+s5], $0x80, s2, s5, $0xb8;
	[tilespmem:$0x15700] =	vst v63  }
0x332: {  	_ =	swait.ge [sflag:s7], $0x15400  }
0x333: {  	[sflag:s7] =	ssyncset.done $0x0  }
0x334: {  	[sflag:s7] =	ssyncadd.s32 $0xFFFEAC00  }
0x335: {  	[hbm4b:s26+s2] =	stream.linear.scatter [tilespmem:s6], [sflag:$0x2], $0x15400, $0x38;
	[tilespmem:$0x15700] =	vst v63  }
0x336: {  	_ =	swait.ge [sflag:s3], $0x15400  }
0x337: {  	[sflag:s3] =	ssyncset.done $0x0  }
0x338: {  	[sflag:s3] =	ssyncadd.s32 $0xFFFEAC00  }
0x339: {  	[tilespmem:s2], [sflag:$0x2] =	stream.linear.gather [hbm4b:s28+s2], $0x2A8, $0x38;
	[tilespmem:$0x15700] =	vst v63  }
0x33a: {  	_ =	swait.ge [sflag:s3], $0x2A8  }
0x33b: {  	[sflag:s3] =	ssyncset.done $0x0  }
0x33c: {  	[sflag:s3] =	ssyncadd.s32 $0xFFFFFD58  }
0x33d: {  	[tilespmem:s6], [sflag:$0x1] =	stream.indirect.gather [hbm4b:s4+s5], $0x80, s2, s5, $0xb8;
	[tilespmem:$0x15700] =	vst v63  }
0x33e: {  	_ =	swait.ge [sflag:s7], $0x15400  }
0x33f: {  	[sflag:s7] =	ssyncset.done $0x0  }
0x340: {  	[sflag:s7] =	ssyncadd.s32 $0xFFFEAC00  }
0x341: {  	[hbm4b:s29+s2] =	stream.linear.scatter [tilespmem:s6], [sflag:$0x2], $0x15400, $0x38;
	[tilespmem:$0x15700] =	vst v63  }
0x342: {  	_ =	swait.ge [sflag:s3], $0x15400  }
0x343: {  	[sflag:s3] =	ssyncset.done $0x0  }
0x344: {  	[sflag:s3] =	ssyncadd.s32 $0xFFFEAC00  }
0x345: {  	[tilespmem:s2], [sflag:$0x2] =	stream.linear.gather [hbm4b:s30+s2], $0x2A8, $0x38;
	[tilespmem:$0x15700] =	vst v63  }
0x346: {  	_ =	swait.ge [sflag:s3], $0x2A8  }
0x347: {  	[sflag:s3] =	ssyncset.done $0x0  }
0x348: {  	p0 =	sne.s32 s1, $0x1;
	[sflag:s3] =	ssyncadd.s32 $0xFFFFFD58  }
0x349: {  	[tilespmem:s6], [sflag:$0x1] =	stream.indirect.gather [hbm4b:s4+s5], $0x80, s2, s5, $0xb8;
	[tilespmem:$0x15700] =	vst v63  }
.Ltmp1:
0x34a: {  	_ =	swait.ge [sflag:s7], $0x15400;
	(pc) =	sbr.rel @p0 .LBB2_1-.Ltmp1, $4  }
0x34b: {  	[sflag:s7] =	ssyncset.done $0x0  }
0x34c: {  	[sflag:s7] =	ssyncadd.s32 $0xFFFEAC00  }
0x34d: {  	[hbm4b:s31+s2] =	stream.linear.scatter [tilespmem:s6], [sflag:$0x2], $0x15400, $0x38;
	[tilespmem:$0x15700] =	vst v63  }
0x34e: {  	s1 =	sadd.s32 $0xFFFFFFFF, s1;
	_ =	swait.ge [sflag:s3], $0x15400  }
.LBB2_2:
0x34f: {  	[sflag:s3] =	ssyncset.done $0x0  }
0x350: {  	[sflag:s3] =	ssyncadd.s32 $0xFFFEAC00  }
0x351: {  	_ =	sfence.sel $0x180000  }
0x352: {  	[bflag:$0x0] =	sbarrier.arrive $0xFFFF  }
0x353: {  	_ =	strace $0x90000047  }
0x354: {  	s0 =	stileid.u32;
	[bflag:$0x2] =	sbarrier.arrive $0xFFFF  }
0x355: {  	p0 =	sne.s32 s0, $0x0;
	s0 =	rddreg [dreg:$0x2]  }
0x356: {  	s0 =	sadd.s32 @!p0 $0x100000, s0  }
0x357: {  	[sflag:s0] =	ssyncadd.tile.s32 @!p0 $0x1;
	_ =	shalt  }
.Lfunc_end2:
_tile_overlayer_lowered:
.L_overlay_start_2:
0x358: {  	(tag) =	ssettag $0x2  }
0x359: {  	s0 =	rddreg [dreg:$0x0];
	s2 =	stileid.u32  }
0x35a: {  	s1 =	rddreg [dreg:$0x1];
	p0 =	sne.s32 s2, $0x0  }
0x35b: {  	s3 =	rddreg [dreg:$0x2];
	[bflag:$0x3] =	sbarrier.arrive $0xFFFF;
	s2 =	simm.s32 @!p0 $0x1C02  }
0x35c: {  	[timem:s3], [sflag:s2] =	dma.local @!p0 [hbm:s0], s1  }
0x35d: {  	s0 =	simm.s32 @!p0 $0x2  }
0x35e: {  	_ =	swait.ge @!p0 [sflag:s0], s1  }
0x35f: {  	s1 =	ssub.s32 @!p0 $0x0, s1;
	[sflag:s0] =	ssyncset.done @!p0 $0x0  }
0x360: {  	[sflag:s0] =	ssyncadd.s32 @!p0 s1  }
0x361: {  	[bflag:$0x3] =	sbarrier.arrive $0xFFFF  }
0x362: {  	_ =	shalt  }

</sc_bundles>
